<compile_context>
chip_gen: v7x
topology: tpu7x:2x2x1
jax: 0.10.2.dev20260603
libtpu: 0.0.44.dev20260713+nightly
codegen_flags: <defaults>
</compile_context>

<pallas_src>
import functools

import jax
import jax.numpy as jnp
from jax import lax
from jax.experimental import pallas as pl
from jax.experimental.pallas import tpu as pltpu
from jax.experimental.pallas import tpu_sc as plsc

NUM_BINS = 8
INV_BIN = 8.0
NUM_HEADS = 16
SIDE = 2 * NUM_BINS + 1
TABLE_SIZE = SIDE ** 3

NC, NS, L = 2, 16, 16
NW = NC * NS


def _splat(x):
    return jnp.broadcast_to(jnp.asarray(x, jnp.int32), (L,))


def _body(coords_hbm, table_hbm, out_hbm, coords_v, table_v, out_v,
          sem0, sem1, sem2, sem3, B, N):
    rows_per_w = (B * N) // NW
    tiles_per_b = N // rows_per_w
    wid = lax.axis_index("s") * NC + lax.axis_index("c")
    b = wid // tiles_per_b
    ibase = (wid % tiles_per_b) * rows_per_w

    pltpu.sync_copy(table_hbm, table_v)
    pltpu.sync_copy(coords_hbm.at[b], coords_v)

    sems = (sem0, sem1, sem2, sem3)
    n_chunks = N // L

    def splat_center(i):
        si = jnp.broadcast_to(i, (L,))
        return [plsc.load_gather(coords_v, [_splat(c), si]) + 8.5
                for c in range(3)]

    def do_pair(t2, _):
        r0 = t2 * 2
        iA, iB = ibase + r0, ibase + r0 + 1
        cA = splat_center(iA)
        cB = splat_center(iB)

        for half in range(2):
            j0 = half * (N // 2)
            mA, mB = half * 2, half * 2 + 1

            @pl.when(t2 > 0)
            def _():
                for m in (mA, mB):
                    pltpu.make_async_copy(
                        out_v.at[m], out_hbm.at[0, :, 0, pl.ds(0, N // 2)],
                        sems[m]).wait()

            @plsc.parallel_loop(0, n_chunks // 2, unroll=1)
            def chunk(jc):
                jb = jc * L
                cj = [coords_v[c, pl.ds(j0 + jb, L)] for c in range(3)]
                for (m, ci) in ((mA, cA), (mB, cB)):
                    q = [jnp.clip(ci[c] - cj[c], 0.01, 16.99)
                         for c in range(3)]
                    idx = (q[0].astype(jnp.int32) * (SIDE * SIDE)
                           + q[1].astype(jnp.int32) * SIDE
                           + q[2].astype(jnp.int32))
                    for h in range(NUM_HEADS):
                        val = plsc.load_gather(table_v, [_splat(h), idx])
                        out_v[m, h, pl.ds(jb, L)] = val

            pltpu.async_copy(
                out_v.at[mA], out_hbm.at[b, :, iA, pl.ds(j0, N // 2)],
                sems[mA])
            pltpu.async_copy(
                out_v.at[mB], out_hbm.at[b, :, iB, pl.ds(j0, N // 2)],
                sems[mB])
        return 0

    lax.fori_loop(0, rows_per_w // 2, do_pair, 0)
    for m in range(4):
        pltpu.make_async_copy(
            out_v.at[m], out_hbm.at[0, :, 0, pl.ds(0, N // 2)],
            sems[m]).wait()


def kernel(token_centers, bias_table):
    B, N, _ = token_centers.shape
    H = bias_table.shape[0]
    assert H == NUM_HEADS and bias_table.shape[1] == TABLE_SIZE
    rows_per_w = (B * N) // NW
    assert (B * N) % NW == 0 and rows_per_w % 2 == 0
    assert N % rows_per_w == 0 and N % (2 * L) == 0

    coords = jnp.transpose(token_centers, (0, 2, 1)) * INV_BIN

    mesh = plsc.VectorSubcoreMesh(
        core_axis_name="c", subcore_axis_name="s",
        num_cores=NC, num_subcores=NS)
    body = functools.partial(_body, B=B, N=N)
    f = pl.kernel(
        body,
        out_type=jax.ShapeDtypeStruct((B, H, N, N), jnp.float32),
        mesh=mesh,
        compiler_params=pltpu.CompilerParams(
            needs_layout_passes=False),
        scratch_types=[
            pltpu.VMEM((3, N), jnp.float32),
            pltpu.VMEM((H, TABLE_SIZE), jnp.float32),
            pltpu.VMEM((4, H, N // 2), jnp.float32),
            pltpu.SemaphoreType.DMA,
            pltpu.SemaphoreType.DMA,
            pltpu.SemaphoreType.DMA,
            pltpu.SemaphoreType.DMA,
        ],
    )
    return f(coords, bias_table)

# --- scband reference (transcript-rebuilt; emitter-appended) ---
"""Pipeline reference for scband-relative-positional-bias3-d-78993038508352 (READ-ONLY COPY).

The authoritative reference and input builder live on the scoring server;
editing this copy changes nothing except your own understanding.
"""

import jax, jax.numpy as jnp
import numpy as np

NUM_BINS = 8
BIN_SIZE = 0.125
NUM_HEADS = 16
TABLE_SIZE = (2 * NUM_BINS + 1) ** 3


def setup_inputs(seed: int = 0) -> dict:
    key = jax.random.key(seed)
    k1, k2 = jax.random.split(key)
    token_centers = jax.random.normal(k1, (4, 1024, 3), dtype=jnp.float32)
    # trunc_normal_(std=0.02) equivalent
    bias_table = jax.random.truncated_normal(k2, -2.0, 2.0, (NUM_HEADS, TABLE_SIZE), dtype=jnp.float32) * 0.02
    return {"token_centers": token_centers, "bias_table": bias_table}


def reference(token_centers, bias_table):
    B = token_centers.shape[0]
    N = token_centers.shape[1]
    # pairwise relative positions [B, N, N, 3] -> [B*N*N, 3]
    rel = token_centers[:, :, None, :] - token_centers[:, None, :, :]
    rel = rel.reshape(-1, 3)
    # quantize
    q = jnp.round(rel / BIN_SIZE).astype(jnp.int32)
    q = jnp.clip(q, -NUM_BINS, NUM_BINS)
    # flatten 3D bin coords to table index
    x = q[:, 0]
    y = q[:, 1]
    z = q[:, 2]
    side = 2 * NUM_BINS + 1
    idx = (x + NUM_BINS) * side * side + (y + NUM_BINS) * side + (z + NUM_BINS)
    # gather biases: [H, B*N*N]
    biases = jnp.take(bias_table, idx, axis=1)
    biases = biases.reshape(NUM_HEADS, B, N, N).transpose(1, 0, 2, 3)
    return biases

if __name__ == "__main__":
    import jax
    _d = setup_inputs()
    print(jax.jit(kernel)(*tuple(_d.values())))

</pallas_src>

<mosaic_0001>
#map = affine_map<(d0, d1) -> (0, 0, 0)>
#map1 = affine_map<(d0, d1) -> (0, 0)>
#map2 = affine_map<(d0, d1) -> (0, 0, 0, 0)>
module attributes {stable_mosaic.version = 14 : i64} {
  func.func @_body(%arg0: i32, %arg1: i32, %arg2: memref<4x3x1024xf32, #tpu.memory_space<hbm>>, %arg3: memref<16x4913xf32, #tpu.memory_space<hbm>>, %arg4: memref<4x16x1024x1024xf32, #tpu.memory_space<hbm>>, %arg5: memref<3x1024xf32, #tpu.memory_space<vmem>>, %arg6: memref<16x4913xf32, #tpu.memory_space<vmem>>, %arg7: memref<4x16x512xf32, #tpu.memory_space<vmem>>, %arg8: memref<!tpu.dma_semaphore, #tpu.memory_space<semaphore_mem>>, %arg9: memref<!tpu.dma_semaphore, #tpu.memory_space<semaphore_mem>>, %arg10: memref<!tpu.dma_semaphore, #tpu.memory_space<semaphore_mem>>, %arg11: memref<!tpu.dma_semaphore, #tpu.memory_space<semaphore_mem>>) attributes {dimension_semantics = [#tpu.dimension_semantics<core_parallel>, #tpu.dimension_semantics<subcore_parallel>], iteration_bounds = array<i64: 2, 16>, scalar_prefetch = 0 : i64, scratch_operands = 7 : i64, tpu.core_type = #tpu.core_type<sc_vector_subcore>, window_params = [{transform_indices = #map}, {transform_indices = #map1}, {transform_indices = #map2}]} {
    %mul3A = arith.constant 2 : i32
    %mul3A_0 = arith.muli %arg1, %mul3A : i32
    %add3A = arith.addi %mul3A_0, %arg0 : i32
    %jit3A = arith.constant 8 : i32
    %div3A = arith.divsi %add3A, %jit3A : i32
    %sign3A = arith.constant 0 : i32
    %sign3A_1 = arith.cmpi sgt, %add3A, %sign3A : i32
    %sign3A_2 = arith.extui %sign3A_1 : i1 to i32
    %sign3A_3 = arith.constant 0 : i32
    %sign3A_4 = arith.cmpi slt, %add3A, %sign3A_3 : i32
    %sign3A_5 = arith.extui %sign3A_4 : i1 to i32
    %sign3A_6 = arith.subi %sign3A_2, %sign3A_5 : i32
    %sign3A_7 = arith.constant 0 : i32
    %sign3A_8 = arith.cmpi sgt, %jit3A, %sign3A_7 : i32
    %sign3A_9 = arith.extui %sign3A_8 : i1 to i32
    %sign3A_10 = arith.constant 0 : i32
    %sign3A_11 = arith.cmpi slt, %jit3A, %sign3A_10 : i32
    %sign3A_12 = arith.extui %sign3A_11 : i1 to i32
    %sign3A_13 = arith.subi %sign3A_9, %sign3A_12 : i32
    %ne3A = arith.cmpi ne, %sign3A_6, %sign3A_13 : i32
    %rem3A = arith.remsi %add3A, %jit3A : i32
    %ne3A_14 = arith.constant 0 : i32
    %ne3A_15 = arith.cmpi ne, %rem3A, %ne3A_14 : i32
    %and3A = arith.andi %ne3A, %ne3A_15 : i1
    %sub3A = arith.constant 1 : i32
    %sub3A_16 = arith.subi %div3A, %sub3A : i32
    %select_n3A = arith.select %and3A, %sub3A_16, %div3A : i32
    %jit3A_17 = arith.constant 8 : i32
    %eq3A = arith.constant 0 : i32
    %eq3A_18 = arith.cmpi eq, %jit3A_17, %eq3A : i32
    %jit3A_19 = arith.constant 1 : i32
    %select_n3A_20 = arith.select %eq3A_18, %jit3A_19, %jit3A_17 : i32
    %rem3A_21 = arith.remsi %add3A, %select_n3A_20 : i32
    %ne3A_22 = arith.constant 0 : i32
    %ne3A_23 = arith.cmpi ne, %rem3A_21, %ne3A_22 : i32
    %lt3A = arith.constant 0 : i32
    %lt3A_24 = arith.cmpi slt, %rem3A_21, %lt3A : i32
    %lt3A_25 = arith.constant 0 : i32
    %lt3A_26 = arith.cmpi slt, %select_n3A_20, %lt3A_25 : i32
    %ne3A_27 = arith.xori %lt3A_24, %lt3A_26 : i1
    %and3A_28 = arith.andi %ne3A_27, %ne3A_23 : i1
    %add3A_29 = arith.addi %rem3A_21, %select_n3A_20 : i32
    %select_n3A_30 = arith.select %and3A_28, %add3A_29, %rem3A_21 : i32
    %mul3A_31 = arith.constant 128 : i32
    %mul3A_32 = arith.muli %select_n3A_30, %mul3A_31 : i32
    "tpu.region"() ({
      %run_scoped3A = tpu.sem_alloc : memref<!tpu.dma_semaphore, #tpu.memory_space<semaphore_mem>>
      tpu.enqueue_dma source(%arg3 : memref<16x4913xf32, #tpu.memory_space<hbm>>) target(%arg6 : memref<16x4913xf32, #tpu.memory_space<vmem>>) target_semaphore(%run_scoped3A : memref<!tpu.dma_semaphore, #tpu.memory_space<semaphore_mem>>)
      tpu.wait_dma2 semaphore(%run_scoped3A : memref<!tpu.dma_semaphore, #tpu.memory_space<semaphore_mem>>) src(%arg3 : memref<16x4913xf32, #tpu.memory_space<hbm>>) dst(%arg6 : memref<16x4913xf32, #tpu.memory_space<vmem>>)
      tpu.yield
    }) : () -> ()
    "tpu.region"() ({
      %run_scoped3A = tpu.sem_alloc : memref<!tpu.dma_semaphore, #tpu.memory_space<semaphore_mem>>
      %dma_start3A = arith.constant 0 : i32
      %dma_start3A_114 = arith.constant 0 : i32
      %dma_start3A_115 = tpu.memref_slice %arg2[%select_n3A, %dma_start3A, %dma_start3A_114] : memref<4x3x1024xf32, #tpu.memory_space<hbm>> -> memref<1x3x1024xf32, #tpu.memory_space<hbm>>
      %dma_start3A_116 = tpu.memref_squeeze %dma_start3A_115 : memref<1x3x1024xf32, #tpu.memory_space<hbm>> -> memref<3x1024xf32, #tpu.memory_space<hbm>>
      %dma_start3A_117 = arith.constant 0 : i32
      %dma_start3A_118 = arith.constant 0 : i32
      %dma_start3A_119 = tpu.memref_slice %arg2[%select_n3A, %dma_start3A_117, %dma_start3A_118] : memref<4x3x1024xf32, #tpu.memory_space<hbm>> -> memref<1x3x1024xf32, #tpu.memory_space<hbm>>
      %dma_start3A_120 = tpu.memref_squeeze %dma_start3A_119 : memref<1x3x1024xf32, #tpu.memory_space<hbm>> -> memref<3x1024xf32, #tpu.memory_space<hbm>>
      tpu.enqueue_dma source(%dma_start3A_120 : memref<3x1024xf32, #tpu.memory_space<hbm>>) target(%arg5 : memref<3x1024xf32, #tpu.memory_space<vmem>>) target_semaphore(%run_scoped3A : memref<!tpu.dma_semaphore, #tpu.memory_space<semaphore_mem>>)
      %dma_wait3A_121 = arith.constant 0 : i32
      %dma_wait3A_122 = arith.constant 0 : i32
      %dma_wait3A_123 = tpu.memref_slice %arg2[%select_n3A, %dma_wait3A_121, %dma_wait3A_122] : memref<4x3x1024xf32, #tpu.memory_space<hbm>> -> memref<1x3x1024xf32, #tpu.memory_space<hbm>>
      %dma_wait3A_124 = tpu.memref_squeeze %dma_wait3A_123 : memref<1x3x1024xf32, #tpu.memory_space<hbm>> -> memref<3x1024xf32, #tpu.memory_space<hbm>>
      %dma_wait3A_125 = arith.constant 0 : i32
      %dma_wait3A_126 = arith.constant 0 : i32
      %dma_wait3A_127 = tpu.memref_slice %arg2[%select_n3A, %dma_wait3A_125, %dma_wait3A_126] : memref<4x3x1024xf32, #tpu.memory_space<hbm>> -> memref<1x3x1024xf32, #tpu.memory_space<hbm>>
      %dma_wait3A_128 = tpu.memref_squeeze %dma_wait3A_127 : memref<1x3x1024xf32, #tpu.memory_space<hbm>> -> memref<3x1024xf32, #tpu.memory_space<hbm>>
      tpu.wait_dma2 semaphore(%run_scoped3A : memref<!tpu.dma_semaphore, #tpu.memory_space<semaphore_mem>>) src(%dma_wait3A_128 : memref<3x1024xf32, #tpu.memory_space<hbm>>) dst(%arg5 : memref<3x1024xf32, #tpu.memory_space<vmem>>)
      tpu.yield
    }) : () -> ()
    %scan3A = arith.constant 0 : i32
    %scan3A_33 = arith.constant 0 : i32
    %scan3A_34 = arith.constant 64 : i32
    %scan3A_35 = arith.addi %scan3A_33, %scan3A_34 : i32
    %scan3A_36 = arith.constant 1 : i32
    %scan3A_37 = scf.for %scan3A_114 = %scan3A_33 to %scan3A_35 step %scan3A_36 iter_args(%scan3A_115 = %scan3A) -> (i32)  : i32 {
      %mul3A_116 = arith.constant 2 : i32
      %mul3A_117 = arith.muli %scan3A_114, %mul3A_116 : i32
      %add3A_118 = arith.addi %mul3A_32, %mul3A_117 : i32
      %add3A_119 = arith.addi %mul3A_32, %mul3A_117 : i32
      %add3A_120 = arith.constant 1 : i32
      %add3A_121 = arith.addi %add3A_119, %add3A_120 : i32
      %broadcast_in_dim3A = vector.broadcast %add3A_118 : i32 to vector<16xi32>
      %broadcast_in_dim3A_122 = arith.constant 0 : i32
      %broadcast_in_dim3A_123 = vector.broadcast %broadcast_in_dim3A_122 : i32 to vector<16xi32>
      %gather3A = tpu.vector_load_idx %arg5[%broadcast_in_dim3A_123, %broadcast_in_dim3A] : memref<3x1024xf32, #tpu.memory_space<vmem>>[vector<16xi32>, vector<16xi32>], vector<16xf32>,
      %add3A_124 = arith.constant 8.500000e+00 : f32
      %add3A_125 = vector.broadcast %add3A_124 : f32 to vector<16xf32>
      %add3A_126 = arith.addf %gather3A, %add3A_125 : vector<16xf32>
      %broadcast_in_dim3A_127 = arith.constant 1 : i32
      %broadcast_in_dim3A_128 = vector.broadcast %broadcast_in_dim3A_127 : i32 to vector<16xi32>
      %gather3A_129 = tpu.vector_load_idx %arg5[%broadcast_in_dim3A_128, %broadcast_in_dim3A] : memref<3x1024xf32, #tpu.memory_space<vmem>>[vector<16xi32>, vector<16xi32>], vector<16xf32>,
      %add3A_130 = arith.constant 8.500000e+00 : f32
      %add3A_131 = vector.broadcast %add3A_130 : f32 to vector<16xf32>
      %add3A_132 = arith.addf %gather3A_129, %add3A_131 : vector<16xf32>
      %broadcast_in_dim3A_133 = arith.constant 2 : i32
      %broadcast_in_dim3A_134 = vector.broadcast %broadcast_in_dim3A_133 : i32 to vector<16xi32>
      %gather3A_135 = tpu.vector_load_idx %arg5[%broadcast_in_dim3A_134, %broadcast_in_dim3A] : memref<3x1024xf32, #tpu.memory_space<vmem>>[vector<16xi32>, vector<16xi32>], vector<16xf32>,
      %add3A_136 = arith.constant 8.500000e+00 : f32
      %add3A_137 = vector.broadcast %add3A_136 : f32 to vector<16xf32>
      %add3A_138 = arith.addf %gather3A_135, %add3A_137 : vector<16xf32>
      %broadcast_in_dim3A_139 = vector.broadcast %add3A_121 : i32 to vector<16xi32>
      %broadcast_in_dim3A_140 = arith.constant 0 : i32
      %broadcast_in_dim3A_141 = vector.broadcast %broadcast_in_dim3A_140 : i32 to vector<16xi32>
      %gather3A_142 = tpu.vector_load_idx %arg5[%broadcast_in_dim3A_141, %broadcast_in_dim3A_139] : memref<3x1024xf32, #tpu.memory_space<vmem>>[vector<16xi32>, vector<16xi32>], vector<16xf32>,
      %add3A_143 = arith.constant 8.500000e+00 : f32
      %add3A_144 = vector.broadcast %add3A_143 : f32 to vector<16xf32>
      %add3A_145 = arith.addf %gather3A_142, %add3A_144 : vector<16xf32>
      %broadcast_in_dim3A_146 = arith.constant 1 : i32
      %broadcast_in_dim3A_147 = vector.broadcast %broadcast_in_dim3A_146 : i32 to vector<16xi32>
      %gather3A_148 = tpu.vector_load_idx %arg5[%broadcast_in_dim3A_147, %broadcast_in_dim3A_139] : memref<3x1024xf32, #tpu.memory_space<vmem>>[vector<16xi32>, vector<16xi32>], vector<16xf32>,
      %add3A_149 = arith.constant 8.500000e+00 : f32
      %add3A_150 = vector.broadcast %add3A_149 : f32 to vector<16xf32>
      %add3A_151 = arith.addf %gather3A_148, %add3A_150 : vector<16xf32>
      %broadcast_in_dim3A_152 = arith.constant 2 : i32
      %broadcast_in_dim3A_153 = vector.broadcast %broadcast_in_dim3A_152 : i32 to vector<16xi32>
      %gather3A_154 = tpu.vector_load_idx %arg5[%broadcast_in_dim3A_153, %broadcast_in_dim3A_139] : memref<3x1024xf32, #tpu.memory_space<vmem>>[vector<16xi32>, vector<16xi32>], vector<16xf32>,
      %add3A_155 = arith.constant 8.500000e+00 : f32
      %add3A_156 = vector.broadcast %add3A_155 : f32 to vector<16xf32>
      %add3A_157 = arith.addf %gather3A_154, %add3A_156 : vector<16xf32>
      %gt3A = arith.constant 0 : i32
      %gt3A_158 = arith.cmpi sgt, %scan3A_114, %gt3A : i32
      %convert_element_type3A = arith.extui %gt3A_158 : i1 to i32
      %cond3A = arith.constant 0 : i32
      %cond3A_159 = arith.cmpi ne, %convert_element_type3A, %cond3A : i32
      scf.if %cond3A_159 {
        %dma_wait3A_238 = arith.constant 0 : i32
        %dma_wait3A_239 = arith.constant 0 : i32
        %dma_wait3A_240 = arith.constant 0 : i32
        %dma_wait3A_241 = arith.constant 0 : i32
        %dma_wait3A_242 = arith.constant 0 : i32
        %dma_wait3A_243 = tpu.memref_slice %arg7[%dma_wait3A_238, %dma_wait3A_241, %dma_wait3A_242] : memref<4x16x512xf32, #tpu.memory_space<vmem>> -> memref<1x16x512xf32, #tpu.memory_space<vmem>>
        %dma_wait3A_244 = tpu.memref_squeeze %dma_wait3A_243 : memref<1x16x512xf32, #tpu.memory_space<vmem>> -> memref<16x512xf32, #tpu.memory_space<vmem>>
        %dma_wait3A_245 = arith.constant 0 : i32
        %dma_wait3A_246 = arith.constant 0 : i32
        %dma_wait3A_247 = tpu.memref_slice %arg4[%dma_wait3A_239, %dma_wait3A_245, %dma_wait3A_240, %dma_wait3A_246] : memref<4x16x1024x1024xf32, #tpu.memory_space<hbm>> -> memref<1x16x1x512xf32, #tpu.memory_space<hbm>>
        %dma_wait3A_248 = tpu.memref_squeeze %dma_wait3A_247 : memref<1x16x1x512xf32, #tpu.memory_space<hbm>> -> memref<16x512xf32, #tpu.memory_space<hbm>>
        %dma_wait3A_249 = arith.constant 0 : i32
        %dma_wait3A_250 = arith.constant 0 : i32
        %dma_wait3A_251 = tpu.memref_slice %arg4[%dma_wait3A_239, %dma_wait3A_249, %dma_wait3A_240, %dma_wait3A_250] : memref<4x16x1024x1024xf32, #tpu.memory_space<hbm>> -> memref<1x16x1x512xf32, #tpu.memory_space<hbm>>
        %dma_wait3A_252 = tpu.memref_squeeze %dma_wait3A_251 : memref<1x16x1x512xf32, #tpu.memory_space<hbm>> -> memref<16x512xf32, #tpu.memory_space<hbm>>
        %dma_wait3A_253 = arith.constant 0 : i32
        %dma_wait3A_254 = arith.constant 0 : i32
        %dma_wait3A_255 = tpu.memref_slice %arg7[%dma_wait3A_238, %dma_wait3A_253, %dma_wait3A_254] : memref<4x16x512xf32, #tpu.memory_space<vmem>> -> memref<1x16x512xf32, #tpu.memory_space<vmem>>
        %dma_wait3A_256 = tpu.memref_squeeze %dma_wait3A_255 : memref<1x16x512xf32, #tpu.memory_space<vmem>> -> memref<16x512xf32, #tpu.memory_space<vmem>>
        tpu.wait_dma2 semaphore(%arg8 : memref<!tpu.dma_semaphore, #tpu.memory_space<semaphore_mem>>) src(%dma_wait3A_256 : memref<16x512xf32, #tpu.memory_space<vmem>>) dst(%dma_wait3A_252 : memref<16x512xf32, #tpu.memory_space<hbm>>)
        %dma_wait3A_257 = arith.constant 1 : i32
        %dma_wait3A_258 = arith.constant 0 : i32
        %dma_wait3A_259 = arith.constant 0 : i32
        %dma_wait3A_260 = arith.constant 0 : i32
        %dma_wait3A_261 = arith.constant 0 : i32
        %dma_wait3A_262 = tpu.memref_slice %arg7[%dma_wait3A_257, %dma_wait3A_260, %dma_wait3A_261] : memref<4x16x512xf32, #tpu.memory_space<vmem>> -> memref<1x16x512xf32, #tpu.memory_space<vmem>>
        %dma_wait3A_263 = tpu.memref_squeeze %dma_wait3A_262 : memref<1x16x512xf32, #tpu.memory_space<vmem>> -> memref<16x512xf32, #tpu.memory_space<vmem>>
        %dma_wait3A_264 = arith.constant 0 : i32
        %dma_wait3A_265 = arith.constant 0 : i32
        %dma_wait3A_266 = tpu.memref_slice %arg4[%dma_wait3A_258, %dma_wait3A_264, %dma_wait3A_259, %dma_wait3A_265] : memref<4x16x1024x1024xf32, #tpu.memory_space<hbm>> -> memref<1x16x1x512xf32, #tpu.memory_space<hbm>>
        %dma_wait3A_267 = tpu.memref_squeeze %dma_wait3A_266 : memref<1x16x1x512xf32, #tpu.memory_space<hbm>> -> memref<16x512xf32, #tpu.memory_space<hbm>>
        %dma_wait3A_268 = arith.constant 0 : i32
        %dma_wait3A_269 = arith.constant 0 : i32
        %dma_wait3A_270 = tpu.memref_slice %arg4[%dma_wait3A_258, %dma_wait3A_268, %dma_wait3A_259, %dma_wait3A_269] : memref<4x16x1024x1024xf32, #tpu.memory_space<hbm>> -> memref<1x16x1x512xf32, #tpu.memory_space<hbm>>
        %dma_wait3A_271 = tpu.memref_squeeze %dma_wait3A_270 : memref<1x16x1x512xf32, #tpu.memory_space<hbm>> -> memref<16x512xf32, #tpu.memory_space<hbm>>
        %dma_wait3A_272 = arith.constant 0 : i32
        %dma_wait3A_273 = arith.constant 0 : i32
        %dma_wait3A_274 = tpu.memref_slice %arg7[%dma_wait3A_257, %dma_wait3A_272, %dma_wait3A_273] : memref<4x16x512xf32, #tpu.memory_space<vmem>> -> memref<1x16x512xf32, #tpu.memory_space<vmem>>
        %dma_wait3A_275 = tpu.memref_squeeze %dma_wait3A_274 : memref<1x16x512xf32, #tpu.memory_space<vmem>> -> memref<16x512xf32, #tpu.memory_space<vmem>>
        tpu.wait_dma2 semaphore(%arg9 : memref<!tpu.dma_semaphore, #tpu.memory_space<semaphore_mem>>) src(%dma_wait3A_275 : memref<16x512xf32, #tpu.memory_space<vmem>>) dst(%dma_wait3A_271 : memref<16x512xf32, #tpu.memory_space<hbm>>)
      } else {
      }
      %parallel_loop3A = arith.constant 0 : i32
      %parallel_loop3A_160 = arith.constant 32 : i32
      %parallel_loop3A_161 = arith.constant 1 : i32
      scf.for %parallel_loop3A_238 = %parallel_loop3A to %parallel_loop3A_160 step %parallel_loop3A_161  : i32 {
        %parallel_loop3A_239 = arith.constant 16 : i32
        %parallel_loop3A_240 = arith.muli %parallel_loop3A_238, %parallel_loop3A_239 : i32
        %parallel_loop3A_241 = arith.constant 0 : i32
        %parallel_loop3A_242 = arith.addi %parallel_loop3A_241, %parallel_loop3A_240 : i32
        %parallel_loop3A_243 = arith.constant 0 : i32
        %parallel_loop3A_244 = arith.index_cast %parallel_loop3A_243 : i32 to index
        %parallel_loop3A_245 = arith.index_cast %parallel_loop3A_242 : i32 to index
        %parallel_loop3A_246 = tpu.vector_load %arg5[%parallel_loop3A_244, %parallel_loop3A_245] {strides = array<i32>} : memref<3x1024xf32, #tpu.memory_space<vmem>>, vector<16xf32>,
        %parallel_loop3A_247 = arith.constant 0 : i32
        %parallel_loop3A_248 = arith.addi %parallel_loop3A_247, %parallel_loop3A_240 : i32
        %parallel_loop3A_249 = arith.constant 1 : i32
        %parallel_loop3A_250 = arith.index_cast %parallel_loop3A_249 : i32 to index
        %parallel_loop3A_251 = arith.index_cast %parallel_loop3A_248 : i32 to index
        %parallel_loop3A_252 = tpu.vector_load %arg5[%parallel_loop3A_250, %parallel_loop3A_251] {strides = array<i32>} : memref<3x1024xf32, #tpu.memory_space<vmem>>, vector<16xf32>,
        %parallel_loop3A_253 = arith.constant 0 : i32
        %parallel_loop3A_254 = arith.addi %parallel_loop3A_253, %parallel_loop3A_240 : i32
        %parallel_loop3A_255 = arith.constant 2 : i32
        %parallel_loop3A_256 = arith.index_cast %parallel_loop3A_255 : i32 to index
        %parallel_loop3A_257 = arith.index_cast %parallel_loop3A_254 : i32 to index
        %parallel_loop3A_258 = tpu.vector_load %arg5[%parallel_loop3A_256, %parallel_loop3A_257] {strides = array<i32>} : memref<3x1024xf32, #tpu.memory_space<vmem>>, vector<16xf32>,
        %parallel_loop3A_259 = arith.subf %add3A_126, %parallel_loop3A_246 : vector<16xf32>
        %parallel_loop3A_260 = arith.constant 0.00999999977 : f32
        %parallel_loop3A_261 = arith.constant 1.699000e+01 : f32
        %parallel_loop3A_262 = vector.broadcast %parallel_loop3A_260 : f32 to vector<16xf32>
        %parallel_loop3A_263 = arith.maximumf %parallel_loop3A_262, %parallel_loop3A_259 : vector<16xf32>
        %parallel_loop3A_264 = vector.broadcast %parallel_loop3A_261 : f32 to vector<16xf32>
        %parallel_loop3A_265 = arith.minimumf %parallel_loop3A_264, %parallel_loop3A_263 : vector<16xf32>
        %parallel_loop3A_266 = arith.subf %add3A_132, %parallel_loop3A_252 : vector<16xf32>
        %parallel_loop3A_267 = arith.constant 0.00999999977 : f32
        %parallel_loop3A_268 = arith.constant 1.699000e+01 : f32
        %parallel_loop3A_269 = vector.broadcast %parallel_loop3A_267 : f32 to vector<16xf32>
        %parallel_loop3A_270 = arith.maximumf %parallel_loop3A_269, %parallel_loop3A_266 : vector<16xf32>
        %parallel_loop3A_271 = vector.broadcast %parallel_loop3A_268 : f32 to vector<16xf32>
        %parallel_loop3A_272 = arith.minimumf %parallel_loop3A_271, %parallel_loop3A_270 : vector<16xf32>
        %parallel_loop3A_273 = arith.subf %add3A_138, %parallel_loop3A_258 : vector<16xf32>
        %parallel_loop3A_274 = arith.constant 0.00999999977 : f32
        %parallel_loop3A_275 = arith.constant 1.699000e+01 : f32
        %parallel_loop3A_276 = vector.broadcast %parallel_loop3A_274 : f32 to vector<16xf32>
        %parallel_loop3A_277 = arith.maximumf %parallel_loop3A_276, %parallel_loop3A_273 : vector<16xf32>
        %parallel_loop3A_278 = vector.broadcast %parallel_loop3A_275 : f32 to vector<16xf32>
        %parallel_loop3A_279 = arith.minimumf %parallel_loop3A_278, %parallel_loop3A_277 : vector<16xf32>
        %parallel_loop3A_280 = arith.fptosi %parallel_loop3A_265 : vector<16xf32> to vector<16xi32>
        %parallel_loop3A_281 = arith.constant 289 : i32
        %parallel_loop3A_282 = vector.broadcast %parallel_loop3A_281 : i32 to vector<16xi32>
        %parallel_loop3A_283 = arith.muli %parallel_loop3A_280, %parallel_loop3A_282 : vector<16xi32>
        %parallel_loop3A_284 = arith.fptosi %parallel_loop3A_272 : vector<16xf32> to vector<16xi32>
        %parallel_loop3A_285 = arith.constant 17 : i32
        %parallel_loop3A_286 = vector.broadcast %parallel_loop3A_285 : i32 to vector<16xi32>
        %parallel_loop3A_287 = arith.muli %parallel_loop3A_284, %parallel_loop3A_286 : vector<16xi32>
        %parallel_loop3A_288 = arith.addi %parallel_loop3A_283, %parallel_loop3A_287 : vector<16xi32>
        %parallel_loop3A_289 = arith.fptosi %parallel_loop3A_279 : vector<16xf32> to vector<16xi32>
        %parallel_loop3A_290 = arith.addi %parallel_loop3A_288, %parallel_loop3A_289 : vector<16xi32>
        %parallel_loop3A_291 = arith.constant 0 : i32
        %parallel_loop3A_292 = vector.broadcast %parallel_loop3A_291 : i32 to vector<16xi32>
        %parallel_loop3A_293 = tpu.vector_load_idx %arg6[%parallel_loop3A_292, %parallel_loop3A_290] : memref<16x4913xf32, #tpu.memory_space<vmem>>[vector<16xi32>, vector<16xi32>], vector<16xf32>,
        %parallel_loop3A_294 = arith.constant 0 : i32
        %parallel_loop3A_295 = arith.constant 0 : i32
        %parallel_loop3A_296 = arith.index_cast %parallel_loop3A_294 : i32 to index
        %parallel_loop3A_297 = arith.index_cast %parallel_loop3A_295 : i32 to index
        %parallel_loop3A_298 = arith.index_cast %parallel_loop3A_240 : i32 to index
        %parallel_loop3A_299 = tpu.vector_load %arg7[%parallel_loop3A_296, %parallel_loop3A_297, %parallel_loop3A_298] {strides = array<i32>} : memref<4x16x512xf32, #tpu.memory_space<vmem>>, vector<16xf32>,
        tpu.vector_store %arg7[%parallel_loop3A_296, %parallel_loop3A_297, %parallel_loop3A_298], %parallel_loop3A_293 {strides = array<i32>} : memref<4x16x512xf32, #tpu.memory_space<vmem>>, vector<16xf32>,
        %parallel_loop3A_300 = arith.constant 1 : i32
        %parallel_loop3A_301 = vector.broadcast %parallel_loop3A_300 : i32 to vector<16xi32>
        %parallel_loop3A_302 = tpu.vector_load_idx %arg6[%parallel_loop3A_301, %parallel_loop3A_290] : memref<16x4913xf32, #tpu.memory_space<vmem>>[vector<16xi32>, vector<16xi32>], vector<16xf32>,
        %parallel_loop3A_303 = arith.constant 0 : i32
        %parallel_loop3A_304 = arith.constant 1 : i32
        %parallel_loop3A_305 = arith.index_cast %parallel_loop3A_303 : i32 to index
        %parallel_loop3A_306 = arith.index_cast %parallel_loop3A_304 : i32 to index
        %parallel_loop3A_307 = arith.index_cast %parallel_loop3A_240 : i32 to index
        %parallel_loop3A_308 = tpu.vector_load %arg7[%parallel_loop3A_305, %parallel_loop3A_306, %parallel_loop3A_307] {strides = array<i32>} : memref<4x16x512xf32, #tpu.memory_space<vmem>>, vector<16xf32>,
        tpu.vector_store %arg7[%parallel_loop3A_305, %parallel_loop3A_306, %parallel_loop3A_307], %parallel_loop3A_302 {strides = array<i32>} : memref<4x16x512xf32, #tpu.memory_space<vmem>>, vector<16xf32>,
        %parallel_loop3A_309 = arith.constant 2 : i32
        %parallel_loop3A_310 = vector.broadcast %parallel_loop3A_309 : i32 to vector<16xi32>
        %parallel_loop3A_311 = tpu.vector_load_idx %arg6[%parallel_loop3A_310, %parallel_loop3A_290] : memref<16x4913xf32, #tpu.memory_space<vmem>>[vector<16xi32>, vector<16xi32>], vector<16xf32>,
        %parallel_loop3A_312 = arith.constant 0 : i32
        %parallel_loop3A_313 = arith.constant 2 : i32
        %parallel_loop3A_314 = arith.index_cast %parallel_loop3A_312 : i32 to index
        %parallel_loop3A_315 = arith.index_cast %parallel_loop3A_313 : i32 to index
        %parallel_loop3A_316 = arith.index_cast %parallel_loop3A_240 : i32 to index
        %parallel_loop3A_317 = tpu.vector_load %arg7[%parallel_loop3A_314, %parallel_loop3A_315, %parallel_loop3A_316] {strides = array<i32>} : memref<4x16x512xf32, #tpu.memory_space<vmem>>, vector<16xf32>,
        tpu.vector_store %arg7[%parallel_loop3A_314, %parallel_loop3A_315, %parallel_loop3A_316], %parallel_loop3A_311 {strides = array<i32>} : memref<4x16x512xf32, #tpu.memory_space<vmem>>, vector<16xf32>,
        %parallel_loop3A_318 = arith.constant 3 : i32
        %parallel_loop3A_319 = vector.broadcast %parallel_loop3A_318 : i32 to vector<16xi32>
        %parallel_loop3A_320 = tpu.vector_load_idx %arg6[%parallel_loop3A_319, %parallel_loop3A_290] : memref<16x4913xf32, #tpu.memory_space<vmem>>[vector<16xi32>, vector<16xi32>], vector<16xf32>,
        %parallel_loop3A_321 = arith.constant 0 : i32
        %parallel_loop3A_322 = arith.constant 3 : i32
        %parallel_loop3A_323 = arith.index_cast %parallel_loop3A_321 : i32 to index
        %parallel_loop3A_324 = arith.index_cast %parallel_loop3A_322 : i32 to index
        %parallel_loop3A_325 = arith.index_cast %parallel_loop3A_240 : i32 to index
        %parallel_loop3A_326 = tpu.vector_load %arg7[%parallel_loop3A_323, %parallel_loop3A_324, %parallel_loop3A_325] {strides = array<i32>} : memref<4x16x512xf32, #tpu.memory_space<vmem>>, vector<16xf32>,
        tpu.vector_store %arg7[%parallel_loop3A_323, %parallel_loop3A_324, %parallel_loop3A_325], %parallel_loop3A_320 {strides = array<i32>} : memref<4x16x512xf32, #tpu.memory_space<vmem>>, vector<16xf32>,
        %parallel_loop3A_327 = arith.constant 4 : i32
        %parallel_loop3A_328 = vector.broadcast %parallel_loop3A_327 : i32 to vector<16xi32>
        %parallel_loop3A_329 = tpu.vector_load_idx %arg6[%parallel_loop3A_328, %parallel_loop3A_290] : memref<16x4913xf32, #tpu.memory_space<vmem>>[vector<16xi32>, vector<16xi32>], vector<16xf32>,
        %parallel_loop3A_330 = arith.constant 0 : i32
        %parallel_loop3A_331 = arith.constant 4 : i32
        %parallel_loop3A_332 = arith.index_cast %parallel_loop3A_330 : i32 to index
        %parallel_loop3A_333 = arith.index_cast %parallel_loop3A_331 : i32 to index
        %parallel_loop3A_334 = arith.index_cast %parallel_loop3A_240 : i32 to index
        %parallel_loop3A_335 = tpu.vector_load %arg7[%parallel_loop3A_332, %parallel_loop3A_333, %parallel_loop3A_334] {strides = array<i32>} : memref<4x16x512xf32, #tpu.memory_space<vmem>>, vector<16xf32>,
        tpu.vector_store %arg7[%parallel_loop3A_332, %parallel_loop3A_333, %parallel_loop3A_334], %parallel_loop3A_329 {strides = array<i32>} : memref<4x16x512xf32, #tpu.memory_space<vmem>>, vector<16xf32>,
        %parallel_loop3A_336 = arith.constant 5 : i32
        %parallel_loop3A_337 = vector.broadcast %parallel_loop3A_336 : i32 to vector<16xi32>
        %parallel_loop3A_338 = tpu.vector_load_idx %arg6[%parallel_loop3A_337, %parallel_loop3A_290] : memref<16x4913xf32, #tpu.memory_space<vmem>>[vector<16xi32>, vector<16xi32>], vector<16xf32>,
        %parallel_loop3A_339 = arith.constant 0 : i32
        %parallel_loop3A_340 = arith.constant 5 : i32
        %parallel_loop3A_341 = arith.index_cast %parallel_loop3A_339 : i32 to index
        %parallel_loop3A_342 = arith.index_cast %parallel_loop3A_340 : i32 to index
        %parallel_loop3A_343 = arith.index_cast %parallel_loop3A_240 : i32 to index
        %parallel_loop3A_344 = tpu.vector_load %arg7[%parallel_loop3A_341, %parallel_loop3A_342, %parallel_loop3A_343] {strides = array<i32>} : memref<4x16x512xf32, #tpu.memory_space<vmem>>, vector<16xf32>,
        tpu.vector_store %arg7[%parallel_loop3A_341, %parallel_loop3A_342, %parallel_loop3A_343], %parallel_loop3A_338 {strides = array<i32>} : memref<4x16x512xf32, #tpu.memory_space<vmem>>, vector<16xf32>,
        %parallel_loop3A_345 = arith.constant 6 : i32
        %parallel_loop3A_346 = vector.broadcast %parallel_loop3A_345 : i32 to vector<16xi32>
        %parallel_loop3A_347 = tpu.vector_load_idx %arg6[%parallel_loop3A_346, %parallel_loop3A_290] : memref<16x4913xf32, #tpu.memory_space<vmem>>[vector<16xi32>, vector<16xi32>], vector<16xf32>,
        %parallel_loop3A_348 = arith.constant 0 : i32
        %parallel_loop3A_349 = arith.constant 6 : i32
        %parallel_loop3A_350 = arith.index_cast %parallel_loop3A_348 : i32 to index
        %parallel_loop3A_351 = arith.index_cast %parallel_loop3A_349 : i32 to index
        %parallel_loop3A_352 = arith.index_cast %parallel_loop3A_240 : i32 to index
        %parallel_loop3A_353 = tpu.vector_load %arg7[%parallel_loop3A_350, %parallel_loop3A_351, %parallel_loop3A_352] {strides = array<i32>} : memref<4x16x512xf32, #tpu.memory_space<vmem>>, vector<16xf32>,
        tpu.vector_store %arg7[%parallel_loop3A_350, %parallel_loop3A_351, %parallel_loop3A_352], %parallel_loop3A_347 {strides = array<i32>} : memref<4x16x512xf32, #tpu.memory_space<vmem>>, vector<16xf32>,
        %parallel_loop3A_354 = arith.constant 7 : i32
        %parallel_loop3A_355 = vector.broadcast %parallel_loop3A_354 : i32 to vector<16xi32>
        %parallel_loop3A_356 = tpu.vector_load_idx %arg6[%parallel_loop3A_355, %parallel_loop3A_290] : memref<16x4913xf32, #tpu.memory_space<vmem>>[vector<16xi32>, vector<16xi32>], vector<16xf32>,
        %parallel_loop3A_357 = arith.constant 0 : i32
        %parallel_loop3A_358 = arith.constant 7 : i32
        %parallel_loop3A_359 = arith.index_cast %parallel_loop3A_357 : i32 to index
        %parallel_loop3A_360 = arith.index_cast %parallel_loop3A_358 : i32 to index
        %parallel_loop3A_361 = arith.index_cast %parallel_loop3A_240 : i32 to index
        %parallel_loop3A_362 = tpu.vector_load %arg7[%parallel_loop3A_359, %parallel_loop3A_360, %parallel_loop3A_361] {strides = array<i32>} : memref<4x16x512xf32, #tpu.memory_space<vmem>>, vector<16xf32>,
        tpu.vector_store %arg7[%parallel_loop3A_359, %parallel_loop3A_360, %parallel_loop3A_361], %parallel_loop3A_356 {strides = array<i32>} : memref<4x16x512xf32, #tpu.memory_space<vmem>>, vector<16xf32>,
        %parallel_loop3A_363 = arith.constant 8 : i32
        %parallel_loop3A_364 = vector.broadcast %parallel_loop3A_363 : i32 to vector<16xi32>
        %parallel_loop3A_365 = tpu.vector_load_idx %arg6[%parallel_loop3A_364, %parallel_loop3A_290] : memref<16x4913xf32, #tpu.memory_space<vmem>>[vector<16xi32>, vector<16xi32>], vector<16xf32>,
        %parallel_loop3A_366 = arith.constant 0 : i32
        %parallel_loop3A_367 = arith.constant 8 : i32
        %parallel_loop3A_368 = arith.index_cast %parallel_loop3A_366 : i32 to index
        %parallel_loop3A_369 = arith.index_cast %parallel_loop3A_367 : i32 to index
        %parallel_loop3A_370 = arith.index_cast %parallel_loop3A_240 : i32 to index
        %parallel_loop3A_371 = tpu.vector_load %arg7[%parallel_loop3A_368, %parallel_loop3A_369, %parallel_loop3A_370] {strides = array<i32>} : memref<4x16x512xf32, #tpu.memory_space<vmem>>, vector<16xf32>,
        tpu.vector_store %arg7[%parallel_loop3A_368, %parallel_loop3A_369, %parallel_loop3A_370], %parallel_loop3A_365 {strides = array<i32>} : memref<4x16x512xf32, #tpu.memory_space<vmem>>, vector<16xf32>,
        %parallel_loop3A_372 = arith.constant 9 : i32
        %parallel_loop3A_373 = vector.broadcast %parallel_loop3A_372 : i32 to vector<16xi32>
        %parallel_loop3A_374 = tpu.vector_load_idx %arg6[%parallel_loop3A_373, %parallel_loop3A_290] : memref<16x4913xf32, #tpu.memory_space<vmem>>[vector<16xi32>, vector<16xi32>], vector<16xf32>,
        %parallel_loop3A_375 = arith.constant 0 : i32
        %parallel_loop3A_376 = arith.constant 9 : i32
        %parallel_loop3A_377 = arith.index_cast %parallel_loop3A_375 : i32 to index
        %parallel_loop3A_378 = arith.index_cast %parallel_loop3A_376 : i32 to index
        %parallel_loop3A_379 = arith.index_cast %parallel_loop3A_240 : i32 to index
        %parallel_loop3A_380 = tpu.vector_load %arg7[%parallel_loop3A_377, %parallel_loop3A_378, %parallel_loop3A_379] {strides = array<i32>} : memref<4x16x512xf32, #tpu.memory_space<vmem>>, vector<16xf32>,
        tpu.vector_store %arg7[%parallel_loop3A_377, %parallel_loop3A_378, %parallel_loop3A_379], %parallel_loop3A_374 {strides = array<i32>} : memref<4x16x512xf32, #tpu.memory_space<vmem>>, vector<16xf32>,
        %parallel_loop3A_381 = arith.constant 10 : i32
        %parallel_loop3A_382 = vector.broadcast %parallel_loop3A_381 : i32 to vector<16xi32>
        %parallel_loop3A_383 = tpu.vector_load_idx %arg6[%parallel_loop3A_382, %parallel_loop3A_290] : memref<16x4913xf32, #tpu.memory_space<vmem>>[vector<16xi32>, vector<16xi32>], vector<16xf32>,
        %parallel_loop3A_384 = arith.constant 0 : i32
        %parallel_loop3A_385 = arith.constant 10 : i32
        %parallel_loop3A_386 = arith.index_cast %parallel_loop3A_384 : i32 to index
        %parallel_loop3A_387 = arith.index_cast %parallel_loop3A_385 : i32 to index
        %parallel_loop3A_388 = arith.index_cast %parallel_loop3A_240 : i32 to index
        %parallel_loop3A_389 = tpu.vector_load %arg7[%parallel_loop3A_386, %parallel_loop3A_387, %parallel_loop3A_388] {strides = array<i32>} : memref<4x16x512xf32, #tpu.memory_space<vmem>>, vector<16xf32>,
        tpu.vector_store %arg7[%parallel_loop3A_386, %parallel_loop3A_387, %parallel_loop3A_388], %parallel_loop3A_383 {strides = array<i32>} : memref<4x16x512xf32, #tpu.memory_space<vmem>>, vector<16xf32>,
        %parallel_loop3A_390 = arith.constant 11 : i32
        %parallel_loop3A_391 = vector.broadcast %parallel_loop3A_390 : i32 to vector<16xi32>
        %parallel_loop3A_392 = tpu.vector_load_idx %arg6[%parallel_loop3A_391, %parallel_loop3A_290] : memref<16x4913xf32, #tpu.memory_space<vmem>>[vector<16xi32>, vector<16xi32>], vector<16xf32>,
        %parallel_loop3A_393 = arith.constant 0 : i32
        %parallel_loop3A_394 = arith.constant 11 : i32
        %parallel_loop3A_395 = arith.index_cast %parallel_loop3A_393 : i32 to index
        %parallel_loop3A_396 = arith.index_cast %parallel_loop3A_394 : i32 to index
        %parallel_loop3A_397 = arith.index_cast %parallel_loop3A_240 : i32 to index
        %parallel_loop3A_398 = tpu.vector_load %arg7[%parallel_loop3A_395, %parallel_loop3A_396, %parallel_loop3A_397] {strides = array<i32>} : memref<4x16x512xf32, #tpu.memory_space<vmem>>, vector<16xf32>,
        tpu.vector_store %arg7[%parallel_loop3A_395, %parallel_loop3A_396, %parallel_loop3A_397], %parallel_loop3A_392 {strides = array<i32>} : memref<4x16x512xf32, #tpu.memory_space<vmem>>, vector<16xf32>,
        %parallel_loop3A_399 = arith.constant 12 : i32
        %parallel_loop3A_400 = vector.broadcast %parallel_loop3A_399 : i32 to vector<16xi32>
        %parallel_loop3A_401 = tpu.vector_load_idx %arg6[%parallel_loop3A_400, %parallel_loop3A_290] : memref<16x4913xf32, #tpu.memory_space<vmem>>[vector<16xi32>, vector<16xi32>], vector<16xf32>,
        %parallel_loop3A_402 = arith.constant 0 : i32
        %parallel_loop3A_403 = arith.constant 12 : i32
        %parallel_loop3A_404 = arith.index_cast %parallel_loop3A_402 : i32 to index
        %parallel_loop3A_405 = arith.index_cast %parallel_loop3A_403 : i32 to index
        %parallel_loop3A_406 = arith.index_cast %parallel_loop3A_240 : i32 to index
        %parallel_loop3A_407 = tpu.vector_load %arg7[%parallel_loop3A_404, %parallel_loop3A_405, %parallel_loop3A_406] {strides = array<i32>} : memref<4x16x512xf32, #tpu.memory_space<vmem>>, vector<16xf32>,
        tpu.vector_store %arg7[%parallel_loop3A_404, %parallel_loop3A_405, %parallel_loop3A_406], %parallel_loop3A_401 {strides = array<i32>} : memref<4x16x512xf32, #tpu.memory_space<vmem>>, vector<16xf32>,
        %parallel_loop3A_408 = arith.constant 13 : i32
        %parallel_loop3A_409 = vector.broadcast %parallel_loop3A_408 : i32 to vector<16xi32>
        %parallel_loop3A_410 = tpu.vector_load_idx %arg6[%parallel_loop3A_409, %parallel_loop3A_290] : memref<16x4913xf32, #tpu.memory_space<vmem>>[vector<16xi32>, vector<16xi32>], vector<16xf32>,
        %parallel_loop3A_411 = arith.constant 0 : i32
        %parallel_loop3A_412 = arith.constant 13 : i32
        %parallel_loop3A_413 = arith.index_cast %parallel_loop3A_411 : i32 to index
        %parallel_loop3A_414 = arith.index_cast %parallel_loop3A_412 : i32 to index
        %parallel_loop3A_415 = arith.index_cast %parallel_loop3A_240 : i32 to index
        %parallel_loop3A_416 = tpu.vector_load %arg7[%parallel_loop3A_413, %parallel_loop3A_414, %parallel_loop3A_415] {strides = array<i32>} : memref<4x16x512xf32, #tpu.memory_space<vmem>>, vector<16xf32>,
        tpu.vector_store %arg7[%parallel_loop3A_413, %parallel_loop3A_414, %parallel_loop3A_415], %parallel_loop3A_410 {strides = array<i32>} : memref<4x16x512xf32, #tpu.memory_space<vmem>>, vector<16xf32>,
        %parallel_loop3A_417 = arith.constant 14 : i32
        %parallel_loop3A_418 = vector.broadcast %parallel_loop3A_417 : i32 to vector<16xi32>
        %parallel_loop3A_419 = tpu.vector_load_idx %arg6[%parallel_loop3A_418, %parallel_loop3A_290] : memref<16x4913xf32, #tpu.memory_space<vmem>>[vector<16xi32>, vector<16xi32>], vector<16xf32>,
        %parallel_loop3A_420 = arith.constant 0 : i32
        %parallel_loop3A_421 = arith.constant 14 : i32
        %parallel_loop3A_422 = arith.index_cast %parallel_loop3A_420 : i32 to index
        %parallel_loop3A_423 = arith.index_cast %parallel_loop3A_421 : i32 to index
        %parallel_loop3A_424 = arith.index_cast %parallel_loop3A_240 : i32 to index
        %parallel_loop3A_425 = tpu.vector_load %arg7[%parallel_loop3A_422, %parallel_loop3A_423, %parallel_loop3A_424] {strides = array<i32>} : memref<4x16x512xf32, #tpu.memory_space<vmem>>, vector<16xf32>,
        tpu.vector_store %arg7[%parallel_loop3A_422, %parallel_loop3A_423, %parallel_loop3A_424], %parallel_loop3A_419 {strides = array<i32>} : memref<4x16x512xf32, #tpu.memory_space<vmem>>, vector<16xf32>,
        %parallel_loop3A_426 = arith.constant 15 : i32
        %parallel_loop3A_427 = vector.broadcast %parallel_loop3A_426 : i32 to vector<16xi32>
        %parallel_loop3A_428 = tpu.vector_load_idx %arg6[%parallel_loop3A_427, %parallel_loop3A_290] : memref<16x4913xf32, #tpu.memory_space<vmem>>[vector<16xi32>, vector<16xi32>], vector<16xf32>,
        %parallel_loop3A_429 = arith.constant 0 : i32
        %parallel_loop3A_430 = arith.constant 15 : i32
        %parallel_loop3A_431 = arith.index_cast %parallel_loop3A_429 : i32 to index
        %parallel_loop3A_432 = arith.index_cast %parallel_loop3A_430 : i32 to index
        %parallel_loop3A_433 = arith.index_cast %parallel_loop3A_240 : i32 to index
        %parallel_loop3A_434 = tpu.vector_load %arg7[%parallel_loop3A_431, %parallel_loop3A_432, %parallel_loop3A_433] {strides = array<i32>} : memref<4x16x512xf32, #tpu.memory_space<vmem>>, vector<16xf32>,
        tpu.vector_store %arg7[%parallel_loop3A_431, %parallel_loop3A_432, %parallel_loop3A_433], %parallel_loop3A_428 {strides = array<i32>} : memref<4x16x512xf32, #tpu.memory_space<vmem>>, vector<16xf32>,
        %parallel_loop3A_435 = arith.subf %add3A_145, %parallel_loop3A_246 : vector<16xf32>
        %parallel_loop3A_436 = arith.constant 0.00999999977 : f32
        %parallel_loop3A_437 = arith.constant 1.699000e+01 : f32
        %parallel_loop3A_438 = vector.broadcast %parallel_loop3A_436 : f32 to vector<16xf32>
        %parallel_loop3A_439 = arith.maximumf %parallel_loop3A_438, %parallel_loop3A_435 : vector<16xf32>
        %parallel_loop3A_440 = vector.broadcast %parallel_loop3A_437 : f32 to vector<16xf32>
        %parallel_loop3A_441 = arith.minimumf %parallel_loop3A_440, %parallel_loop3A_439 : vector<16xf32>
        %parallel_loop3A_442 = arith.subf %add3A_151, %parallel_loop3A_252 : vector<16xf32>
        %parallel_loop3A_443 = arith.constant 0.00999999977 : f32
        %parallel_loop3A_444 = arith.constant 1.699000e+01 : f32
        %parallel_loop3A_445 = vector.broadcast %parallel_loop3A_443 : f32 to vector<16xf32>
        %parallel_loop3A_446 = arith.maximumf %parallel_loop3A_445, %parallel_loop3A_442 : vector<16xf32>
        %parallel_loop3A_447 = vector.broadcast %parallel_loop3A_444 : f32 to vector<16xf32>
        %parallel_loop3A_448 = arith.minimumf %parallel_loop3A_447, %parallel_loop3A_446 : vector<16xf32>
        %parallel_loop3A_449 = arith.subf %add3A_157, %parallel_loop3A_258 : vector<16xf32>
        %parallel_loop3A_450 = arith.constant 0.00999999977 : f32
        %parallel_loop3A_451 = arith.constant 1.699000e+01 : f32
        %parallel_loop3A_452 = vector.broadcast %parallel_loop3A_450 : f32 to vector<16xf32>
        %parallel_loop3A_453 = arith.maximumf %parallel_loop3A_452, %parallel_loop3A_449 : vector<16xf32>
        %parallel_loop3A_454 = vector.broadcast %parallel_loop3A_451 : f32 to vector<16xf32>
        %parallel_loop3A_455 = arith.minimumf %parallel_loop3A_454, %parallel_loop3A_453 : vector<16xf32>
        %parallel_loop3A_456 = arith.fptosi %parallel_loop3A_441 : vector<16xf32> to vector<16xi32>
        %parallel_loop3A_457 = arith.constant 289 : i32
        %parallel_loop3A_458 = vector.broadcast %parallel_loop3A_457 : i32 to vector<16xi32>
        %parallel_loop3A_459 = arith.muli %parallel_loop3A_456, %parallel_loop3A_458 : vector<16xi32>
        %parallel_loop3A_460 = arith.fptosi %parallel_loop3A_448 : vector<16xf32> to vector<16xi32>
        %parallel_loop3A_461 = arith.constant 17 : i32
        %parallel_loop3A_462 = vector.broadcast %parallel_loop3A_461 : i32 to vector<16xi32>
        %parallel_loop3A_463 = arith.muli %parallel_loop3A_460, %parallel_loop3A_462 : vector<16xi32>
        %parallel_loop3A_464 = arith.addi %parallel_loop3A_459, %parallel_loop3A_463 : vector<16xi32>
        %parallel_loop3A_465 = arith.fptosi %parallel_loop3A_455 : vector<16xf32> to vector<16xi32>
        %parallel_loop3A_466 = arith.addi %parallel_loop3A_464, %parallel_loop3A_465 : vector<16xi32>
        %parallel_loop3A_467 = arith.constant 0 : i32
        %parallel_loop3A_468 = vector.broadcast %parallel_loop3A_467 : i32 to vector<16xi32>
        %parallel_loop3A_469 = tpu.vector_load_idx %arg6[%parallel_loop3A_468, %parallel_loop3A_466] : memref<16x4913xf32, #tpu.memory_space<vmem>>[vector<16xi32>, vector<16xi32>], vector<16xf32>,
        %parallel_loop3A_470 = arith.constant 1 : i32
        %parallel_loop3A_471 = arith.constant 0 : i32
        %parallel_loop3A_472 = arith.index_cast %parallel_loop3A_470 : i32 to index
        %parallel_loop3A_473 = arith.index_cast %parallel_loop3A_471 : i32 to index
        %parallel_loop3A_474 = arith.index_cast %parallel_loop3A_240 : i32 to index
        %parallel_loop3A_475 = tpu.vector_load %arg7[%parallel_loop3A_472, %parallel_loop3A_473, %parallel_loop3A_474] {strides = array<i32>} : memref<4x16x512xf32, #tpu.memory_space<vmem>>, vector<16xf32>,
        tpu.vector_store %arg7[%parallel_loop3A_472, %parallel_loop3A_473, %parallel_loop3A_474], %parallel_loop3A_469 {strides = array<i32>} : memref<4x16x512xf32, #tpu.memory_space<vmem>>, vector<16xf32>,
        %parallel_loop3A_476 = arith.constant 1 : i32
        %parallel_loop3A_477 = vector.broadcast %parallel_loop3A_476 : i32 to vector<16xi32>
        %parallel_loop3A_478 = tpu.vector_load_idx %arg6[%parallel_loop3A_477, %parallel_loop3A_466] : memref<16x4913xf32, #tpu.memory_space<vmem>>[vector<16xi32>, vector<16xi32>], vector<16xf32>,
        %parallel_loop3A_479 = arith.constant 1 : i32
        %parallel_loop3A_480 = arith.constant 1 : i32
        %parallel_loop3A_481 = arith.index_cast %parallel_loop3A_479 : i32 to index
        %parallel_loop3A_482 = arith.index_cast %parallel_loop3A_480 : i32 to index
        %parallel_loop3A_483 = arith.index_cast %parallel_loop3A_240 : i32 to index
        %parallel_loop3A_484 = tpu.vector_load %arg7[%parallel_loop3A_481, %parallel_loop3A_482, %parallel_loop3A_483] {strides = array<i32>} : memref<4x16x512xf32, #tpu.memory_space<vmem>>, vector<16xf32>,
        tpu.vector_store %arg7[%parallel_loop3A_481, %parallel_loop3A_482, %parallel_loop3A_483], %parallel_loop3A_478 {strides = array<i32>} : memref<4x16x512xf32, #tpu.memory_space<vmem>>, vector<16xf32>,
        %parallel_loop3A_485 = arith.constant 2 : i32
        %parallel_loop3A_486 = vector.broadcast %parallel_loop3A_485 : i32 to vector<16xi32>
        %parallel_loop3A_487 = tpu.vector_load_idx %arg6[%parallel_loop3A_486, %parallel_loop3A_466] : memref<16x4913xf32, #tpu.memory_space<vmem>>[vector<16xi32>, vector<16xi32>], vector<16xf32>,
        %parallel_loop3A_488 = arith.constant 1 : i32
        %parallel_loop3A_489 = arith.constant 2 : i32
        %parallel_loop3A_490 = arith.index_cast %parallel_loop3A_488 : i32 to index
        %parallel_loop3A_491 = arith.index_cast %parallel_loop3A_489 : i32 to index
        %parallel_loop3A_492 = arith.index_cast %parallel_loop3A_240 : i32 to index
        %parallel_loop3A_493 = tpu.vector_load %arg7[%parallel_loop3A_490, %parallel_loop3A_491, %parallel_loop3A_492] {strides = array<i32>} : memref<4x16x512xf32, #tpu.memory_space<vmem>>, vector<16xf32>,
        tpu.vector_store %arg7[%parallel_loop3A_490, %parallel_loop3A_491, %parallel_loop3A_492], %parallel_loop3A_487 {strides = array<i32>} : memref<4x16x512xf32, #tpu.memory_space<vmem>>, vector<16xf32>,
        %parallel_loop3A_494 = arith.constant 3 : i32
        %parallel_loop3A_495 = vector.broadcast %parallel_loop3A_494 : i32 to vector<16xi32>
        %parallel_loop3A_496 = tpu.vector_load_idx %arg6[%parallel_loop3A_495, %parallel_loop3A_466] : memref<16x4913xf32, #tpu.memory_space<vmem>>[vector<16xi32>, vector<16xi32>], vector<16xf32>,
        %parallel_loop3A_497 = arith.constant 1 : i32
        %parallel_loop3A_498 = arith.constant 3 : i32
        %parallel_loop3A_499 = arith.index_cast %parallel_loop3A_497 : i32 to index
        %parallel_loop3A_500 = arith.index_cast %parallel_loop3A_498 : i32 to index
        %parallel_loop3A_501 = arith.index_cast %parallel_loop3A_240 : i32 to index
        %parallel_loop3A_502 = tpu.vector_load %arg7[%parallel_loop3A_499, %parallel_loop3A_500, %parallel_loop3A_501] {strides = array<i32>} : memref<4x16x512xf32, #tpu.memory_space<vmem>>, vector<16xf32>,
        tpu.vector_store %arg7[%parallel_loop3A_499, %parallel_loop3A_500, %parallel_loop3A_501], %parallel_loop3A_496 {strides = array<i32>} : memref<4x16x512xf32, #tpu.memory_space<vmem>>, vector<16xf32>,
        %parallel_loop3A_503 = arith.constant 4 : i32
        %parallel_loop3A_504 = vector.broadcast %parallel_loop3A_503 : i32 to vector<16xi32>
        %parallel_loop3A_505 = tpu.vector_load_idx %arg6[%parallel_loop3A_504, %parallel_loop3A_466] : memref<16x4913xf32, #tpu.memory_space<vmem>>[vector<16xi32>, vector<16xi32>], vector<16xf32>,
        %parallel_loop3A_506 = arith.constant 1 : i32
        %parallel_loop3A_507 = arith.constant 4 : i32
        %parallel_loop3A_508 = arith.index_cast %parallel_loop3A_506 : i32 to index
        %parallel_loop3A_509 = arith.index_cast %parallel_loop3A_507 : i32 to index
        %parallel_loop3A_510 = arith.index_cast %parallel_loop3A_240 : i32 to index
        %parallel_loop3A_511 = tpu.vector_load %arg7[%parallel_loop3A_508, %parallel_loop3A_509, %parallel_loop3A_510] {strides = array<i32>} : memref<4x16x512xf32, #tpu.memory_space<vmem>>, vector<16xf32>,
        tpu.vector_store %arg7[%parallel_loop3A_508, %parallel_loop3A_509, %parallel_loop3A_510], %parallel_loop3A_505 {strides = array<i32>} : memref<4x16x512xf32, #tpu.memory_space<vmem>>, vector<16xf32>,
        %parallel_loop3A_512 = arith.constant 5 : i32
        %parallel_loop3A_513 = vector.broadcast %parallel_loop3A_512 : i32 to vector<16xi32>
        %parallel_loop3A_514 = tpu.vector_load_idx %arg6[%parallel_loop3A_513, %parallel_loop3A_466] : memref<16x4913xf32, #tpu.memory_space<vmem>>[vector<16xi32>, vector<16xi32>], vector<16xf32>,
        %parallel_loop3A_515 = arith.constant 1 : i32
        %parallel_loop3A_516 = arith.constant 5 : i32
        %parallel_loop3A_517 = arith.index_cast %parallel_loop3A_515 : i32 to index
        %parallel_loop3A_518 = arith.index_cast %parallel_loop3A_516 : i32 to index
        %parallel_loop3A_519 = arith.index_cast %parallel_loop3A_240 : i32 to index
        %parallel_loop3A_520 = tpu.vector_load %arg7[%parallel_loop3A_517, %parallel_loop3A_518, %parallel_loop3A_519] {strides = array<i32>} : memref<4x16x512xf32, #tpu.memory_space<vmem>>, vector<16xf32>,
        tpu.vector_store %arg7[%parallel_loop3A_517, %parallel_loop3A_518, %parallel_loop3A_519], %parallel_loop3A_514 {strides = array<i32>} : memref<4x16x512xf32, #tpu.memory_space<vmem>>, vector<16xf32>,
        %parallel_loop3A_521 = arith.constant 6 : i32
        %parallel_loop3A_522 = vector.broadcast %parallel_loop3A_521 : i32 to vector<16xi32>
        %parallel_loop3A_523 = tpu.vector_load_idx %arg6[%parallel_loop3A_522, %parallel_loop3A_466] : memref<16x4913xf32, #tpu.memory_space<vmem>>[vector<16xi32>, vector<16xi32>], vector<16xf32>,
        %parallel_loop3A_524 = arith.constant 1 : i32
        %parallel_loop3A_525 = arith.constant 6 : i32
        %parallel_loop3A_526 = arith.index_cast %parallel_loop3A_524 : i32 to index
        %parallel_loop3A_527 = arith.index_cast %parallel_loop3A_525 : i32 to index
        %parallel_loop3A_528 = arith.index_cast %parallel_loop3A_240 : i32 to index
        %parallel_loop3A_529 = tpu.vector_load %arg7[%parallel_loop3A_526, %parallel_loop3A_527, %parallel_loop3A_528] {strides = array<i32>} : memref<4x16x512xf32, #tpu.memory_space<vmem>>, vector<16xf32>,
        tpu.vector_store %arg7[%parallel_loop3A_526, %parallel_loop3A_527, %parallel_loop3A_528], %parallel_loop3A_523 {strides = array<i32>} : memref<4x16x512xf32, #tpu.memory_space<vmem>>, vector<16xf32>,
        %parallel_loop3A_530 = arith.constant 7 : i32
        %parallel_loop3A_531 = vector.broadcast %parallel_loop3A_530 : i32 to vector<16xi32>
        %parallel_loop3A_532 = tpu.vector_load_idx %arg6[%parallel_loop3A_531, %parallel_loop3A_466] : memref<16x4913xf32, #tpu.memory_space<vmem>>[vector<16xi32>, vector<16xi32>], vector<16xf32>,
        %parallel_loop3A_533 = arith.constant 1 : i32
        %parallel_loop3A_534 = arith.constant 7 : i32
        %parallel_loop3A_535 = arith.index_cast %parallel_loop3A_533 : i32 to index
        %parallel_loop3A_536 = arith.index_cast %parallel_loop3A_534 : i32 to index
        %parallel_loop3A_537 = arith.index_cast %parallel_loop3A_240 : i32 to index
        %parallel_loop3A_538 = tpu.vector_load %arg7[%parallel_loop3A_535, %parallel_loop3A_536, %parallel_loop3A_537] {strides = array<i32>} : memref<4x16x512xf32, #tpu.memory_space<vmem>>, vector<16xf32>,
        tpu.vector_store %arg7[%parallel_loop3A_535, %parallel_loop3A_536, %parallel_loop3A_537], %parallel_loop3A_532 {strides = array<i32>} : memref<4x16x512xf32, #tpu.memory_space<vmem>>, vector<16xf32>,
        %parallel_loop3A_539 = arith.constant 8 : i32
        %parallel_loop3A_540 = vector.broadcast %parallel_loop3A_539 : i32 to vector<16xi32>
        %parallel_loop3A_541 = tpu.vector_load_idx %arg6[%parallel_loop3A_540, %parallel_loop3A_466] : memref<16x4913xf32, #tpu.memory_space<vmem>>[vector<16xi32>, vector<16xi32>], vector<16xf32>,
        %parallel_loop3A_542 = arith.constant 1 : i32
        %parallel_loop3A_543 = arith.constant 8 : i32
        %parallel_loop3A_544 = arith.index_cast %parallel_loop3A_542 : i32 to index
        %parallel_loop3A_545 = arith.index_cast %parallel_loop3A_543 : i32 to index
        %parallel_loop3A_546 = arith.index_cast %parallel_loop3A_240 : i32 to index
        %parallel_loop3A_547 = tpu.vector_load %arg7[%parallel_loop3A_544, %parallel_loop3A_545, %parallel_loop3A_546] {strides = array<i32>} : memref<4x16x512xf32, #tpu.memory_space<vmem>>, vector<16xf32>,
        tpu.vector_store %arg7[%parallel_loop3A_544, %parallel_loop3A_545, %parallel_loop3A_546], %parallel_loop3A_541 {strides = array<i32>} : memref<4x16x512xf32, #tpu.memory_space<vmem>>, vector<16xf32>,
        %parallel_loop3A_548 = arith.constant 9 : i32
        %parallel_loop3A_549 = vector.broadcast %parallel_loop3A_548 : i32 to vector<16xi32>
        %parallel_loop3A_550 = tpu.vector_load_idx %arg6[%parallel_loop3A_549, %parallel_loop3A_466] : memref<16x4913xf32, #tpu.memory_space<vmem>>[vector<16xi32>, vector<16xi32>], vector<16xf32>,
        %parallel_loop3A_551 = arith.constant 1 : i32
        %parallel_loop3A_552 = arith.constant 9 : i32
        %parallel_loop3A_553 = arith.index_cast %parallel_loop3A_551 : i32 to index
        %parallel_loop3A_554 = arith.index_cast %parallel_loop3A_552 : i32 to index
        %parallel_loop3A_555 = arith.index_cast %parallel_loop3A_240 : i32 to index
        %parallel_loop3A_556 = tpu.vector_load %arg7[%parallel_loop3A_553, %parallel_loop3A_554, %parallel_loop3A_555] {strides = array<i32>} : memref<4x16x512xf32, #tpu.memory_space<vmem>>, vector<16xf32>,
        tpu.vector_store %arg7[%parallel_loop3A_553, %parallel_loop3A_554, %parallel_loop3A_555], %parallel_loop3A_550 {strides = array<i32>} : memref<4x16x512xf32, #tpu.memory_space<vmem>>, vector<16xf32>,
        %parallel_loop3A_557 = arith.constant 10 : i32
        %parallel_loop3A_558 = vector.broadcast %parallel_loop3A_557 : i32 to vector<16xi32>
        %parallel_loop3A_559 = tpu.vector_load_idx %arg6[%parallel_loop3A_558, %parallel_loop3A_466] : memref<16x4913xf32, #tpu.memory_space<vmem>>[vector<16xi32>, vector<16xi32>], vector<16xf32>,
        %parallel_loop3A_560 = arith.constant 1 : i32
        %parallel_loop3A_561 = arith.constant 10 : i32
        %parallel_loop3A_562 = arith.index_cast %parallel_loop3A_560 : i32 to index
        %parallel_loop3A_563 = arith.index_cast %parallel_loop3A_561 : i32 to index
        %parallel_loop3A_564 = arith.index_cast %parallel_loop3A_240 : i32 to index
        %parallel_loop3A_565 = tpu.vector_load %arg7[%parallel_loop3A_562, %parallel_loop3A_563, %parallel_loop3A_564] {strides = array<i32>} : memref<4x16x512xf32, #tpu.memory_space<vmem>>, vector<16xf32>,
        tpu.vector_store %arg7[%parallel_loop3A_562, %parallel_loop3A_563, %parallel_loop3A_564], %parallel_loop3A_559 {strides = array<i32>} : memref<4x16x512xf32, #tpu.memory_space<vmem>>, vector<16xf32>,
        %parallel_loop3A_566 = arith.constant 11 : i32
        %parallel_loop3A_567 = vector.broadcast %parallel_loop3A_566 : i32 to vector<16xi32>
        %parallel_loop3A_568 = tpu.vector_load_idx %arg6[%parallel_loop3A_567, %parallel_loop3A_466] : memref<16x4913xf32, #tpu.memory_space<vmem>>[vector<16xi32>, vector<16xi32>], vector<16xf32>,
        %parallel_loop3A_569 = arith.constant 1 : i32
        %parallel_loop3A_570 = arith.constant 11 : i32
        %parallel_loop3A_571 = arith.index_cast %parallel_loop3A_569 : i32 to index
        %parallel_loop3A_572 = arith.index_cast %parallel_loop3A_570 : i32 to index
        %parallel_loop3A_573 = arith.index_cast %parallel_loop3A_240 : i32 to index
        %parallel_loop3A_574 = tpu.vector_load %arg7[%parallel_loop3A_571, %parallel_loop3A_572, %parallel_loop3A_573] {strides = array<i32>} : memref<4x16x512xf32, #tpu.memory_space<vmem>>, vector<16xf32>,
        tpu.vector_store %arg7[%parallel_loop3A_571, %parallel_loop3A_572, %parallel_loop3A_573], %parallel_loop3A_568 {strides = array<i32>} : memref<4x16x512xf32, #tpu.memory_space<vmem>>, vector<16xf32>,
        %parallel_loop3A_575 = arith.constant 12 : i32
        %parallel_loop3A_576 = vector.broadcast %parallel_loop3A_575 : i32 to vector<16xi32>
        %parallel_loop3A_577 = tpu.vector_load_idx %arg6[%parallel_loop3A_576, %parallel_loop3A_466] : memref<16x4913xf32, #tpu.memory_space<vmem>>[vector<16xi32>, vector<16xi32>], vector<16xf32>,
        %parallel_loop3A_578 = arith.constant 1 : i32
        %parallel_loop3A_579 = arith.constant 12 : i32
        %parallel_loop3A_580 = arith.index_cast %parallel_loop3A_578 : i32 to index
        %parallel_loop3A_581 = arith.index_cast %parallel_loop3A_579 : i32 to index
        %parallel_loop3A_582 = arith.index_cast %parallel_loop3A_240 : i32 to index
        %parallel_loop3A_583 = tpu.vector_load %arg7[%parallel_loop3A_580, %parallel_loop3A_581, %parallel_loop3A_582] {strides = array<i32>} : memref<4x16x512xf32, #tpu.memory_space<vmem>>, vector<16xf32>,
        tpu.vector_store %arg7[%parallel_loop3A_580, %parallel_loop3A_581, %parallel_loop3A_582], %parallel_loop3A_577 {strides = array<i32>} : memref<4x16x512xf32, #tpu.memory_space<vmem>>, vector<16xf32>,
        %parallel_loop3A_584 = arith.constant 13 : i32
        %parallel_loop3A_585 = vector.broadcast %parallel_loop3A_584 : i32 to vector<16xi32>
        %parallel_loop3A_586 = tpu.vector_load_idx %arg6[%parallel_loop3A_585, %parallel_loop3A_466] : memref<16x4913xf32, #tpu.memory_space<vmem>>[vector<16xi32>, vector<16xi32>], vector<16xf32>,
        %parallel_loop3A_587 = arith.constant 1 : i32
        %parallel_loop3A_588 = arith.constant 13 : i32
        %parallel_loop3A_589 = arith.index_cast %parallel_loop3A_587 : i32 to index
        %parallel_loop3A_590 = arith.index_cast %parallel_loop3A_588 : i32 to index
        %parallel_loop3A_591 = arith.index_cast %parallel_loop3A_240 : i32 to index
        %parallel_loop3A_592 = tpu.vector_load %arg7[%parallel_loop3A_589, %parallel_loop3A_590, %parallel_loop3A_591] {strides = array<i32>} : memref<4x16x512xf32, #tpu.memory_space<vmem>>, vector<16xf32>,
        tpu.vector_store %arg7[%parallel_loop3A_589, %parallel_loop3A_590, %parallel_loop3A_591], %parallel_loop3A_586 {strides = array<i32>} : memref<4x16x512xf32, #tpu.memory_space<vmem>>, vector<16xf32>,
        %parallel_loop3A_593 = arith.constant 14 : i32
        %parallel_loop3A_594 = vector.broadcast %parallel_loop3A_593 : i32 to vector<16xi32>
        %parallel_loop3A_595 = tpu.vector_load_idx %arg6[%parallel_loop3A_594, %parallel_loop3A_466] : memref<16x4913xf32, #tpu.memory_space<vmem>>[vector<16xi32>, vector<16xi32>], vector<16xf32>,
        %parallel_loop3A_596 = arith.constant 1 : i32
        %parallel_loop3A_597 = arith.constant 14 : i32
        %parallel_loop3A_598 = arith.index_cast %parallel_loop3A_596 : i32 to index
        %parallel_loop3A_599 = arith.index_cast %parallel_loop3A_597 : i32 to index
        %parallel_loop3A_600 = arith.index_cast %parallel_loop3A_240 : i32 to index
        %parallel_loop3A_601 = tpu.vector_load %arg7[%parallel_loop3A_598, %parallel_loop3A_599, %parallel_loop3A_600] {strides = array<i32>} : memref<4x16x512xf32, #tpu.memory_space<vmem>>, vector<16xf32>,
        tpu.vector_store %arg7[%parallel_loop3A_598, %parallel_loop3A_599, %parallel_loop3A_600], %parallel_loop3A_595 {strides = array<i32>} : memref<4x16x512xf32, #tpu.memory_space<vmem>>, vector<16xf32>,
        %parallel_loop3A_602 = arith.constant 15 : i32
        %parallel_loop3A_603 = vector.broadcast %parallel_loop3A_602 : i32 to vector<16xi32>
        %parallel_loop3A_604 = tpu.vector_load_idx %arg6[%parallel_loop3A_603, %parallel_loop3A_466] : memref<16x4913xf32, #tpu.memory_space<vmem>>[vector<16xi32>, vector<16xi32>], vector<16xf32>,
        %parallel_loop3A_605 = arith.constant 1 : i32
        %parallel_loop3A_606 = arith.constant 15 : i32
        %parallel_loop3A_607 = arith.index_cast %parallel_loop3A_605 : i32 to index
        %parallel_loop3A_608 = arith.index_cast %parallel_loop3A_606 : i32 to index
        %parallel_loop3A_609 = arith.index_cast %parallel_loop3A_240 : i32 to index
        %parallel_loop3A_610 = tpu.vector_load %arg7[%parallel_loop3A_607, %parallel_loop3A_608, %parallel_loop3A_609] {strides = array<i32>} : memref<4x16x512xf32, #tpu.memory_space<vmem>>, vector<16xf32>,
        tpu.vector_store %arg7[%parallel_loop3A_607, %parallel_loop3A_608, %parallel_loop3A_609], %parallel_loop3A_604 {strides = array<i32>} : memref<4x16x512xf32, #tpu.memory_space<vmem>>, vector<16xf32>,
      } {sc.loop_unroll_factor = 1 : i64, sc.parallel_access}
      %dma_start3A = arith.constant 0 : i32
      %dma_start3A_162 = arith.constant 0 : i32
      %dma_start3A_163 = arith.constant 0 : i32
      %dma_start3A_164 = tpu.memref_slice %arg7[%dma_start3A, %dma_start3A_162, %dma_start3A_163] : memref<4x16x512xf32, #tpu.memory_space<vmem>> -> memref<1x16x512xf32, #tpu.memory_space<vmem>>
      %dma_start3A_165 = tpu.memref_squeeze %dma_start3A_164 : memref<1x16x512xf32, #tpu.memory_space<vmem>> -> memref<16x512xf32, #tpu.memory_space<vmem>>
      %dma_start3A_166 = arith.constant 0 : i32
      %dma_start3A_167 = arith.constant 0 : i32
      %dma_start3A_168 = tpu.memref_slice %arg4[%select_n3A, %dma_start3A_166, %add3A_118, %dma_start3A_167] : memref<4x16x1024x1024xf32, #tpu.memory_space<hbm>> -> memref<1x16x1x512xf32, #tpu.memory_space<hbm>>
      %dma_start3A_169 = tpu.memref_squeeze %dma_start3A_168 : memref<1x16x1x512xf32, #tpu.memory_space<hbm>> -> memref<16x512xf32, #tpu.memory_space<hbm>>
      %dma_start3A_170 = arith.constant 0 : i32
      %dma_start3A_171 = arith.constant 0 : i32
      %dma_start3A_172 = tpu.memref_slice %arg4[%select_n3A, %dma_start3A_170, %add3A_118, %dma_start3A_171] : memref<4x16x1024x1024xf32, #tpu.memory_space<hbm>> -> memref<1x16x1x512xf32, #tpu.memory_space<hbm>>
      %dma_start3A_173 = tpu.memref_squeeze %dma_start3A_172 : memref<1x16x1x512xf32, #tpu.memory_space<hbm>> -> memref<16x512xf32, #tpu.memory_space<hbm>>
      %dma_start3A_174 = arith.constant 0 : i32
      %dma_start3A_175 = arith.constant 0 : i32
      %dma_start3A_176 = tpu.memref_slice %arg7[%dma_start3A, %dma_start3A_174, %dma_start3A_175] : memref<4x16x512xf32, #tpu.memory_space<vmem>> -> memref<1x16x512xf32, #tpu.memory_space<vmem>>
      %dma_start3A_177 = tpu.memref_squeeze %dma_start3A_176 : memref<1x16x512xf32, #tpu.memory_space<vmem>> -> memref<16x512xf32, #tpu.memory_space<vmem>>
      tpu.enqueue_dma source(%dma_start3A_177 : memref<16x512xf32, #tpu.memory_space<vmem>>) target(%dma_start3A_173 : memref<16x512xf32, #tpu.memory_space<hbm>>) target_semaphore(%arg8 : memref<!tpu.dma_semaphore, #tpu.memory_space<semaphore_mem>>)
      %dma_start3A_178 = arith.constant 1 : i32
      %dma_start3A_179 = arith.constant 0 : i32
      %dma_start3A_180 = arith.constant 0 : i32
      %dma_start3A_181 = tpu.memref_slice %arg7[%dma_start3A_178, %dma_start3A_179, %dma_start3A_180] : memref<4x16x512xf32, #tpu.memory_space<vmem>> -> memref<1x16x512xf32, #tpu.memory_space<vmem>>
      %dma_start3A_182 = tpu.memref_squeeze %dma_start3A_181 : memref<1x16x512xf32, #tpu.memory_space<vmem>> -> memref<16x512xf32, #tpu.memory_space<vmem>>
      %dma_start3A_183 = arith.constant 0 : i32
      %dma_start3A_184 = arith.constant 0 : i32
      %dma_start3A_185 = tpu.memref_slice %arg4[%select_n3A, %dma_start3A_183, %add3A_121, %dma_start3A_184] : memref<4x16x1024x1024xf32, #tpu.memory_space<hbm>> -> memref<1x16x1x512xf32, #tpu.memory_space<hbm>>
      %dma_start3A_186 = tpu.memref_squeeze %dma_start3A_185 : memref<1x16x1x512xf32, #tpu.memory_space<hbm>> -> memref<16x512xf32, #tpu.memory_space<hbm>>
      %dma_start3A_187 = arith.constant 0 : i32
      %dma_start3A_188 = arith.constant 0 : i32
      %dma_start3A_189 = tpu.memref_slice %arg4[%select_n3A, %dma_start3A_187, %add3A_121, %dma_start3A_188] : memref<4x16x1024x1024xf32, #tpu.memory_space<hbm>> -> memref<1x16x1x512xf32, #tpu.memory_space<hbm>>
      %dma_start3A_190 = tpu.memref_squeeze %dma_start3A_189 : memref<1x16x1x512xf32, #tpu.memory_space<hbm>> -> memref<16x512xf32, #tpu.memory_space<hbm>>
      %dma_start3A_191 = arith.constant 0 : i32
      %dma_start3A_192 = arith.constant 0 : i32
      %dma_start3A_193 = tpu.memref_slice %arg7[%dma_start3A_178, %dma_start3A_191, %dma_start3A_192] : memref<4x16x512xf32, #tpu.memory_space<vmem>> -> memref<1x16x512xf32, #tpu.memory_space<vmem>>
      %dma_start3A_194 = tpu.memref_squeeze %dma_start3A_193 : memref<1x16x512xf32, #tpu.memory_space<vmem>> -> memref<16x512xf32, #tpu.memory_space<vmem>>
      tpu.enqueue_dma source(%dma_start3A_194 : memref<16x512xf32, #tpu.memory_space<vmem>>) target(%dma_start3A_190 : memref<16x512xf32, #tpu.memory_space<hbm>>) target_semaphore(%arg9 : memref<!tpu.dma_semaphore, #tpu.memory_space<semaphore_mem>>)
      %gt3A_195 = arith.constant 0 : i32
      %gt3A_196 = arith.cmpi sgt, %scan3A_114, %gt3A_195 : i32
      %convert_element_type3A_197 = arith.extui %gt3A_196 : i1 to i32
      %cond3A_198 = arith.constant 0 : i32
      %cond3A_199 = arith.cmpi ne, %convert_element_type3A_197, %cond3A_198 : i32
      scf.if %cond3A_199 {
        %dma_wait3A_238 = arith.constant 2 : i32
        %dma_wait3A_239 = arith.constant 0 : i32
        %dma_wait3A_240 = arith.constant 0 : i32
        %dma_wait3A_241 = arith.constant 0 : i32
        %dma_wait3A_242 = arith.constant 0 : i32
        %dma_wait3A_243 = tpu.memref_slice %arg7[%dma_wait3A_238, %dma_wait3A_241, %dma_wait3A_242] : memref<4x16x512xf32, #tpu.memory_space<vmem>> -> memref<1x16x512xf32, #tpu.memory_space<vmem>>
        %dma_wait3A_244 = tpu.memref_squeeze %dma_wait3A_243 : memref<1x16x512xf32, #tpu.memory_space<vmem>> -> memref<16x512xf32, #tpu.memory_space<vmem>>
        %dma_wait3A_245 = arith.constant 0 : i32
        %dma_wait3A_246 = arith.constant 0 : i32
        %dma_wait3A_247 = tpu.memref_slice %arg4[%dma_wait3A_239, %dma_wait3A_245, %dma_wait3A_240, %dma_wait3A_246] : memref<4x16x1024x1024xf32, #tpu.memory_space<hbm>> -> memref<1x16x1x512xf32, #tpu.memory_space<hbm>>
        %dma_wait3A_248 = tpu.memref_squeeze %dma_wait3A_247 : memref<1x16x1x512xf32, #tpu.memory_space<hbm>> -> memref<16x512xf32, #tpu.memory_space<hbm>>
        %dma_wait3A_249 = arith.constant 0 : i32
        %dma_wait3A_250 = arith.constant 0 : i32
        %dma_wait3A_251 = tpu.memref_slice %arg4[%dma_wait3A_239, %dma_wait3A_249, %dma_wait3A_240, %dma_wait3A_250] : memref<4x16x1024x1024xf32, #tpu.memory_space<hbm>> -> memref<1x16x1x512xf32, #tpu.memory_space<hbm>>
        %dma_wait3A_252 = tpu.memref_squeeze %dma_wait3A_251 : memref<1x16x1x512xf32, #tpu.memory_space<hbm>> -> memref<16x512xf32, #tpu.memory_space<hbm>>
        %dma_wait3A_253 = arith.constant 0 : i32
        %dma_wait3A_254 = arith.constant 0 : i32
        %dma_wait3A_255 = tpu.memref_slice %arg7[%dma_wait3A_238, %dma_wait3A_253, %dma_wait3A_254] : memref<4x16x512xf32, #tpu.memory_space<vmem>> -> memref<1x16x512xf32, #tpu.memory_space<vmem>>
        %dma_wait3A_256 = tpu.memref_squeeze %dma_wait3A_255 : memref<1x16x512xf32, #tpu.memory_space<vmem>> -> memref<16x512xf32, #tpu.memory_space<vmem>>
        tpu.wait_dma2 semaphore(%arg10 : memref<!tpu.dma_semaphore, #tpu.memory_space<semaphore_mem>>) src(%dma_wait3A_256 : memref<16x512xf32, #tpu.memory_space<vmem>>) dst(%dma_wait3A_252 : memref<16x512xf32, #tpu.memory_space<hbm>>)
        %dma_wait3A_257 = arith.constant 3 : i32
        %dma_wait3A_258 = arith.constant 0 : i32
        %dma_wait3A_259 = arith.constant 0 : i32
        %dma_wait3A_260 = arith.constant 0 : i32
        %dma_wait3A_261 = arith.constant 0 : i32
        %dma_wait3A_262 = tpu.memref_slice %arg7[%dma_wait3A_257, %dma_wait3A_260, %dma_wait3A_261] : memref<4x16x512xf32, #tpu.memory_space<vmem>> -> memref<1x16x512xf32, #tpu.memory_space<vmem>>
        %dma_wait3A_263 = tpu.memref_squeeze %dma_wait3A_262 : memref<1x16x512xf32, #tpu.memory_space<vmem>> -> memref<16x512xf32, #tpu.memory_space<vmem>>
        %dma_wait3A_264 = arith.constant 0 : i32
        %dma_wait3A_265 = arith.constant 0 : i32
        %dma_wait3A_266 = tpu.memref_slice %arg4[%dma_wait3A_258, %dma_wait3A_264, %dma_wait3A_259, %dma_wait3A_265] : memref<4x16x1024x1024xf32, #tpu.memory_space<hbm>> -> memref<1x16x1x512xf32, #tpu.memory_space<hbm>>
        %dma_wait3A_267 = tpu.memref_squeeze %dma_wait3A_266 : memref<1x16x1x512xf32, #tpu.memory_space<hbm>> -> memref<16x512xf32, #tpu.memory_space<hbm>>
        %dma_wait3A_268 = arith.constant 0 : i32
        %dma_wait3A_269 = arith.constant 0 : i32
        %dma_wait3A_270 = tpu.memref_slice %arg4[%dma_wait3A_258, %dma_wait3A_268, %dma_wait3A_259, %dma_wait3A_269] : memref<4x16x1024x1024xf32, #tpu.memory_space<hbm>> -> memref<1x16x1x512xf32, #tpu.memory_space<hbm>>
        %dma_wait3A_271 = tpu.memref_squeeze %dma_wait3A_270 : memref<1x16x1x512xf32, #tpu.memory_space<hbm>> -> memref<16x512xf32, #tpu.memory_space<hbm>>
        %dma_wait3A_272 = arith.constant 0 : i32
        %dma_wait3A_273 = arith.constant 0 : i32
        %dma_wait3A_274 = tpu.memref_slice %arg7[%dma_wait3A_257, %dma_wait3A_272, %dma_wait3A_273] : memref<4x16x512xf32, #tpu.memory_space<vmem>> -> memref<1x16x512xf32, #tpu.memory_space<vmem>>
        %dma_wait3A_275 = tpu.memref_squeeze %dma_wait3A_274 : memref<1x16x512xf32, #tpu.memory_space<vmem>> -> memref<16x512xf32, #tpu.memory_space<vmem>>
        tpu.wait_dma2 semaphore(%arg11 : memref<!tpu.dma_semaphore, #tpu.memory_space<semaphore_mem>>) src(%dma_wait3A_275 : memref<16x512xf32, #tpu.memory_space<vmem>>) dst(%dma_wait3A_271 : memref<16x512xf32, #tpu.memory_space<hbm>>)
      } else {
      }
      %parallel_loop3A_200 = arith.constant 0 : i32
      %parallel_loop3A_201 = arith.constant 32 : i32
      %parallel_loop3A_202 = arith.constant 1 : i32
      scf.for %parallel_loop3A_238 = %parallel_loop3A_200 to %parallel_loop3A_201 step %parallel_loop3A_202  : i32 {
        %parallel_loop3A_239 = arith.constant 16 : i32
        %parallel_loop3A_240 = arith.muli %parallel_loop3A_238, %parallel_loop3A_239 : i32
        %parallel_loop3A_241 = arith.constant 512 : i32
        %parallel_loop3A_242 = arith.addi %parallel_loop3A_241, %parallel_loop3A_240 : i32
        %parallel_loop3A_243 = arith.constant 0 : i32
        %parallel_loop3A_244 = arith.index_cast %parallel_loop3A_243 : i32 to index
        %parallel_loop3A_245 = arith.index_cast %parallel_loop3A_242 : i32 to index
        %parallel_loop3A_246 = tpu.vector_load %arg5[%parallel_loop3A_244, %parallel_loop3A_245] {strides = array<i32>} : memref<3x1024xf32, #tpu.memory_space<vmem>>, vector<16xf32>,
        %parallel_loop3A_247 = arith.constant 512 : i32
        %parallel_loop3A_248 = arith.addi %parallel_loop3A_247, %parallel_loop3A_240 : i32
        %parallel_loop3A_249 = arith.constant 1 : i32
        %parallel_loop3A_250 = arith.index_cast %parallel_loop3A_249 : i32 to index
        %parallel_loop3A_251 = arith.index_cast %parallel_loop3A_248 : i32 to index
        %parallel_loop3A_252 = tpu.vector_load %arg5[%parallel_loop3A_250, %parallel_loop3A_251] {strides = array<i32>} : memref<3x1024xf32, #tpu.memory_space<vmem>>, vector<16xf32>,
        %parallel_loop3A_253 = arith.constant 512 : i32
        %parallel_loop3A_254 = arith.addi %parallel_loop3A_253, %parallel_loop3A_240 : i32
        %parallel_loop3A_255 = arith.constant 2 : i32
        %parallel_loop3A_256 = arith.index_cast %parallel_loop3A_255 : i32 to index
        %parallel_loop3A_257 = arith.index_cast %parallel_loop3A_254 : i32 to index
        %parallel_loop3A_258 = tpu.vector_load %arg5[%parallel_loop3A_256, %parallel_loop3A_257] {strides = array<i32>} : memref<3x1024xf32, #tpu.memory_space<vmem>>, vector<16xf32>,
        %parallel_loop3A_259 = arith.subf %add3A_126, %parallel_loop3A_246 : vector<16xf32>
        %parallel_loop3A_260 = arith.constant 0.00999999977 : f32
        %parallel_loop3A_261 = arith.constant 1.699000e+01 : f32
        %parallel_loop3A_262 = vector.broadcast %parallel_loop3A_260 : f32 to vector<16xf32>
        %parallel_loop3A_263 = arith.maximumf %parallel_loop3A_262, %parallel_loop3A_259 : vector<16xf32>
        %parallel_loop3A_264 = vector.broadcast %parallel_loop3A_261 : f32 to vector<16xf32>
        %parallel_loop3A_265 = arith.minimumf %parallel_loop3A_264, %parallel_loop3A_263 : vector<16xf32>
        %parallel_loop3A_266 = arith.subf %add3A_132, %parallel_loop3A_252 : vector<16xf32>
        %parallel_loop3A_267 = arith.constant 0.00999999977 : f32
        %parallel_loop3A_268 = arith.constant 1.699000e+01 : f32
        %parallel_loop3A_269 = vector.broadcast %parallel_loop3A_267 : f32 to vector<16xf32>
        %parallel_loop3A_270 = arith.maximumf %parallel_loop3A_269, %parallel_loop3A_266 : vector<16xf32>
        %parallel_loop3A_271 = vector.broadcast %parallel_loop3A_268 : f32 to vector<16xf32>
        %parallel_loop3A_272 = arith.minimumf %parallel_loop3A_271, %parallel_loop3A_270 : vector<16xf32>
        %parallel_loop3A_273 = arith.subf %add3A_138, %parallel_loop3A_258 : vector<16xf32>
        %parallel_loop3A_274 = arith.constant 0.00999999977 : f32
        %parallel_loop3A_275 = arith.constant 1.699000e+01 : f32
        %parallel_loop3A_276 = vector.broadcast %parallel_loop3A_274 : f32 to vector<16xf32>
        %parallel_loop3A_277 = arith.maximumf %parallel_loop3A_276, %parallel_loop3A_273 : vector<16xf32>
        %parallel_loop3A_278 = vector.broadcast %parallel_loop3A_275 : f32 to vector<16xf32>
        %parallel_loop3A_279 = arith.minimumf %parallel_loop3A_278, %parallel_loop3A_277 : vector<16xf32>
        %parallel_loop3A_280 = arith.fptosi %parallel_loop3A_265 : vector<16xf32> to vector<16xi32>
        %parallel_loop3A_281 = arith.constant 289 : i32
        %parallel_loop3A_282 = vector.broadcast %parallel_loop3A_281 : i32 to vector<16xi32>
        %parallel_loop3A_283 = arith.muli %parallel_loop3A_280, %parallel_loop3A_282 : vector<16xi32>
        %parallel_loop3A_284 = arith.fptosi %parallel_loop3A_272 : vector<16xf32> to vector<16xi32>
        %parallel_loop3A_285 = arith.constant 17 : i32
        %parallel_loop3A_286 = vector.broadcast %parallel_loop3A_285 : i32 to vector<16xi32>
        %parallel_loop3A_287 = arith.muli %parallel_loop3A_284, %parallel_loop3A_286 : vector<16xi32>
        %parallel_loop3A_288 = arith.addi %parallel_loop3A_283, %parallel_loop3A_287 : vector<16xi32>
        %parallel_loop3A_289 = arith.fptosi %parallel_loop3A_279 : vector<16xf32> to vector<16xi32>
        %parallel_loop3A_290 = arith.addi %parallel_loop3A_288, %parallel_loop3A_289 : vector<16xi32>
        %parallel_loop3A_291 = arith.constant 0 : i32
        %parallel_loop3A_292 = vector.broadcast %parallel_loop3A_291 : i32 to vector<16xi32>
        %parallel_loop3A_293 = tpu.vector_load_idx %arg6[%parallel_loop3A_292, %parallel_loop3A_290] : memref<16x4913xf32, #tpu.memory_space<vmem>>[vector<16xi32>, vector<16xi32>], vector<16xf32>,
        %parallel_loop3A_294 = arith.constant 2 : i32
        %parallel_loop3A_295 = arith.constant 0 : i32
        %parallel_loop3A_296 = arith.index_cast %parallel_loop3A_294 : i32 to index
        %parallel_loop3A_297 = arith.index_cast %parallel_loop3A_295 : i32 to index
        %parallel_loop3A_298 = arith.index_cast %parallel_loop3A_240 : i32 to index
        %parallel_loop3A_299 = tpu.vector_load %arg7[%parallel_loop3A_296, %parallel_loop3A_297, %parallel_loop3A_298] {strides = array<i32>} : memref<4x16x512xf32, #tpu.memory_space<vmem>>, vector<16xf32>,
        tpu.vector_store %arg7[%parallel_loop3A_296, %parallel_loop3A_297, %parallel_loop3A_298], %parallel_loop3A_293 {strides = array<i32>} : memref<4x16x512xf32, #tpu.memory_space<vmem>>, vector<16xf32>,
        %parallel_loop3A_300 = arith.constant 1 : i32
        %parallel_loop3A_301 = vector.broadcast %parallel_loop3A_300 : i32 to vector<16xi32>
        %parallel_loop3A_302 = tpu.vector_load_idx %arg6[%parallel_loop3A_301, %parallel_loop3A_290] : memref<16x4913xf32, #tpu.memory_space<vmem>>[vector<16xi32>, vector<16xi32>], vector<16xf32>,
        %parallel_loop3A_303 = arith.constant 2 : i32
        %parallel_loop3A_304 = arith.constant 1 : i32
        %parallel_loop3A_305 = arith.index_cast %parallel_loop3A_303 : i32 to index
        %parallel_loop3A_306 = arith.index_cast %parallel_loop3A_304 : i32 to index
        %parallel_loop3A_307 = arith.index_cast %parallel_loop3A_240 : i32 to index
        %parallel_loop3A_308 = tpu.vector_load %arg7[%parallel_loop3A_305, %parallel_loop3A_306, %parallel_loop3A_307] {strides = array<i32>} : memref<4x16x512xf32, #tpu.memory_space<vmem>>, vector<16xf32>,
        tpu.vector_store %arg7[%parallel_loop3A_305, %parallel_loop3A_306, %parallel_loop3A_307], %parallel_loop3A_302 {strides = array<i32>} : memref<4x16x512xf32, #tpu.memory_space<vmem>>, vector<16xf32>,
        %parallel_loop3A_309 = arith.constant 2 : i32
        %parallel_loop3A_310 = vector.broadcast %parallel_loop3A_309 : i32 to vector<16xi32>
        %parallel_loop3A_311 = tpu.vector_load_idx %arg6[%parallel_loop3A_310, %parallel_loop3A_290] : memref<16x4913xf32, #tpu.memory_space<vmem>>[vector<16xi32>, vector<16xi32>], vector<16xf32>,
        %parallel_loop3A_312 = arith.constant 2 : i32
        %parallel_loop3A_313 = arith.constant 2 : i32
        %parallel_loop3A_314 = arith.index_cast %parallel_loop3A_312 : i32 to index
        %parallel_loop3A_315 = arith.index_cast %parallel_loop3A_313 : i32 to index
        %parallel_loop3A_316 = arith.index_cast %parallel_loop3A_240 : i32 to index
        %parallel_loop3A_317 = tpu.vector_load %arg7[%parallel_loop3A_314, %parallel_loop3A_315, %parallel_loop3A_316] {strides = array<i32>} : memref<4x16x512xf32, #tpu.memory_space<vmem>>, vector<16xf32>,
        tpu.vector_store %arg7[%parallel_loop3A_314, %parallel_loop3A_315, %parallel_loop3A_316], %parallel_loop3A_311 {strides = array<i32>} : memref<4x16x512xf32, #tpu.memory_space<vmem>>, vector<16xf32>,
        %parallel_loop3A_318 = arith.constant 3 : i32
        %parallel_loop3A_319 = vector.broadcast %parallel_loop3A_318 : i32 to vector<16xi32>
        %parallel_loop3A_320 = tpu.vector_load_idx %arg6[%parallel_loop3A_319, %parallel_loop3A_290] : memref<16x4913xf32, #tpu.memory_space<vmem>>[vector<16xi32>, vector<16xi32>], vector<16xf32>,
        %parallel_loop3A_321 = arith.constant 2 : i32
        %parallel_loop3A_322 = arith.constant 3 : i32
        %parallel_loop3A_323 = arith.index_cast %parallel_loop3A_321 : i32 to index
        %parallel_loop3A_324 = arith.index_cast %parallel_loop3A_322 : i32 to index
        %parallel_loop3A_325 = arith.index_cast %parallel_loop3A_240 : i32 to index
        %parallel_loop3A_326 = tpu.vector_load %arg7[%parallel_loop3A_323, %parallel_loop3A_324, %parallel_loop3A_325] {strides = array<i32>} : memref<4x16x512xf32, #tpu.memory_space<vmem>>, vector<16xf32>,
        tpu.vector_store %arg7[%parallel_loop3A_323, %parallel_loop3A_324, %parallel_loop3A_325], %parallel_loop3A_320 {strides = array<i32>} : memref<4x16x512xf32, #tpu.memory_space<vmem>>, vector<16xf32>,
        %parallel_loop3A_327 = arith.constant 4 : i32
        %parallel_loop3A_328 = vector.broadcast %parallel_loop3A_327 : i32 to vector<16xi32>
        %parallel_loop3A_329 = tpu.vector_load_idx %arg6[%parallel_loop3A_328, %parallel_loop3A_290] : memref<16x4913xf32, #tpu.memory_space<vmem>>[vector<16xi32>, vector<16xi32>], vector<16xf32>,
        %parallel_loop3A_330 = arith.constant 2 : i32
        %parallel_loop3A_331 = arith.constant 4 : i32
        %parallel_loop3A_332 = arith.index_cast %parallel_loop3A_330 : i32 to index
        %parallel_loop3A_333 = arith.index_cast %parallel_loop3A_331 : i32 to index
        %parallel_loop3A_334 = arith.index_cast %parallel_loop3A_240 : i32 to index
        %parallel_loop3A_335 = tpu.vector_load %arg7[%parallel_loop3A_332, %parallel_loop3A_333, %parallel_loop3A_334] {strides = array<i32>} : memref<4x16x512xf32, #tpu.memory_space<vmem>>, vector<16xf32>,
        tpu.vector_store %arg7[%parallel_loop3A_332, %parallel_loop3A_333, %parallel_loop3A_334], %parallel_loop3A_329 {strides = array<i32>} : memref<4x16x512xf32, #tpu.memory_space<vmem>>, vector<16xf32>,
        %parallel_loop3A_336 = arith.constant 5 : i32
        %parallel_loop3A_337 = vector.broadcast %parallel_loop3A_336 : i32 to vector<16xi32>
        %parallel_loop3A_338 = tpu.vector_load_idx %arg6[%parallel_loop3A_337, %parallel_loop3A_290] : memref<16x4913xf32, #tpu.memory_space<vmem>>[vector<16xi32>, vector<16xi32>], vector<16xf32>,
        %parallel_loop3A_339 = arith.constant 2 : i32
        %parallel_loop3A_340 = arith.constant 5 : i32
        %parallel_loop3A_341 = arith.index_cast %parallel_loop3A_339 : i32 to index
        %parallel_loop3A_342 = arith.index_cast %parallel_loop3A_340 : i32 to index
        %parallel_loop3A_343 = arith.index_cast %parallel_loop3A_240 : i32 to index
        %parallel_loop3A_344 = tpu.vector_load %arg7[%parallel_loop3A_341, %parallel_loop3A_342, %parallel_loop3A_343] {strides = array<i32>} : memref<4x16x512xf32, #tpu.memory_space<vmem>>, vector<16xf32>,
        tpu.vector_store %arg7[%parallel_loop3A_341, %parallel_loop3A_342, %parallel_loop3A_343], %parallel_loop3A_338 {strides = array<i32>} : memref<4x16x512xf32, #tpu.memory_space<vmem>>, vector<16xf32>,
        %parallel_loop3A_345 = arith.constant 6 : i32
        %parallel_loop3A_346 = vector.broadcast %parallel_loop3A_345 : i32 to vector<16xi32>
        %parallel_loop3A_347 = tpu.vector_load_idx %arg6[%parallel_loop3A_346, %parallel_loop3A_290] : memref<16x4913xf32, #tpu.memory_space<vmem>>[vector<16xi32>, vector<16xi32>], vector<16xf32>,
        %parallel_loop3A_348 = arith.constant 2 : i32
        %parallel_loop3A_349 = arith.constant 6 : i32
        %parallel_loop3A_350 = arith.index_cast %parallel_loop3A_348 : i32 to index
        %parallel_loop3A_351 = arith.index_cast %parallel_loop3A_349 : i32 to index
        %parallel_loop3A_352 = arith.index_cast %parallel_loop3A_240 : i32 to index
        %parallel_loop3A_353 = tpu.vector_load %arg7[%parallel_loop3A_350, %parallel_loop3A_351, %parallel_loop3A_352] {strides = array<i32>} : memref<4x16x512xf32, #tpu.memory_space<vmem>>, vector<16xf32>,
        tpu.vector_store %arg7[%parallel_loop3A_350, %parallel_loop3A_351, %parallel_loop3A_352], %parallel_loop3A_347 {strides = array<i32>} : memref<4x16x512xf32, #tpu.memory_space<vmem>>, vector<16xf32>,
        %parallel_loop3A_354 = arith.constant 7 : i32
        %parallel_loop3A_355 = vector.broadcast %parallel_loop3A_354 : i32 to vector<16xi32>
        %parallel_loop3A_356 = tpu.vector_load_idx %arg6[%parallel_loop3A_355, %parallel_loop3A_290] : memref<16x4913xf32, #tpu.memory_space<vmem>>[vector<16xi32>, vector<16xi32>], vector<16xf32>,
        %parallel_loop3A_357 = arith.constant 2 : i32
        %parallel_loop3A_358 = arith.constant 7 : i32
        %parallel_loop3A_359 = arith.index_cast %parallel_loop3A_357 : i32 to index
        %parallel_loop3A_360 = arith.index_cast %parallel_loop3A_358 : i32 to index
        %parallel_loop3A_361 = arith.index_cast %parallel_loop3A_240 : i32 to index
        %parallel_loop3A_362 = tpu.vector_load %arg7[%parallel_loop3A_359, %parallel_loop3A_360, %parallel_loop3A_361] {strides = array<i32>} : memref<4x16x512xf32, #tpu.memory_space<vmem>>, vector<16xf32>,
        tpu.vector_store %arg7[%parallel_loop3A_359, %parallel_loop3A_360, %parallel_loop3A_361], %parallel_loop3A_356 {strides = array<i32>} : memref<4x16x512xf32, #tpu.memory_space<vmem>>, vector<16xf32>,
        %parallel_loop3A_363 = arith.constant 8 : i32
        %parallel_loop3A_364 = vector.broadcast %parallel_loop3A_363 : i32 to vector<16xi32>
        %parallel_loop3A_365 = tpu.vector_load_idx %arg6[%parallel_loop3A_364, %parallel_loop3A_290] : memref<16x4913xf32, #tpu.memory_space<vmem>>[vector<16xi32>, vector<16xi32>], vector<16xf32>,
        %parallel_loop3A_366 = arith.constant 2 : i32
        %parallel_loop3A_367 = arith.constant 8 : i32
        %parallel_loop3A_368 = arith.index_cast %parallel_loop3A_366 : i32 to index
        %parallel_loop3A_369 = arith.index_cast %parallel_loop3A_367 : i32 to index
        %parallel_loop3A_370 = arith.index_cast %parallel_loop3A_240 : i32 to index
        %parallel_loop3A_371 = tpu.vector_load %arg7[%parallel_loop3A_368, %parallel_loop3A_369, %parallel_loop3A_370] {strides = array<i32>} : memref<4x16x512xf32, #tpu.memory_space<vmem>>, vector<16xf32>,
        tpu.vector_store %arg7[%parallel_loop3A_368, %parallel_loop3A_369, %parallel_loop3A_370], %parallel_loop3A_365 {strides = array<i32>} : memref<4x16x512xf32, #tpu.memory_space<vmem>>, vector<16xf32>,
        %parallel_loop3A_372 = arith.constant 9 : i32
        %parallel_loop3A_373 = vector.broadcast %parallel_loop3A_372 : i32 to vector<16xi32>
        %parallel_loop3A_374 = tpu.vector_load_idx %arg6[%parallel_loop3A_373, %parallel_loop3A_290] : memref<16x4913xf32, #tpu.memory_space<vmem>>[vector<16xi32>, vector<16xi32>], vector<16xf32>,
        %parallel_loop3A_375 = arith.constant 2 : i32
        %parallel_loop3A_376 = arith.constant 9 : i32
        %parallel_loop3A_377 = arith.index_cast %parallel_loop3A_375 : i32 to index
        %parallel_loop3A_378 = arith.index_cast %parallel_loop3A_376 : i32 to index
        %parallel_loop3A_379 = arith.index_cast %parallel_loop3A_240 : i32 to index
        %parallel_loop3A_380 = tpu.vector_load %arg7[%parallel_loop3A_377, %parallel_loop3A_378, %parallel_loop3A_379] {strides = array<i32>} : memref<4x16x512xf32, #tpu.memory_space<vmem>>, vector<16xf32>,
        tpu.vector_store %arg7[%parallel_loop3A_377, %parallel_loop3A_378, %parallel_loop3A_379], %parallel_loop3A_374 {strides = array<i32>} : memref<4x16x512xf32, #tpu.memory_space<vmem>>, vector<16xf32>,
        %parallel_loop3A_381 = arith.constant 10 : i32
        %parallel_loop3A_382 = vector.broadcast %parallel_loop3A_381 : i32 to vector<16xi32>
        %parallel_loop3A_383 = tpu.vector_load_idx %arg6[%parallel_loop3A_382, %parallel_loop3A_290] : memref<16x4913xf32, #tpu.memory_space<vmem>>[vector<16xi32>, vector<16xi32>], vector<16xf32>,
        %parallel_loop3A_384 = arith.constant 2 : i32
        %parallel_loop3A_385 = arith.constant 10 : i32
        %parallel_loop3A_386 = arith.index_cast %parallel_loop3A_384 : i32 to index
        %parallel_loop3A_387 = arith.index_cast %parallel_loop3A_385 : i32 to index
        %parallel_loop3A_388 = arith.index_cast %parallel_loop3A_240 : i32 to index
        %parallel_loop3A_389 = tpu.vector_load %arg7[%parallel_loop3A_386, %parallel_loop3A_387, %parallel_loop3A_388] {strides = array<i32>} : memref<4x16x512xf32, #tpu.memory_space<vmem>>, vector<16xf32>,
        tpu.vector_store %arg7[%parallel_loop3A_386, %parallel_loop3A_387, %parallel_loop3A_388], %parallel_loop3A_383 {strides = array<i32>} : memref<4x16x512xf32, #tpu.memory_space<vmem>>, vector<16xf32>,
        %parallel_loop3A_390 = arith.constant 11 : i32
        %parallel_loop3A_391 = vector.broadcast %parallel_loop3A_390 : i32 to vector<16xi32>
        %parallel_loop3A_392 = tpu.vector_load_idx %arg6[%parallel_loop3A_391, %parallel_loop3A_290] : memref<16x4913xf32, #tpu.memory_space<vmem>>[vector<16xi32>, vector<16xi32>], vector<16xf32>,
        %parallel_loop3A_393 = arith.constant 2 : i32
        %parallel_loop3A_394 = arith.constant 11 : i32
        %parallel_loop3A_395 = arith.index_cast %parallel_loop3A_393 : i32 to index
        %parallel_loop3A_396 = arith.index_cast %parallel_loop3A_394 : i32 to index
        %parallel_loop3A_397 = arith.index_cast %parallel_loop3A_240 : i32 to index
        %parallel_loop3A_398 = tpu.vector_load %arg7[%parallel_loop3A_395, %parallel_loop3A_396, %parallel_loop3A_397] {strides = array<i32>} : memref<4x16x512xf32, #tpu.memory_space<vmem>>, vector<16xf32>,
        tpu.vector_store %arg7[%parallel_loop3A_395, %parallel_loop3A_396, %parallel_loop3A_397], %parallel_loop3A_392 {strides = array<i32>} : memref<4x16x512xf32, #tpu.memory_space<vmem>>, vector<16xf32>,
        %parallel_loop3A_399 = arith.constant 12 : i32
        %parallel_loop3A_400 = vector.broadcast %parallel_loop3A_399 : i32 to vector<16xi32>
        %parallel_loop3A_401 = tpu.vector_load_idx %arg6[%parallel_loop3A_400, %parallel_loop3A_290] : memref<16x4913xf32, #tpu.memory_space<vmem>>[vector<16xi32>, vector<16xi32>], vector<16xf32>,
        %parallel_loop3A_402 = arith.constant 2 : i32
        %parallel_loop3A_403 = arith.constant 12 : i32
        %parallel_loop3A_404 = arith.index_cast %parallel_loop3A_402 : i32 to index
        %parallel_loop3A_405 = arith.index_cast %parallel_loop3A_403 : i32 to index
        %parallel_loop3A_406 = arith.index_cast %parallel_loop3A_240 : i32 to index
        %parallel_loop3A_407 = tpu.vector_load %arg7[%parallel_loop3A_404, %parallel_loop3A_405, %parallel_loop3A_406] {strides = array<i32>} : memref<4x16x512xf32, #tpu.memory_space<vmem>>, vector<16xf32>,
        tpu.vector_store %arg7[%parallel_loop3A_404, %parallel_loop3A_405, %parallel_loop3A_406], %parallel_loop3A_401 {strides = array<i32>} : memref<4x16x512xf32, #tpu.memory_space<vmem>>, vector<16xf32>,
        %parallel_loop3A_408 = arith.constant 13 : i32
        %parallel_loop3A_409 = vector.broadcast %parallel_loop3A_408 : i32 to vector<16xi32>
        %parallel_loop3A_410 = tpu.vector_load_idx %arg6[%parallel_loop3A_409, %parallel_loop3A_290] : memref<16x4913xf32, #tpu.memory_space<vmem>>[vector<16xi32>, vector<16xi32>], vector<16xf32>,
        %parallel_loop3A_411 = arith.constant 2 : i32
        %parallel_loop3A_412 = arith.constant 13 : i32
        %parallel_loop3A_413 = arith.index_cast %parallel_loop3A_411 : i32 to index
        %parallel_loop3A_414 = arith.index_cast %parallel_loop3A_412 : i32 to index
        %parallel_loop3A_415 = arith.index_cast %parallel_loop3A_240 : i32 to index
        %parallel_loop3A_416 = tpu.vector_load %arg7[%parallel_loop3A_413, %parallel_loop3A_414, %parallel_loop3A_415] {strides = array<i32>} : memref<4x16x512xf32, #tpu.memory_space<vmem>>, vector<16xf32>,
        tpu.vector_store %arg7[%parallel_loop3A_413, %parallel_loop3A_414, %parallel_loop3A_415], %parallel_loop3A_410 {strides = array<i32>} : memref<4x16x512xf32, #tpu.memory_space<vmem>>, vector<16xf32>,
        %parallel_loop3A_417 = arith.constant 14 : i32
        %parallel_loop3A_418 = vector.broadcast %parallel_loop3A_417 : i32 to vector<16xi32>
        %parallel_loop3A_419 = tpu.vector_load_idx %arg6[%parallel_loop3A_418, %parallel_loop3A_290] : memref<16x4913xf32, #tpu.memory_space<vmem>>[vector<16xi32>, vector<16xi32>], vector<16xf32>,
        %parallel_loop3A_420 = arith.constant 2 : i32
        %parallel_loop3A_421 = arith.constant 14 : i32
        %parallel_loop3A_422 = arith.index_cast %parallel_loop3A_420 : i32 to index
        %parallel_loop3A_423 = arith.index_cast %parallel_loop3A_421 : i32 to index
        %parallel_loop3A_424 = arith.index_cast %parallel_loop3A_240 : i32 to index
        %parallel_loop3A_425 = tpu.vector_load %arg7[%parallel_loop3A_422, %parallel_loop3A_423, %parallel_loop3A_424] {strides = array<i32>} : memref<4x16x512xf32, #tpu.memory_space<vmem>>, vector<16xf32>,
        tpu.vector_store %arg7[%parallel_loop3A_422, %parallel_loop3A_423, %parallel_loop3A_424], %parallel_loop3A_419 {strides = array<i32>} : memref<4x16x512xf32, #tpu.memory_space<vmem>>, vector<16xf32>,
        %parallel_loop3A_426 = arith.constant 15 : i32
        %parallel_loop3A_427 = vector.broadcast %parallel_loop3A_426 : i32 to vector<16xi32>
        %parallel_loop3A_428 = tpu.vector_load_idx %arg6[%parallel_loop3A_427, %parallel_loop3A_290] : memref<16x4913xf32, #tpu.memory_space<vmem>>[vector<16xi32>, vector<16xi32>], vector<16xf32>,
        %parallel_loop3A_429 = arith.constant 2 : i32
        %parallel_loop3A_430 = arith.constant 15 : i32
        %parallel_loop3A_431 = arith.index_cast %parallel_loop3A_429 : i32 to index
        %parallel_loop3A_432 = arith.index_cast %parallel_loop3A_430 : i32 to index
        %parallel_loop3A_433 = arith.index_cast %parallel_loop3A_240 : i32 to index
        %parallel_loop3A_434 = tpu.vector_load %arg7[%parallel_loop3A_431, %parallel_loop3A_432, %parallel_loop3A_433] {strides = array<i32>} : memref<4x16x512xf32, #tpu.memory_space<vmem>>, vector<16xf32>,
        tpu.vector_store %arg7[%parallel_loop3A_431, %parallel_loop3A_432, %parallel_loop3A_433], %parallel_loop3A_428 {strides = array<i32>} : memref<4x16x512xf32, #tpu.memory_space<vmem>>, vector<16xf32>,
        %parallel_loop3A_435 = arith.subf %add3A_145, %parallel_loop3A_246 : vector<16xf32>
        %parallel_loop3A_436 = arith.constant 0.00999999977 : f32
        %parallel_loop3A_437 = arith.constant 1.699000e+01 : f32
        %parallel_loop3A_438 = vector.broadcast %parallel_loop3A_436 : f32 to vector<16xf32>
        %parallel_loop3A_439 = arith.maximumf %parallel_loop3A_438, %parallel_loop3A_435 : vector<16xf32>
        %parallel_loop3A_440 = vector.broadcast %parallel_loop3A_437 : f32 to vector<16xf32>
        %parallel_loop3A_441 = arith.minimumf %parallel_loop3A_440, %parallel_loop3A_439 : vector<16xf32>
        %parallel_loop3A_442 = arith.subf %add3A_151, %parallel_loop3A_252 : vector<16xf32>
        %parallel_loop3A_443 = arith.constant 0.00999999977 : f32
        %parallel_loop3A_444 = arith.constant 1.699000e+01 : f32
        %parallel_loop3A_445 = vector.broadcast %parallel_loop3A_443 : f32 to vector<16xf32>
        %parallel_loop3A_446 = arith.maximumf %parallel_loop3A_445, %parallel_loop3A_442 : vector<16xf32>
        %parallel_loop3A_447 = vector.broadcast %parallel_loop3A_444 : f32 to vector<16xf32>
        %parallel_loop3A_448 = arith.minimumf %parallel_loop3A_447, %parallel_loop3A_446 : vector<16xf32>
        %parallel_loop3A_449 = arith.subf %add3A_157, %parallel_loop3A_258 : vector<16xf32>
        %parallel_loop3A_450 = arith.constant 0.00999999977 : f32
        %parallel_loop3A_451 = arith.constant 1.699000e+01 : f32
        %parallel_loop3A_452 = vector.broadcast %parallel_loop3A_450 : f32 to vector<16xf32>
        %parallel_loop3A_453 = arith.maximumf %parallel_loop3A_452, %parallel_loop3A_449 : vector<16xf32>
        %parallel_loop3A_454 = vector.broadcast %parallel_loop3A_451 : f32 to vector<16xf32>
        %parallel_loop3A_455 = arith.minimumf %parallel_loop3A_454, %parallel_loop3A_453 : vector<16xf32>
        %parallel_loop3A_456 = arith.fptosi %parallel_loop3A_441 : vector<16xf32> to vector<16xi32>
        %parallel_loop3A_457 = arith.constant 289 : i32
        %parallel_loop3A_458 = vector.broadcast %parallel_loop3A_457 : i32 to vector<16xi32>
        %parallel_loop3A_459 = arith.muli %parallel_loop3A_456, %parallel_loop3A_458 : vector<16xi32>
        %parallel_loop3A_460 = arith.fptosi %parallel_loop3A_448 : vector<16xf32> to vector<16xi32>
        %parallel_loop3A_461 = arith.constant 17 : i32
        %parallel_loop3A_462 = vector.broadcast %parallel_loop3A_461 : i32 to vector<16xi32>
        %parallel_loop3A_463 = arith.muli %parallel_loop3A_460, %parallel_loop3A_462 : vector<16xi32>
        %parallel_loop3A_464 = arith.addi %parallel_loop3A_459, %parallel_loop3A_463 : vector<16xi32>
        %parallel_loop3A_465 = arith.fptosi %parallel_loop3A_455 : vector<16xf32> to vector<16xi32>
        %parallel_loop3A_466 = arith.addi %parallel_loop3A_464, %parallel_loop3A_465 : vector<16xi32>
        %parallel_loop3A_467 = arith.constant 0 : i32
        %parallel_loop3A_468 = vector.broadcast %parallel_loop3A_467 : i32 to vector<16xi32>
        %parallel_loop3A_469 = tpu.vector_load_idx %arg6[%parallel_loop3A_468, %parallel_loop3A_466] : memref<16x4913xf32, #tpu.memory_space<vmem>>[vector<16xi32>, vector<16xi32>], vector<16xf32>,
        %parallel_loop3A_470 = arith.constant 3 : i32
        %parallel_loop3A_471 = arith.constant 0 : i32
        %parallel_loop3A_472 = arith.index_cast %parallel_loop3A_470 : i32 to index
        %parallel_loop3A_473 = arith.index_cast %parallel_loop3A_471 : i32 to index
        %parallel_loop3A_474 = arith.index_cast %parallel_loop3A_240 : i32 to index
        %parallel_loop3A_475 = tpu.vector_load %arg7[%parallel_loop3A_472, %parallel_loop3A_473, %parallel_loop3A_474] {strides = array<i32>} : memref<4x16x512xf32, #tpu.memory_space<vmem>>, vector<16xf32>,
        tpu.vector_store %arg7[%parallel_loop3A_472, %parallel_loop3A_473, %parallel_loop3A_474], %parallel_loop3A_469 {strides = array<i32>} : memref<4x16x512xf32, #tpu.memory_space<vmem>>, vector<16xf32>,
        %parallel_loop3A_476 = arith.constant 1 : i32
        %parallel_loop3A_477 = vector.broadcast %parallel_loop3A_476 : i32 to vector<16xi32>
        %parallel_loop3A_478 = tpu.vector_load_idx %arg6[%parallel_loop3A_477, %parallel_loop3A_466] : memref<16x4913xf32, #tpu.memory_space<vmem>>[vector<16xi32>, vector<16xi32>], vector<16xf32>,
        %parallel_loop3A_479 = arith.constant 3 : i32
        %parallel_loop3A_480 = arith.constant 1 : i32
        %parallel_loop3A_481 = arith.index_cast %parallel_loop3A_479 : i32 to index
        %parallel_loop3A_482 = arith.index_cast %parallel_loop3A_480 : i32 to index
        %parallel_loop3A_483 = arith.index_cast %parallel_loop3A_240 : i32 to index
        %parallel_loop3A_484 = tpu.vector_load %arg7[%parallel_loop3A_481, %parallel_loop3A_482, %parallel_loop3A_483] {strides = array<i32>} : memref<4x16x512xf32, #tpu.memory_space<vmem>>, vector<16xf32>,
        tpu.vector_store %arg7[%parallel_loop3A_481, %parallel_loop3A_482, %parallel_loop3A_483], %parallel_loop3A_478 {strides = array<i32>} : memref<4x16x512xf32, #tpu.memory_space<vmem>>, vector<16xf32>,
        %parallel_loop3A_485 = arith.constant 2 : i32
        %parallel_loop3A_486 = vector.broadcast %parallel_loop3A_485 : i32 to vector<16xi32>
        %parallel_loop3A_487 = tpu.vector_load_idx %arg6[%parallel_loop3A_486, %parallel_loop3A_466] : memref<16x4913xf32, #tpu.memory_space<vmem>>[vector<16xi32>, vector<16xi32>], vector<16xf32>,
        %parallel_loop3A_488 = arith.constant 3 : i32
        %parallel_loop3A_489 = arith.constant 2 : i32
        %parallel_loop3A_490 = arith.index_cast %parallel_loop3A_488 : i32 to index
        %parallel_loop3A_491 = arith.index_cast %parallel_loop3A_489 : i32 to index
        %parallel_loop3A_492 = arith.index_cast %parallel_loop3A_240 : i32 to index
        %parallel_loop3A_493 = tpu.vector_load %arg7[%parallel_loop3A_490, %parallel_loop3A_491, %parallel_loop3A_492] {strides = array<i32>} : memref<4x16x512xf32, #tpu.memory_space<vmem>>, vector<16xf32>,
        tpu.vector_store %arg7[%parallel_loop3A_490, %parallel_loop3A_491, %parallel_loop3A_492], %parallel_loop3A_487 {strides = array<i32>} : memref<4x16x512xf32, #tpu.memory_space<vmem>>, vector<16xf32>,
        %parallel_loop3A_494 = arith.constant 3 : i32
        %parallel_loop3A_495 = vector.broadcast %parallel_loop3A_494 : i32 to vector<16xi32>
        %parallel_loop3A_496 = tpu.vector_load_idx %arg6[%parallel_loop3A_495, %parallel_loop3A_466] : memref<16x4913xf32, #tpu.memory_space<vmem>>[vector<16xi32>, vector<16xi32>], vector<16xf32>,
        %parallel_loop3A_497 = arith.constant 3 : i32
        %parallel_loop3A_498 = arith.constant 3 : i32
        %parallel_loop3A_499 = arith.index_cast %parallel_loop3A_497 : i32 to index
        %parallel_loop3A_500 = arith.index_cast %parallel_loop3A_498 : i32 to index
        %parallel_loop3A_501 = arith.index_cast %parallel_loop3A_240 : i32 to index
        %parallel_loop3A_502 = tpu.vector_load %arg7[%parallel_loop3A_499, %parallel_loop3A_500, %parallel_loop3A_501] {strides = array<i32>} : memref<4x16x512xf32, #tpu.memory_space<vmem>>, vector<16xf32>,
        tpu.vector_store %arg7[%parallel_loop3A_499, %parallel_loop3A_500, %parallel_loop3A_501], %parallel_loop3A_496 {strides = array<i32>} : memref<4x16x512xf32, #tpu.memory_space<vmem>>, vector<16xf32>,
        %parallel_loop3A_503 = arith.constant 4 : i32
        %parallel_loop3A_504 = vector.broadcast %parallel_loop3A_503 : i32 to vector<16xi32>
        %parallel_loop3A_505 = tpu.vector_load_idx %arg6[%parallel_loop3A_504, %parallel_loop3A_466] : memref<16x4913xf32, #tpu.memory_space<vmem>>[vector<16xi32>, vector<16xi32>], vector<16xf32>,
        %parallel_loop3A_506 = arith.constant 3 : i32
        %parallel_loop3A_507 = arith.constant 4 : i32
        %parallel_loop3A_508 = arith.index_cast %parallel_loop3A_506 : i32 to index
        %parallel_loop3A_509 = arith.index_cast %parallel_loop3A_507 : i32 to index
        %parallel_loop3A_510 = arith.index_cast %parallel_loop3A_240 : i32 to index
        %parallel_loop3A_511 = tpu.vector_load %arg7[%parallel_loop3A_508, %parallel_loop3A_509, %parallel_loop3A_510] {strides = array<i32>} : memref<4x16x512xf32, #tpu.memory_space<vmem>>, vector<16xf32>,
        tpu.vector_store %arg7[%parallel_loop3A_508, %parallel_loop3A_509, %parallel_loop3A_510], %parallel_loop3A_505 {strides = array<i32>} : memref<4x16x512xf32, #tpu.memory_space<vmem>>, vector<16xf32>,
        %parallel_loop3A_512 = arith.constant 5 : i32
        %parallel_loop3A_513 = vector.broadcast %parallel_loop3A_512 : i32 to vector<16xi32>
        %parallel_loop3A_514 = tpu.vector_load_idx %arg6[%parallel_loop3A_513, %parallel_loop3A_466] : memref<16x4913xf32, #tpu.memory_space<vmem>>[vector<16xi32>, vector<16xi32>], vector<16xf32>,
        %parallel_loop3A_515 = arith.constant 3 : i32
        %parallel_loop3A_516 = arith.constant 5 : i32
        %parallel_loop3A_517 = arith.index_cast %parallel_loop3A_515 : i32 to index
        %parallel_loop3A_518 = arith.index_cast %parallel_loop3A_516 : i32 to index
        %parallel_loop3A_519 = arith.index_cast %parallel_loop3A_240 : i32 to index
        %parallel_loop3A_520 = tpu.vector_load %arg7[%parallel_loop3A_517, %parallel_loop3A_518, %parallel_loop3A_519] {strides = array<i32>} : memref<4x16x512xf32, #tpu.memory_space<vmem>>, vector<16xf32>,
        tpu.vector_store %arg7[%parallel_loop3A_517, %parallel_loop3A_518, %parallel_loop3A_519], %parallel_loop3A_514 {strides = array<i32>} : memref<4x16x512xf32, #tpu.memory_space<vmem>>, vector<16xf32>,
        %parallel_loop3A_521 = arith.constant 6 : i32
        %parallel_loop3A_522 = vector.broadcast %parallel_loop3A_521 : i32 to vector<16xi32>
        %parallel_loop3A_523 = tpu.vector_load_idx %arg6[%parallel_loop3A_522, %parallel_loop3A_466] : memref<16x4913xf32, #tpu.memory_space<vmem>>[vector<16xi32>, vector<16xi32>], vector<16xf32>,
        %parallel_loop3A_524 = arith.constant 3 : i32
        %parallel_loop3A_525 = arith.constant 6 : i32
        %parallel_loop3A_526 = arith.index_cast %parallel_loop3A_524 : i32 to index
        %parallel_loop3A_527 = arith.index_cast %parallel_loop3A_525 : i32 to index
        %parallel_loop3A_528 = arith.index_cast %parallel_loop3A_240 : i32 to index
        %parallel_loop3A_529 = tpu.vector_load %arg7[%parallel_loop3A_526, %parallel_loop3A_527, %parallel_loop3A_528] {strides = array<i32>} : memref<4x16x512xf32, #tpu.memory_space<vmem>>, vector<16xf32>,
        tpu.vector_store %arg7[%parallel_loop3A_526, %parallel_loop3A_527, %parallel_loop3A_528], %parallel_loop3A_523 {strides = array<i32>} : memref<4x16x512xf32, #tpu.memory_space<vmem>>, vector<16xf32>,
        %parallel_loop3A_530 = arith.constant 7 : i32
        %parallel_loop3A_531 = vector.broadcast %parallel_loop3A_530 : i32 to vector<16xi32>
        %parallel_loop3A_532 = tpu.vector_load_idx %arg6[%parallel_loop3A_531, %parallel_loop3A_466] : memref<16x4913xf32, #tpu.memory_space<vmem>>[vector<16xi32>, vector<16xi32>], vector<16xf32>,
        %parallel_loop3A_533 = arith.constant 3 : i32
        %parallel_loop3A_534 = arith.constant 7 : i32
        %parallel_loop3A_535 = arith.index_cast %parallel_loop3A_533 : i32 to index
        %parallel_loop3A_536 = arith.index_cast %parallel_loop3A_534 : i32 to index
        %parallel_loop3A_537 = arith.index_cast %parallel_loop3A_240 : i32 to index
        %parallel_loop3A_538 = tpu.vector_load %arg7[%parallel_loop3A_535, %parallel_loop3A_536, %parallel_loop3A_537] {strides = array<i32>} : memref<4x16x512xf32, #tpu.memory_space<vmem>>, vector<16xf32>,
        tpu.vector_store %arg7[%parallel_loop3A_535, %parallel_loop3A_536, %parallel_loop3A_537], %parallel_loop3A_532 {strides = array<i32>} : memref<4x16x512xf32, #tpu.memory_space<vmem>>, vector<16xf32>,
        %parallel_loop3A_539 = arith.constant 8 : i32
        %parallel_loop3A_540 = vector.broadcast %parallel_loop3A_539 : i32 to vector<16xi32>
        %parallel_loop3A_541 = tpu.vector_load_idx %arg6[%parallel_loop3A_540, %parallel_loop3A_466] : memref<16x4913xf32, #tpu.memory_space<vmem>>[vector<16xi32>, vector<16xi32>], vector<16xf32>,
        %parallel_loop3A_542 = arith.constant 3 : i32
        %parallel_loop3A_543 = arith.constant 8 : i32
        %parallel_loop3A_544 = arith.index_cast %parallel_loop3A_542 : i32 to index
        %parallel_loop3A_545 = arith.index_cast %parallel_loop3A_543 : i32 to index
        %parallel_loop3A_546 = arith.index_cast %parallel_loop3A_240 : i32 to index
        %parallel_loop3A_547 = tpu.vector_load %arg7[%parallel_loop3A_544, %parallel_loop3A_545, %parallel_loop3A_546] {strides = array<i32>} : memref<4x16x512xf32, #tpu.memory_space<vmem>>, vector<16xf32>,
        tpu.vector_store %arg7[%parallel_loop3A_544, %parallel_loop3A_545, %parallel_loop3A_546], %parallel_loop3A_541 {strides = array<i32>} : memref<4x16x512xf32, #tpu.memory_space<vmem>>, vector<16xf32>,
        %parallel_loop3A_548 = arith.constant 9 : i32
        %parallel_loop3A_549 = vector.broadcast %parallel_loop3A_548 : i32 to vector<16xi32>
        %parallel_loop3A_550 = tpu.vector_load_idx %arg6[%parallel_loop3A_549, %parallel_loop3A_466] : memref<16x4913xf32, #tpu.memory_space<vmem>>[vector<16xi32>, vector<16xi32>], vector<16xf32>,
        %parallel_loop3A_551 = arith.constant 3 : i32
        %parallel_loop3A_552 = arith.constant 9 : i32
        %parallel_loop3A_553 = arith.index_cast %parallel_loop3A_551 : i32 to index
        %parallel_loop3A_554 = arith.index_cast %parallel_loop3A_552 : i32 to index
        %parallel_loop3A_555 = arith.index_cast %parallel_loop3A_240 : i32 to index
        %parallel_loop3A_556 = tpu.vector_load %arg7[%parallel_loop3A_553, %parallel_loop3A_554, %parallel_loop3A_555] {strides = array<i32>} : memref<4x16x512xf32, #tpu.memory_space<vmem>>, vector<16xf32>,
        tpu.vector_store %arg7[%parallel_loop3A_553, %parallel_loop3A_554, %parallel_loop3A_555], %parallel_loop3A_550 {strides = array<i32>} : memref<4x16x512xf32, #tpu.memory_space<vmem>>, vector<16xf32>,
        %parallel_loop3A_557 = arith.constant 10 : i32
        %parallel_loop3A_558 = vector.broadcast %parallel_loop3A_557 : i32 to vector<16xi32>
        %parallel_loop3A_559 = tpu.vector_load_idx %arg6[%parallel_loop3A_558, %parallel_loop3A_466] : memref<16x4913xf32, #tpu.memory_space<vmem>>[vector<16xi32>, vector<16xi32>], vector<16xf32>,
        %parallel_loop3A_560 = arith.constant 3 : i32
        %parallel_loop3A_561 = arith.constant 10 : i32
        %parallel_loop3A_562 = arith.index_cast %parallel_loop3A_560 : i32 to index
        %parallel_loop3A_563 = arith.index_cast %parallel_loop3A_561 : i32 to index
        %parallel_loop3A_564 = arith.index_cast %parallel_loop3A_240 : i32 to index
        %parallel_loop3A_565 = tpu.vector_load %arg7[%parallel_loop3A_562, %parallel_loop3A_563, %parallel_loop3A_564] {strides = array<i32>} : memref<4x16x512xf32, #tpu.memory_space<vmem>>, vector<16xf32>,
        tpu.vector_store %arg7[%parallel_loop3A_562, %parallel_loop3A_563, %parallel_loop3A_564], %parallel_loop3A_559 {strides = array<i32>} : memref<4x16x512xf32, #tpu.memory_space<vmem>>, vector<16xf32>,
        %parallel_loop3A_566 = arith.constant 11 : i32
        %parallel_loop3A_567 = vector.broadcast %parallel_loop3A_566 : i32 to vector<16xi32>
        %parallel_loop3A_568 = tpu.vector_load_idx %arg6[%parallel_loop3A_567, %parallel_loop3A_466] : memref<16x4913xf32, #tpu.memory_space<vmem>>[vector<16xi32>, vector<16xi32>], vector<16xf32>,
        %parallel_loop3A_569 = arith.constant 3 : i32
        %parallel_loop3A_570 = arith.constant 11 : i32
        %parallel_loop3A_571 = arith.index_cast %parallel_loop3A_569 : i32 to index
        %parallel_loop3A_572 = arith.index_cast %parallel_loop3A_570 : i32 to index
        %parallel_loop3A_573 = arith.index_cast %parallel_loop3A_240 : i32 to index
        %parallel_loop3A_574 = tpu.vector_load %arg7[%parallel_loop3A_571, %parallel_loop3A_572, %parallel_loop3A_573] {strides = array<i32>} : memref<4x16x512xf32, #tpu.memory_space<vmem>>, vector<16xf32>,
        tpu.vector_store %arg7[%parallel_loop3A_571, %parallel_loop3A_572, %parallel_loop3A_573], %parallel_loop3A_568 {strides = array<i32>} : memref<4x16x512xf32, #tpu.memory_space<vmem>>, vector<16xf32>,
        %parallel_loop3A_575 = arith.constant 12 : i32
        %parallel_loop3A_576 = vector.broadcast %parallel_loop3A_575 : i32 to vector<16xi32>
        %parallel_loop3A_577 = tpu.vector_load_idx %arg6[%parallel_loop3A_576, %parallel_loop3A_466] : memref<16x4913xf32, #tpu.memory_space<vmem>>[vector<16xi32>, vector<16xi32>], vector<16xf32>,
        %parallel_loop3A_578 = arith.constant 3 : i32
        %parallel_loop3A_579 = arith.constant 12 : i32
        %parallel_loop3A_580 = arith.index_cast %parallel_loop3A_578 : i32 to index
        %parallel_loop3A_581 = arith.index_cast %parallel_loop3A_579 : i32 to index
        %parallel_loop3A_582 = arith.index_cast %parallel_loop3A_240 : i32 to index
        %parallel_loop3A_583 = tpu.vector_load %arg7[%parallel_loop3A_580, %parallel_loop3A_581, %parallel_loop3A_582] {strides = array<i32>} : memref<4x16x512xf32, #tpu.memory_space<vmem>>, vector<16xf32>,
        tpu.vector_store %arg7[%parallel_loop3A_580, %parallel_loop3A_581, %parallel_loop3A_582], %parallel_loop3A_577 {strides = array<i32>} : memref<4x16x512xf32, #tpu.memory_space<vmem>>, vector<16xf32>,
        %parallel_loop3A_584 = arith.constant 13 : i32
        %parallel_loop3A_585 = vector.broadcast %parallel_loop3A_584 : i32 to vector<16xi32>
        %parallel_loop3A_586 = tpu.vector_load_idx %arg6[%parallel_loop3A_585, %parallel_loop3A_466] : memref<16x4913xf32, #tpu.memory_space<vmem>>[vector<16xi32>, vector<16xi32>], vector<16xf32>,
        %parallel_loop3A_587 = arith.constant 3 : i32
        %parallel_loop3A_588 = arith.constant 13 : i32
        %parallel_loop3A_589 = arith.index_cast %parallel_loop3A_587 : i32 to index
        %parallel_loop3A_590 = arith.index_cast %parallel_loop3A_588 : i32 to index
        %parallel_loop3A_591 = arith.index_cast %parallel_loop3A_240 : i32 to index
        %parallel_loop3A_592 = tpu.vector_load %arg7[%parallel_loop3A_589, %parallel_loop3A_590, %parallel_loop3A_591] {strides = array<i32>} : memref<4x16x512xf32, #tpu.memory_space<vmem>>, vector<16xf32>,
        tpu.vector_store %arg7[%parallel_loop3A_589, %parallel_loop3A_590, %parallel_loop3A_591], %parallel_loop3A_586 {strides = array<i32>} : memref<4x16x512xf32, #tpu.memory_space<vmem>>, vector<16xf32>,
        %parallel_loop3A_593 = arith.constant 14 : i32
        %parallel_loop3A_594 = vector.broadcast %parallel_loop3A_593 : i32 to vector<16xi32>
        %parallel_loop3A_595 = tpu.vector_load_idx %arg6[%parallel_loop3A_594, %parallel_loop3A_466] : memref<16x4913xf32, #tpu.memory_space<vmem>>[vector<16xi32>, vector<16xi32>], vector<16xf32>,
        %parallel_loop3A_596 = arith.constant 3 : i32
        %parallel_loop3A_597 = arith.constant 14 : i32
        %parallel_loop3A_598 = arith.index_cast %parallel_loop3A_596 : i32 to index
        %parallel_loop3A_599 = arith.index_cast %parallel_loop3A_597 : i32 to index
        %parallel_loop3A_600 = arith.index_cast %parallel_loop3A_240 : i32 to index
        %parallel_loop3A_601 = tpu.vector_load %arg7[%parallel_loop3A_598, %parallel_loop3A_599, %parallel_loop3A_600] {strides = array<i32>} : memref<4x16x512xf32, #tpu.memory_space<vmem>>, vector<16xf32>,
        tpu.vector_store %arg7[%parallel_loop3A_598, %parallel_loop3A_599, %parallel_loop3A_600], %parallel_loop3A_595 {strides = array<i32>} : memref<4x16x512xf32, #tpu.memory_space<vmem>>, vector<16xf32>,
        %parallel_loop3A_602 = arith.constant 15 : i32
        %parallel_loop3A_603 = vector.broadcast %parallel_loop3A_602 : i32 to vector<16xi32>
        %parallel_loop3A_604 = tpu.vector_load_idx %arg6[%parallel_loop3A_603, %parallel_loop3A_466] : memref<16x4913xf32, #tpu.memory_space<vmem>>[vector<16xi32>, vector<16xi32>], vector<16xf32>,
        %parallel_loop3A_605 = arith.constant 3 : i32
        %parallel_loop3A_606 = arith.constant 15 : i32
        %parallel_loop3A_607 = arith.index_cast %parallel_loop3A_605 : i32 to index
        %parallel_loop3A_608 = arith.index_cast %parallel_loop3A_606 : i32 to index
        %parallel_loop3A_609 = arith.index_cast %parallel_loop3A_240 : i32 to index
        %parallel_loop3A_610 = tpu.vector_load %arg7[%parallel_loop3A_607, %parallel_loop3A_608, %parallel_loop3A_609] {strides = array<i32>} : memref<4x16x512xf32, #tpu.memory_space<vmem>>, vector<16xf32>,
        tpu.vector_store %arg7[%parallel_loop3A_607, %parallel_loop3A_608, %parallel_loop3A_609], %parallel_loop3A_604 {strides = array<i32>} : memref<4x16x512xf32, #tpu.memory_space<vmem>>, vector<16xf32>,
      } {sc.loop_unroll_factor = 1 : i64, sc.parallel_access}
      %dma_start3A_203 = arith.constant 2 : i32
      %dma_start3A_204 = arith.constant 0 : i32
      %dma_start3A_205 = arith.constant 0 : i32
      %dma_start3A_206 = tpu.memref_slice %arg7[%dma_start3A_203, %dma_start3A_204, %dma_start3A_205] : memref<4x16x512xf32, #tpu.memory_space<vmem>> -> memref<1x16x512xf32, #tpu.memory_space<vmem>>
      %dma_start3A_207 = tpu.memref_squeeze %dma_start3A_206 : memref<1x16x512xf32, #tpu.memory_space<vmem>> -> memref<16x512xf32, #tpu.memory_space<vmem>>
      %dma_start3A_208 = arith.constant 0 : i32
      %dma_start3A_209 = arith.constant 512 : i32
      %dma_start3A_210 = tpu.memref_slice %arg4[%select_n3A, %dma_start3A_208, %add3A_118, %dma_start3A_209] : memref<4x16x1024x1024xf32, #tpu.memory_space<hbm>> -> memref<1x16x1x512xf32, #tpu.memory_space<hbm>>
      %dma_start3A_211 = tpu.memref_squeeze %dma_start3A_210 : memref<1x16x1x512xf32, #tpu.memory_space<hbm>> -> memref<16x512xf32, #tpu.memory_space<hbm>>
      %dma_start3A_212 = arith.constant 0 : i32
      %dma_start3A_213 = arith.constant 512 : i32
      %dma_start3A_214 = tpu.memref_slice %arg4[%select_n3A, %dma_start3A_212, %add3A_118, %dma_start3A_213] : memref<4x16x1024x1024xf32, #tpu.memory_space<hbm>> -> memref<1x16x1x512xf32, #tpu.memory_space<hbm>>
      %dma_start3A_215 = tpu.memref_squeeze %dma_start3A_214 : memref<1x16x1x512xf32, #tpu.memory_space<hbm>> -> memref<16x512xf32, #tpu.memory_space<hbm>>
      %dma_start3A_216 = arith.constant 0 : i32
      %dma_start3A_217 = arith.constant 0 : i32
      %dma_start3A_218 = tpu.memref_slice %arg7[%dma_start3A_203, %dma_start3A_216, %dma_start3A_217] : memref<4x16x512xf32, #tpu.memory_space<vmem>> -> memref<1x16x512xf32, #tpu.memory_space<vmem>>
      %dma_start3A_219 = tpu.memref_squeeze %dma_start3A_218 : memref<1x16x512xf32, #tpu.memory_space<vmem>> -> memref<16x512xf32, #tpu.memory_space<vmem>>
      tpu.enqueue_dma source(%dma_start3A_219 : memref<16x512xf32, #tpu.memory_space<vmem>>) target(%dma_start3A_215 : memref<16x512xf32, #tpu.memory_space<hbm>>) target_semaphore(%arg10 : memref<!tpu.dma_semaphore, #tpu.memory_space<semaphore_mem>>)
      %dma_start3A_220 = arith.constant 3 : i32
      %dma_start3A_221 = arith.constant 0 : i32
      %dma_start3A_222 = arith.constant 0 : i32
      %dma_start3A_223 = tpu.memref_slice %arg7[%dma_start3A_220, %dma_start3A_221, %dma_start3A_222] : memref<4x16x512xf32, #tpu.memory_space<vmem>> -> memref<1x16x512xf32, #tpu.memory_space<vmem>>
      %dma_start3A_224 = tpu.memref_squeeze %dma_start3A_223 : memref<1x16x512xf32, #tpu.memory_space<vmem>> -> memref<16x512xf32, #tpu.memory_space<vmem>>
      %dma_start3A_225 = arith.constant 0 : i32
      %dma_start3A_226 = arith.constant 512 : i32
      %dma_start3A_227 = tpu.memref_slice %arg4[%select_n3A, %dma_start3A_225, %add3A_121, %dma_start3A_226] : memref<4x16x1024x1024xf32, #tpu.memory_space<hbm>> -> memref<1x16x1x512xf32, #tpu.memory_space<hbm>>
      %dma_start3A_228 = tpu.memref_squeeze %dma_start3A_227 : memref<1x16x1x512xf32, #tpu.memory_space<hbm>> -> memref<16x512xf32, #tpu.memory_space<hbm>>
      %dma_start3A_229 = arith.constant 0 : i32
      %dma_start3A_230 = arith.constant 512 : i32
      %dma_start3A_231 = tpu.memref_slice %arg4[%select_n3A, %dma_start3A_229, %add3A_121, %dma_start3A_230] : memref<4x16x1024x1024xf32, #tpu.memory_space<hbm>> -> memref<1x16x1x512xf32, #tpu.memory_space<hbm>>
      %dma_start3A_232 = tpu.memref_squeeze %dma_start3A_231 : memref<1x16x1x512xf32, #tpu.memory_space<hbm>> -> memref<16x512xf32, #tpu.memory_space<hbm>>
      %dma_start3A_233 = arith.constant 0 : i32
      %dma_start3A_234 = arith.constant 0 : i32
      %dma_start3A_235 = tpu.memref_slice %arg7[%dma_start3A_220, %dma_start3A_233, %dma_start3A_234] : memref<4x16x512xf32, #tpu.memory_space<vmem>> -> memref<1x16x512xf32, #tpu.memory_space<vmem>>
      %dma_start3A_236 = tpu.memref_squeeze %dma_start3A_235 : memref<1x16x512xf32, #tpu.memory_space<vmem>> -> memref<16x512xf32, #tpu.memory_space<vmem>>
      tpu.enqueue_dma source(%dma_start3A_236 : memref<16x512xf32, #tpu.memory_space<vmem>>) target(%dma_start3A_232 : memref<16x512xf32, #tpu.memory_space<hbm>>) target_semaphore(%arg11 : memref<!tpu.dma_semaphore, #tpu.memory_space<semaphore_mem>>)
      %scan3A_237 = arith.constant 0 : i32
      scf.yield %scan3A_237 : i32
    }
    %scan3A_38 = arith.constant 64 : i32
    %dma_wait3A = arith.constant 0 : i32
    %dma_wait3A_39 = arith.constant 0 : i32
    %dma_wait3A_40 = arith.constant 0 : i32
    %dma_wait3A_41 = arith.constant 0 : i32
    %dma_wait3A_42 = arith.constant 0 : i32
    %dma_wait3A_43 = tpu.memref_slice %arg7[%dma_wait3A, %dma_wait3A_41, %dma_wait3A_42] : memref<4x16x512xf32, #tpu.memory_space<vmem>> -> memref<1x16x512xf32, #tpu.memory_space<vmem>>
    %dma_wait3A_44 = tpu.memref_squeeze %dma_wait3A_43 : memref<1x16x512xf32, #tpu.memory_space<vmem>> -> memref<16x512xf32, #tpu.memory_space<vmem>>
    %dma_wait3A_45 = arith.constant 0 : i32
    %dma_wait3A_46 = arith.constant 0 : i32
    %dma_wait3A_47 = tpu.memref_slice %arg4[%dma_wait3A_39, %dma_wait3A_45, %dma_wait3A_40, %dma_wait3A_46] : memref<4x16x1024x1024xf32, #tpu.memory_space<hbm>> -> memref<1x16x1x512xf32, #tpu.memory_space<hbm>>
    %dma_wait3A_48 = tpu.memref_squeeze %dma_wait3A_47 : memref<1x16x1x512xf32, #tpu.memory_space<hbm>> -> memref<16x512xf32, #tpu.memory_space<hbm>>
    %dma_wait3A_49 = arith.constant 0 : i32
    %dma_wait3A_50 = arith.constant 0 : i32
    %dma_wait3A_51 = tpu.memref_slice %arg4[%dma_wait3A_39, %dma_wait3A_49, %dma_wait3A_40, %dma_wait3A_50] : memref<4x16x1024x1024xf32, #tpu.memory_space<hbm>> -> memref<1x16x1x512xf32, #tpu.memory_space<hbm>>
    %dma_wait3A_52 = tpu.memref_squeeze %dma_wait3A_51 : memref<1x16x1x512xf32, #tpu.memory_space<hbm>> -> memref<16x512xf32, #tpu.memory_space<hbm>>
    %dma_wait3A_53 = arith.constant 0 : i32
    %dma_wait3A_54 = arith.constant 0 : i32
    %dma_wait3A_55 = tpu.memref_slice %arg7[%dma_wait3A, %dma_wait3A_53, %dma_wait3A_54] : memref<4x16x512xf32, #tpu.memory_space<vmem>> -> memref<1x16x512xf32, #tpu.memory_space<vmem>>
    %dma_wait3A_56 = tpu.memref_squeeze %dma_wait3A_55 : memref<1x16x512xf32, #tpu.memory_space<vmem>> -> memref<16x512xf32, #tpu.memory_space<vmem>>
    tpu.wait_dma2 semaphore(%arg8 : memref<!tpu.dma_semaphore, #tpu.memory_space<semaphore_mem>>) src(%dma_wait3A_56 : memref<16x512xf32, #tpu.memory_space<vmem>>) dst(%dma_wait3A_52 : memref<16x512xf32, #tpu.memory_space<hbm>>)
    %dma_wait3A_57 = arith.constant 1 : i32
    %dma_wait3A_58 = arith.constant 0 : i32
    %dma_wait3A_59 = arith.constant 0 : i32
    %dma_wait3A_60 = arith.constant 0 : i32
    %dma_wait3A_61 = arith.constant 0 : i32
    %dma_wait3A_62 = tpu.memref_slice %arg7[%dma_wait3A_57, %dma_wait3A_60, %dma_wait3A_61] : memref<4x16x512xf32, #tpu.memory_space<vmem>> -> memref<1x16x512xf32, #tpu.memory_space<vmem>>
    %dma_wait3A_63 = tpu.memref_squeeze %dma_wait3A_62 : memref<1x16x512xf32, #tpu.memory_space<vmem>> -> memref<16x512xf32, #tpu.memory_space<vmem>>
    %dma_wait3A_64 = arith.constant 0 : i32
    %dma_wait3A_65 = arith.constant 0 : i32
    %dma_wait3A_66 = tpu.memref_slice %arg4[%dma_wait3A_58, %dma_wait3A_64, %dma_wait3A_59, %dma_wait3A_65] : memref<4x16x1024x1024xf32, #tpu.memory_space<hbm>> -> memref<1x16x1x512xf32, #tpu.memory_space<hbm>>
    %dma_wait3A_67 = tpu.memref_squeeze %dma_wait3A_66 : memref<1x16x1x512xf32, #tpu.memory_space<hbm>> -> memref<16x512xf32, #tpu.memory_space<hbm>>
    %dma_wait3A_68 = arith.constant 0 : i32
    %dma_wait3A_69 = arith.constant 0 : i32
    %dma_wait3A_70 = tpu.memref_slice %arg4[%dma_wait3A_58, %dma_wait3A_68, %dma_wait3A_59, %dma_wait3A_69] : memref<4x16x1024x1024xf32, #tpu.memory_space<hbm>> -> memref<1x16x1x512xf32, #tpu.memory_space<hbm>>
    %dma_wait3A_71 = tpu.memref_squeeze %dma_wait3A_70 : memref<1x16x1x512xf32, #tpu.memory_space<hbm>> -> memref<16x512xf32, #tpu.memory_space<hbm>>
    %dma_wait3A_72 = arith.constant 0 : i32
    %dma_wait3A_73 = arith.constant 0 : i32
    %dma_wait3A_74 = tpu.memref_slice %arg7[%dma_wait3A_57, %dma_wait3A_72, %dma_wait3A_73] : memref<4x16x512xf32, #tpu.memory_space<vmem>> -> memref<1x16x512xf32, #tpu.memory_space<vmem>>
    %dma_wait3A_75 = tpu.memref_squeeze %dma_wait3A_74 : memref<1x16x512xf32, #tpu.memory_space<vmem>> -> memref<16x512xf32, #tpu.memory_space<vmem>>
    tpu.wait_dma2 semaphore(%arg9 : memref<!tpu.dma_semaphore, #tpu.memory_space<semaphore_mem>>) src(%dma_wait3A_75 : memref<16x512xf32, #tpu.memory_space<vmem>>) dst(%dma_wait3A_71 : memref<16x512xf32, #tpu.memory_space<hbm>>)
    %dma_wait3A_76 = arith.constant 2 : i32
    %dma_wait3A_77 = arith.constant 0 : i32
    %dma_wait3A_78 = arith.constant 0 : i32
    %dma_wait3A_79 = arith.constant 0 : i32
    %dma_wait3A_80 = arith.constant 0 : i32
    %dma_wait3A_81 = tpu.memref_slice %arg7[%dma_wait3A_76, %dma_wait3A_79, %dma_wait3A_80] : memref<4x16x512xf32, #tpu.memory_space<vmem>> -> memref<1x16x512xf32, #tpu.memory_space<vmem>>
    %dma_wait3A_82 = tpu.memref_squeeze %dma_wait3A_81 : memref<1x16x512xf32, #tpu.memory_space<vmem>> -> memref<16x512xf32, #tpu.memory_space<vmem>>
    %dma_wait3A_83 = arith.constant 0 : i32
    %dma_wait3A_84 = arith.constant 0 : i32
    %dma_wait3A_85 = tpu.memref_slice %arg4[%dma_wait3A_77, %dma_wait3A_83, %dma_wait3A_78, %dma_wait3A_84] : memref<4x16x1024x1024xf32, #tpu.memory_space<hbm>> -> memref<1x16x1x512xf32, #tpu.memory_space<hbm>>
    %dma_wait3A_86 = tpu.memref_squeeze %dma_wait3A_85 : memref<1x16x1x512xf32, #tpu.memory_space<hbm>> -> memref<16x512xf32, #tpu.memory_space<hbm>>
    %dma_wait3A_87 = arith.constant 0 : i32
    %dma_wait3A_88 = arith.constant 0 : i32
    %dma_wait3A_89 = tpu.memref_slice %arg4[%dma_wait3A_77, %dma_wait3A_87, %dma_wait3A_78, %dma_wait3A_88] : memref<4x16x1024x1024xf32, #tpu.memory_space<hbm>> -> memref<1x16x1x512xf32, #tpu.memory_space<hbm>>
    %dma_wait3A_90 = tpu.memref_squeeze %dma_wait3A_89 : memref<1x16x1x512xf32, #tpu.memory_space<hbm>> -> memref<16x512xf32, #tpu.memory_space<hbm>>
    %dma_wait3A_91 = arith.constant 0 : i32
    %dma_wait3A_92 = arith.constant 0 : i32
    %dma_wait3A_93 = tpu.memref_slice %arg7[%dma_wait3A_76, %dma_wait3A_91, %dma_wait3A_92] : memref<4x16x512xf32, #tpu.memory_space<vmem>> -> memref<1x16x512xf32, #tpu.memory_space<vmem>>
    %dma_wait3A_94 = tpu.memref_squeeze %dma_wait3A_93 : memref<1x16x512xf32, #tpu.memory_space<vmem>> -> memref<16x512xf32, #tpu.memory_space<vmem>>
    tpu.wait_dma2 semaphore(%arg10 : memref<!tpu.dma_semaphore, #tpu.memory_space<semaphore_mem>>) src(%dma_wait3A_94 : memref<16x512xf32, #tpu.memory_space<vmem>>) dst(%dma_wait3A_90 : memref<16x512xf32, #tpu.memory_space<hbm>>)
    %dma_wait3A_95 = arith.constant 3 : i32
    %dma_wait3A_96 = arith.constant 0 : i32
    %dma_wait3A_97 = arith.constant 0 : i32
    %dma_wait3A_98 = arith.constant 0 : i32
    %dma_wait3A_99 = arith.constant 0 : i32
    %dma_wait3A_100 = tpu.memref_slice %arg7[%dma_wait3A_95, %dma_wait3A_98, %dma_wait3A_99] : memref<4x16x512xf32, #tpu.memory_space<vmem>> -> memref<1x16x512xf32, #tpu.memory_space<vmem>>
    %dma_wait3A_101 = tpu.memref_squeeze %dma_wait3A_100 : memref<1x16x512xf32, #tpu.memory_space<vmem>> -> memref<16x512xf32, #tpu.memory_space<vmem>>
    %dma_wait3A_102 = arith.constant 0 : i32
    %dma_wait3A_103 = arith.constant 0 : i32
    %dma_wait3A_104 = tpu.memref_slice %arg4[%dma_wait3A_96, %dma_wait3A_102, %dma_wait3A_97, %dma_wait3A_103] : memref<4x16x1024x1024xf32, #tpu.memory_space<hbm>> -> memref<1x16x1x512xf32, #tpu.memory_space<hbm>>
    %dma_wait3A_105 = tpu.memref_squeeze %dma_wait3A_104 : memref<1x16x1x512xf32, #tpu.memory_space<hbm>> -> memref<16x512xf32, #tpu.memory_space<hbm>>
    %dma_wait3A_106 = arith.constant 0 : i32
    %dma_wait3A_107 = arith.constant 0 : i32
    %dma_wait3A_108 = tpu.memref_slice %arg4[%dma_wait3A_96, %dma_wait3A_106, %dma_wait3A_97, %dma_wait3A_107] : memref<4x16x1024x1024xf32, #tpu.memory_space<hbm>> -> memref<1x16x1x512xf32, #tpu.memory_space<hbm>>
    %dma_wait3A_109 = tpu.memref_squeeze %dma_wait3A_108 : memref<1x16x1x512xf32, #tpu.memory_space<hbm>> -> memref<16x512xf32, #tpu.memory_space<hbm>>
    %dma_wait3A_110 = arith.constant 0 : i32
    %dma_wait3A_111 = arith.constant 0 : i32
    %dma_wait3A_112 = tpu.memref_slice %arg7[%dma_wait3A_95, %dma_wait3A_110, %dma_wait3A_111] : memref<4x16x512xf32, #tpu.memory_space<vmem>> -> memref<1x16x512xf32, #tpu.memory_space<vmem>>
    %dma_wait3A_113 = tpu.memref_squeeze %dma_wait3A_112 : memref<1x16x512xf32, #tpu.memory_space<vmem>> -> memref<16x512xf32, #tpu.memory_space<vmem>>
    tpu.wait_dma2 semaphore(%arg11 : memref<!tpu.dma_semaphore, #tpu.memory_space<semaphore_mem>>) src(%dma_wait3A_113 : memref<16x512xf32, #tpu.memory_space<vmem>>) dst(%dma_wait3A_109 : memref<16x512xf32, #tpu.memory_space<hbm>>)
    return
  }
}

</mosaic_0001>

<sc_bundles>
// kernel: kernel.3.cloned.1.call-start
scs
__scs_entry_jumppad:
0x0: {  	(pc) =	sbr.rel $0x88, $3  }
0x1: {  	(tag) =	ssettag $0x0;
	lr =	simm.s32 $0x1  }
0x2: {  	[smem:$0x3F9F] =	sst lr;
	_ =	strace $0xD0000000  }
0x3: {  	_ = 	snop  }
0x4: {  	_ = 	snop  }
0x5: {  	_ = 	snop  }
0x6: {  	_ = 	snop  }
0x7: {  	_ = 	snop  }
__scs_overlays_trampoline_lowered:
0x8: {  	[smem:$0x3FAE] =	sst s0  }
0x9: {  	[smem:$0x3FAF] =	sst s1  }
0xa: {  	[smem:$0x3FB0] =	sst s2  }
0xb: {  	[smem:$0x3FB1] =	sst s3  }
0xc: {  	[smem:$0x3FB2] =	sst s4  }
0xd: {  	[smem:$0x3FB3] =	sst s5  }
0xe: {  	[smem:$0x3FB4] =	sst s6  }
0xf: {  	[smem:$0x3FB5] =	sst s7  }
0x10: {  	[smem:$0x3FB6] =	sst s8  }
0x11: {  	[smem:$0x3FB7] =	sst s9;
	s0 =	simm.s32 @!p0 $0x0  }
0x12: {  	s1 =	sld [smem:$0x3F9D];
	s0 =	simm.s32 @p0 $0x1  }
0x13: {  	[smem:$0x3FB8] =	sst s0;
	s0 =	simm.s32 @!p1 $0x0  }
0x14: {  	s2 =	sld [smem:$0x3F9C];
	s0 =	simm.s32 @p1 $0x1  }
0x15: {  	[smem:$0x3FB9] =	sst s0;
	s0 =	simm.s32 @!p2 $0x0  }
0x16: {  	s3 =	sld [smem:$0x3FDB];
	s0 =	simm.s32 @p2 $0x1  }
0x17: {  	s4 =	simm.s32 $0x1BF5;
	[smem:$0x3FBB] =	sst s0  }
0x18: {  	s0 =	sld [smem:$0x3F9E];
	_ =	swait.ge [sflag:s4], $0x0  }
0x19: {  	s7 =	sld [smem:$0x3F9F]  }
0x1a: {  	s8 =	sadd.s32 $0xFFFFE003, lr  }
0x1b: {  	s9 =	sadd.s32 $0xFFFFFEF7, lr;
	s5 =	simm.s32 $0xFFFFFFFF;
	p2 =	slt.u32 s8, $0xFFFFF086  }
0x1c: {  	p1 =	slt.u32 s9, $0xF7A;
	s5 =	simm.s32 @!p2 $0x0  }
0x1d: {  	s5 =	simm.s32 @p1 $0x1;
	p0 =	seq.s32 s7, s2  }
0x1e: {  	s7 =	smul.u32 @!p0 $0xF7A, s2;
	p2 =	seq.s32 @!p0 s5, $0x0  }
0x1f: {  	s9 =	smul.u32 $0xF7A, s1;
	s8 =	simm.s32 @!p0 $0x1BF5;
	p2 =	por !p2, p0  }
0x20: {  	[sflag:s8] =	ssyncset.s32 @!p0 $0xFFFFF086;
	s6 =	sadd.s32 @!p0 s3, s7;
	s7 =	simm.s32 @!p0 $0x108  }
0x21: {  	s3 =	sadd.s32 s3, s9;
	s6 =	sadd.s32 @!p0 $0x88, s6;
	s7 =	simm.s32 @p2 $0x1082  }
0x22: {  	[simem:s7], [sflag:s8] =	dma.local @!p0 [hbm:s6], $0xF7A  }
0x23: {  	s9 =	sor.u32 $0xD0000000, s2;
	s6 =	simm.s32 $0x108;
	_ =	swait.ge @!p0 [sflag:s8], $0x0  }
0x24: {  	s3 =	sadd.s32 $0x88, s3;
	s6 =	simm.s32 @!p1 $0x1082;
	[sflag:s4] =	ssyncset.s32 $0xFFFFF086  }
0x25: {  	[simem:s6], [sflag:s4] =	dma.local [hbm:s3], $0xF7A  }
0x26: {  	[smem:$0x3F9F] =	sst s1;
	(tag) =	ssettag s2;
	_ =	strace s9  }
0x27: {  	s1 =	sld [smem:$0x3FAF]  }
0x28: {  	s2 =	sld [smem:$0x3FB0]  }
0x29: {  	s4 =	sld [smem:$0x3FB2]  }
0x2a: {  	p0 =	seq.s32 s5, $0x0;
	s5 =	sld [smem:$0x3FB3]  }
0x2b: {  	s6 =	sld [smem:$0x3FB4]  }
0x2c: {  	s7 =	sld [smem:$0x3FB5]  }
0x2d: {  	s3 =	simm.s32 $0x108;
	s8 =	sld [smem:$0x3FB6]  }
0x2e: {  	s3 =	simm.s32 @!p0 $0x1082;
	s9 =	sld [smem:$0x3FB7]  }
0x2f: {  	lr =	sadd.s32 s0, s3;
	s0 =	sld [smem:$0x3FAE]  }
0x30: {  	s3 =	sld [smem:$0x3FB1]  }
0x31: {  	[smem:$0x3FBA] =	sst s10  }
0x32: {  	s10 =	sld [smem:$0x3FB8];
	_ =	sdelay $0x3  }
0x33: {  	p0 =	seq.s32 s10, $0x1;
	s10 =	sld [smem:$0x3FBA];
	_ =	sdelay $0x3  }
0x34: {  	[smem:$0x3FBA] =	sst s10  }
0x35: {  	s10 =	sld [smem:$0x3FB9];
	_ =	sdelay $0x3  }
0x36: {  	p1 =	seq.s32 s10, $0x1;
	s10 =	sld [smem:$0x3FBA];
	_ =	sdelay $0x3  }
0x37: {  	[smem:$0x3FBA] =	sst s10  }
0x38: {  	s10 =	sld [smem:$0x3FBB]  }
0x39: {  	_ = 	snop;
	(pc) =	sbr.ind lr, $3  }
0x3a: {  	_ = 	snop  }
0x3b: {  	_ = 	snop  }
0x3c: {  	p2 =	seq.s32 s10, $0x1;
	s10 =	sld [smem:$0x3FBA]  }
0x3d: {  	_ =	shalt  }
0x3e: {  	_ =	shalt  }
0x3f: {  	_ =	shalt  }
0x40: {  	_ =	shalt  }
0x41: {  	_ =	shalt  }
0x42: {  	_ =	shalt  }
0x43: {  	_ =	shalt  }
0x44: {  	_ =	shalt  }
0x45: {  	_ =	shalt  }
0x46: {  	_ =	shalt  }
0x47: {  	_ =	shalt  }
0x48: {  	_ =	shalt  }
0x49: {  	_ =	shalt  }
0x4a: {  	_ =	shalt  }
0x4b: {  	_ =	shalt  }
0x4c: {  	_ =	shalt  }
0x4d: {  	_ =	shalt  }
0x4e: {  	_ =	shalt  }
0x4f: {  	_ =	shalt  }
0x50: {  	_ =	shalt  }
0x51: {  	_ =	shalt  }
0x52: {  	_ =	shalt  }
0x53: {  	_ =	shalt  }
0x54: {  	_ =	shalt  }
0x55: {  	_ =	shalt  }
0x56: {  	_ =	shalt  }
0x57: {  	_ =	shalt  }
0x58: {  	_ =	shalt  }
0x59: {  	_ =	shalt  }
0x5a: {  	_ =	shalt  }
0x5b: {  	_ =	shalt  }
0x5c: {  	_ =	shalt  }
0x5d: {  	_ =	shalt  }
0x5e: {  	_ =	shalt  }
0x5f: {  	_ =	shalt  }
0x60: {  	_ =	shalt  }
0x61: {  	_ =	shalt  }
0x62: {  	_ =	shalt  }
0x63: {  	_ =	shalt  }
0x64: {  	_ =	shalt  }
0x65: {  	_ =	shalt  }
0x66: {  	_ =	shalt  }
0x67: {  	_ =	shalt  }
0x68: {  	_ =	shalt  }
0x69: {  	_ =	shalt  }
0x6a: {  	_ =	shalt  }
0x6b: {  	_ =	shalt  }
0x6c: {  	_ =	shalt  }
0x6d: {  	_ =	shalt  }
0x6e: {  	_ =	shalt  }
0x6f: {  	_ =	shalt  }
0x70: {  	_ =	shalt  }
0x71: {  	_ =	shalt  }
0x72: {  	_ =	shalt  }
0x73: {  	_ =	shalt  }
0x74: {  	_ =	shalt  }
0x75: {  	_ =	shalt  }
0x76: {  	_ =	shalt  }
0x77: {  	_ =	shalt  }
0x78: {  	_ =	shalt  }
0x79: {  	_ =	shalt  }
0x7a: {  	_ =	shalt  }
0x7b: {  	_ =	shalt  }
0x7c: {  	_ =	shalt  }
0x7d: {  	_ =	shalt  }
0x7e: {  	_ =	shalt  }
0x7f: {  	_ =	shalt  }
0x80: {  	_ =	shalt  }
0x81: {  	_ =	shalt  }
0x82: {  	_ =	shalt  }
0x83: {  	_ =	shalt  }
0x84: {  	_ =	shalt  }
0x85: {  	_ =	shalt  }
0x86: {  	_ =	shalt  }
0x87: {  	_ =	shalt  }
.Lfunc_end0:
.L_simem_size_0:
called_computation_lowered:
.L_overlay_start_0:
0x88: {  	s2 =	sld [smem:$0x3FD9]  }
0x89: {  	s3 =	sld [smem:$0x3FFE];
	_ =	sdelay $0x1  }
0x8a: {  	s1 =	srdreg.scid  }
0x8b: {  	s0 =	sand.u32 $0x1, s1  }
0x8c: {  	s17 =	sshll.u32 s0, $0xA;
	s2 =	sadd.s32 s3, s2  }
0x8d: {  	s2 =	sadd.s32 s2, s17  }
0x8e: {  	[smem:$0x3FC6] =	sst s2  }
0x8f: {  	_ = 	snop  }
0x90: {  	s2 =	sld [smem:$0x3FC8]  }
0x91: {  	s18 =	sld [smem:$0x3FD0];
	(tm) =	ssettm $0x1  }
0x92: {  	s4 =	sld [smem:$0x3FFB];
	_ =	sdelay $0x3  }
0x93: {  	_ =	strace s4  }
0x94: {  	s4 =	sld [smem:$0x3FFC];
	_ =	sdelay $0x3  }
0x95: {  	_ =	strace s4  }
0x96: {  	s4 =	sld [smem:$0x3FFD];
	_ =	sdelay $0x3  }
0x97: {  	_ =	strace s4  }
0x98: {  	_ =	strace $0x8FFFFFFF  }
0x99: {  	s19 =	sld [smem:$0x3FDB];
	_ =	sdelay $0x1  }
0x9a: {  	s5 =	simm.s32 $_scs_section_size  }
0x9b: {  	s6 =	simm.s32 $_size__tile_overlayer_lowered;
	s7 =	simm.s32 $_tile_overlayer_lowered  }
0x9c: {  	s22 =	simm.s32 $0x1BFF;
	s21 =	sshll.u32 s7, $0x1;
	s4 =	sadd.s32 s5, s19  }
0x9d: {  	s8 =	simm.s32 $0x0;
	s20 =	sshll.u32 s6, $0x1;
	s6 =	sadd.s32 s21, s4  }
0x9e: {  	[timem:s8], [sflag:s22] =	dma.local [hbm:s6], s20  }
0x9f: {  	_ =	swait.ge [sflag:s22], s20  }
0xa0: {  	s5 =	ssub.s32 $0x0, s20;
	[sflag:s22] =	ssyncset.done $0x0  }
0xa1: {  	[sflag:s22] =	ssyncadd.s32 s5;
	_ =	sdelay $0x1  }
0xa2: {  	s23 =	simm.s32 $0x1B8B  }
0xa3: {  	_ =	swait.ge [sflag:s23], $0x1  }
0xa4: {  	[sflag:s23] =	ssyncset.done $0x0  }
0xa5: {  	s25 =	simm.s32 $0x1B8E;
	s24 =	sld [smem:$0x3FFE];
	[sflag:s23] =	ssyncadd.s32 $0xFFFFFFFF  }
0xa6: {  	s26 =	simm.s32 $execute0_lowered;
	[smem:$0x3FD2] =	sst s25  }
0xa7: {  	s6 =	sshll.u32 s26, $0x1;
	_ =	strace $0x80000046;
	[dreg:$0x1] =	wrdreg $0xFFFFFFFF  }
0xa8: {  	s28 =	simm.s32 $_size_execute0_lowered;
	s4 =	sadd.s32 s4, s6;
	[dreg:$0x0] =	wrdreg $0x0  }
0xa9: {  	s6 =	sshll.u32 s28, $0x1;
	[dreg:$0x2] =	wrdreg s4  }
0xaa: {  	[dreg:$0x3] =	wrdreg s6  }
0xab: {  	[dreg:$0x4] =	wrdreg $0xC0  }
0xac: {  	_ =	task [dreg:s8], $0x5FFFF  }
0xad: {  	[dreg:$0x1] =	wrdreg $0xFFFFFFFF  }
0xae: {  	[dreg:$0x0] =	wrdreg $0x60  }
0xaf: {  	[dreg:$0x2] =	wrdreg s24  }
0xb0: {  	[dreg:$0x3] =	wrdreg s2  }
0xb1: {  	[dreg:$0x4] =	wrdreg s18  }
0xb2: {  	[dreg:$0x5] =	wrdreg $0x9  }
0xb3: {  	_ =	task.clear_ibuf [dreg:s8], $0x6FFFF;
	_ =	strace $0x90000046  }
0xb4: {  	s29 =	simm.s32 $0x9;
	_ =	strace $0x80000048  }
0xb5: {  	_ =	swait.ge [sflag:s29], $0x1  }
0xb6: {  	[sflag:s29] =	ssyncadd.s32 $0xFFFFFFFF  }
0xb7: {  	_ =	strace $0x90000048  }
0xb8: {  	_ =	sfence  }
0xb9: {  	s30 =	sld [smem:$0x0];
	_ =	sdelay $0x2  }
0xba: {  	s31 =	sshll.u32 s1, $0xD;
	s1 =	sshrl.u32 s1, $0x2  }
0xbb: {  	s3 =	sand.u32 $0x4000, s31;
	s1 =	sadd.s32 s1, s30  }
0xbc: {  	s0 =	sor.u32 s3, s0;
	s1 =	sshll.u32 s1, $0x11  }
0xbd: {  	s0 =	sor.u32 s1, s0  }
0xbe: {  	s0 =	sadd.s32 $0x8F2B, s0  }
0xbf: {  	[sflag:s0] =	ssyncadd.remote.s32 $0x1  }
0xc0: {  	_ =	sfence.sel $0xFFFF  }
0xc1: {  	[dreg:$0x0] =	wrdreg $0xFFFFFFFF;
	(pc) =	sbr.abs _section_cstart, $3  }
0xc2: {  	[dreg:$0x1] =	wrdreg $0xFFFFFFFF  }
0xc3: {  	_ =	task.clear_ibuf [dreg:s8], $0x2FFFF;
	_ =	strace $0x9FFFFFFF  }
0xc4: {  	(tm) =	ssettm $0x7FFFFFFF  }
0xc5: {  	_ =	shalt  }
tec
execute0_lowered:
.L_overlay_start_1:
0x0: {  	(tag) =	ssettag $0x1  }
0x1: {  	s0 =	rddreg [dreg:$0x0]  }
0x2: {  	s3 =	rddreg [dreg:$0x2]  }
0x3: {  	s4 =	simm.s32 $0x0;
	s5 =	stileid.u32;
	s1 =	srdreg.scid  }
0x4: {  	s10 =	simm.s32 $0x1000;
	s12 =	simm.s32 $0x80;
	s13 =	simm.s32 $0x100000  }
0x5: {  	s19 =	simm.s32 $0x1B800;
	s20 =	simm.s32 $0x1BC00;
	s21 =	simm.s32 $0x1C000  }
0x6: {  	s22 =	simm.s32 $0x1C400;
	[smem:$0x7FF] =	sst s4;
	s1 =	sand.u32 $0x1, s1  }
0x7: {  	s2 =	sshll.u32 s5, $0x1;
	s6 =	sshrl.u32 s5, $0x2;
	_ =	strace $0x80000047  }
0x8: {  	s29 =	ssub.s32 $0x2, s1;
	s2 =	sand.u32 $0x6, s2;
	s7 =	sshll.u32 s6, $0x9  }
0x9: {  	s8 =	sshrl.u32 s29, $0x1;
	s1 =	sor.u32 s1, s2;
	s0 =	sadd.s32 s7, s0  }
0xa: {  	s7 =	sshll.u32 s6, $0x18;
	s30 =	ssub.s32 s29, s8;
	s0 =	sadd.s32 $0x400, s0  }
0xb: {  	s2 =	simm.s32 $0x0;
	[dreg:$0x4] =	wrdreg s0;
	s31 =	smax.u32 s30, $0x1  }
0xc: {  	s5 =	sshll.u32 s1, $0x7;
	s8 =	sadd.s32 $0x200, s3;
	[dreg:$0x5] =	wrdreg s31  }
.LBB2_1:
0xd: {  	[dreg:$0x6] =	wrdreg s2  }
0xe: {  	s0 =	rddreg [dreg:$0x1];
	s1 =	simm.s32 $0x5  }
0xf: {  	[tilespmem:s10], [sflag:$0x5] =	stream.linear.gather [hbm4b:s0+s4], $0x13800, $0x38;
	[tilespmem:$0x1C800] =	vst v63  }
0x10: {  	_ =	swait.ge [sflag:s1], $0x13800  }
0x11: {  	[sflag:s1] =	ssyncset.done $0x0  }
0x12: {  	s31 =	rddreg [dreg:$0x4];
	[sflag:s1] =	ssyncadd.s32 $0xFFFEC800  }
0x13: {  	[tilespmem:s4], [sflag:$0x5] =	stream.linear.gather [hbm4b:s31+s4], $0x1000, $0x38;
	[tilespmem:$0x1C800] =	vst v63  }
0x14: {  	_ =	swait.ge [sflag:s1], $0x1000  }
0x15: {  	[sflag:s1] =	ssyncset.done $0x0  }
0x16: {  	s23 =	simm.s32 $0x0;
	[sflag:s1] =	ssyncadd.s32 $0xFFFFF000  }
.LBB2_2:
0x17: {  	s0 =	sshll.u32 s23, $0x1  }
0x18: {  	s24 =	sadd.s32 s5, s0  }
0x19: {  	v0 =	vmov s24  }
0x1a: {  	v1 =	vshll.u32 v0, $0x2  }
0x1b: {  	s25 =	sor.u32 $0x1, s24;
	v0 =	vand.u32 $0x7E, v0;
	v1 =	vand.u32 $0x7FFFFE00, v1  }
0x1c: {  	v0 =	vor.u32 v0, v1;
	v1 =	vmov s25  }
0x1d: {  	v2 =	vor.u32 $0x80, v0;
	v3 =	vshll.u32 v1, $0x2  }
0x1e: {  	v4 =	vor.u32 $0x100, v0;
	v1 =	vand.u32 $0x7F, v1;
	v3 =	vand.u32 $0x7FFFFE00, v3  }
0x1f: {  	v1 =	vor.u32 v1, v3  }
0x20: {  	v5 =	vor.u32 $0x80, v1  }
0x21: {  	v6 =	vor.u32 $0x100, v1;
	v0 =	vld.idx.msk [tilespmem:v0+s4+$0x0], $0xffff  }
0x22: {  	v2 =	vld.idx.msk [tilespmem:v2+s4+$0x0], $0xffff  }
0x23: {  	v7 =	vld.idx.msk [tilespmem:v4+s4+$0x0], $0xffff  }
0x24: {  	p0 =	seq.s32 s23, $0x0;
	v3 =	vld.idx.msk [tilespmem:v1+s4+$0x0], $0xffff  }
0x25: {  	s0 =	simm.s32 @!p0 $0x1;
	v4 =	vld.idx.msk [tilespmem:v5+s4+$0x0], $0xffff  }
0x26: {  	v5 =	vld.idx.msk [tilespmem:v6+s4+$0x0], $0xffff;
	_ =	swait.ge @!p0 [sflag:s0], $0x2000  }
0x27: {  	[sflag:s0] =	ssyncset.done @!p0 $0x0  }
0x28: {  	[sflag:s0] =	ssyncadd.s32 @!p0 $0xFFFFE000;
	s0 =	simm.s32 @!p0 $0x2  }
0x29: {  	s1 =	simm.s32 $0x0;
	s2 =	simm.s32 $0x0;
	_ =	swait.ge @!p0 [sflag:s0], $0x2000  }
0x2a: {  	s1 =	sand.u32 $0x70, s1;
	s2 =	sand.u32 $0x3FFFFE00, s2;
	[sflag:s0] =	ssyncset.done @!p0 $0x0  }
0x2b: {  	s15 =	sor.u32 s1, s2;
	[sflag:s0] =	ssyncadd.s32 @!p0 $0xFFFFE000  }
0x2c: {  	v9 =	vld [tilespmem:s15+$0x0]  }
0x2d: {  	v19 =	vld [tilespmem:s15+$0x80];
	_ =	sdelay $0x2  }
0x2e: {  	v0 =	vadd.f32 $8.500000000e+00, v0;
	v1 =	vadd.f32 $8.500000000e+00, v2;
	v6 =	vld [tilespmem:s15+$0x100];
	_ =	sdelay $0x1  }
0x2f: {  	v8 =	vsub.f32 v0, v9;
	v10 =	vsub.f32 v1, v19  }
0x30: {  	v2 =	vadd.f32 $8.500000000e+00, v7  }
0x31: {  	v7 =	vmax.f32 v8, $9.999999770e-03;
	v8 =	vmax.f32 v10, $9.999999770e-03  }
0x32: {  	v10 =	vsub.f32 v2, v6;
	v7 =	vmin.f32 v7, $1.698999980e+01;
	v8 =	vmin.f32 v8, $1.698999980e+01  }
0x33: {  	v7 =	vtrunc.f32 v7;
	v8 =	vtrunc.f32 v8  }
0x34: {  	v10 =	vmax.f32 v10, $9.999999770e-03;
	v7 =	vcvt.f32.s32 v7;
	v8 =	vcvt.f32.s32 v8  }
0x35: {  	v10 =	vmin.f32 v10, $1.698999980e+01  }
0x36: {  	v10 =	vtrunc.f32 v10;
	v7 =	vmul.u32 $0x121, v7;
	v8 =	vmul.u32 $0x11, v8  }
0x37: {  	v10 =	vcvt.f32.s32 v10  }
0x38: {  	v7 =	vadd.s32 v7, v8  }
0x39: {  	v7 =	vadd.s32 v10, v7  }
0x3a: {  	v8 =	vshll.u32 v7, $0x3  }
0x3b: {  	v7 =	vand.u32 $0x7F, v7;
	v8 =	vand.u32 $0xFFFFFC00, v8  }
0x3c: {  	v20 =	vor.u32 v7, v8;
	_ =	sdelay $0x4  }
0x3d: {  	v7 =	vld.idx.msk [tilespmem:v20+s10+$0x0], $0xffff  }
0x3e: {  	s16 =	simm.s32 $0x10;
	s17 =	simm.s32 $0x40;
	v8 =	vor.u32 $0x80, v20  }
0x3f: {  	s6 =	simm.s32 $0x0;
	s9 =	sand.u32 $0x70, s16;
	s18 =	sand.u32 $0x3FFFFE00, s17  }
0x40: {  	s26 =	sand.u32 $0x3FFFFC00, s6;
	s0 =	sor.u32 s9, s18  }
0x41: {  	s2 =	sor.u32 s1, s26;
	v18 =	vld [tilespmem:s0+$0x0]  }
0x42: {  	v16 =	vld [tilespmem:s0+$0x80];
	[tilespmem:s2+$0x14800] =	vst v7  }
0x43: {  	v7 =	vld.idx.msk [tilespmem:v8+s10+$0x0], $0xffff  }
0x44: {  	v8 =	vor.u32 $0x100, v20;
	_ =	sdelay $0x1  }
0x45: {  	v12 =	vld [tilespmem:s0+$0x100]  }
0x46: {  	s31 =	sadd.s32 $0x14800, s2  }
0x47: {  	v11 =	vsub.f32 v1, v16;
	v10 =	vsub.f32 v0, v18;
	[tilespmem:s31+$0x80] =	vst v7  }
0x48: {  	v7 =	vld.idx.msk [tilespmem:v8+s10+$0x0], $0xffff  }
0x49: {  	v11 =	vmax.f32 v11, $9.999999770e-03;
	v13 =	vor.u32 $0x180, v20;
	v8 =	vmax.f32 v10, $9.999999770e-03  }
0x4a: {  	v11 =	vmin.f32 v11, $1.698999980e+01;
	v10 =	vsub.f32 v2, v12;
	v8 =	vmin.f32 v8, $1.698999980e+01  }
0x4b: {  	v11 =	vtrunc.f32 v11;
	v8 =	vtrunc.f32 v8  }
0x4c: {  	v11 =	vcvt.f32.s32 v11;
	v10 =	vmax.f32 v10, $9.999999770e-03;
	v8 =	vcvt.f32.s32 v8  }
0x4d: {  	v10 =	vmin.f32 v10, $1.698999980e+01;
	[tilespmem:s31+$0x100] =	vst v7  }
0x4e: {  	v10 =	vtrunc.f32 v10;
	v8 =	vmul.u32 $0x121, v8;
	v7 =	vmul.u32 $0x11, v11;
	v11 =	vld.idx.msk [tilespmem:v13+s10+$0x0], $0xffff  }
0x4f: {  	v10 =	vcvt.f32.s32 v10;
	v13 =	vor.u32 $0x200, v20  }
0x50: {  	v7 =	vadd.s32 v8, v7  }
0x51: {  	v7 =	vadd.s32 v10, v7  }
0x52: {  	v8 =	vshll.u32 v7, $0x3  }
0x53: {  	v7 =	vand.u32 $0x7F, v7;
	v8 =	vand.u32 $0xFFFFFC00, v8;
	[tilespmem:s31+$0x180] =	vst v11  }
0x54: {  	v17 =	vor.u32 v7, v8;
	v7 =	vld.idx.msk [tilespmem:v13+s10+$0x0], $0xffff  }
0x55: {  	v8 =	vor.u32 $0x280, v20;
	_ =	sdelay $0x3  }
0x56: {  	v10 =	vld.idx.msk [tilespmem:v17+s10+$0x0], $0xffff;
	[tilespmem:s31+$0x200] =	vst v7  }
0x57: {  	s11 =	simm.s32 $0x80;
	s6 =	simm.s32 $0x20;
	v11 =	vor.u32 $0x80, v17;
	v8 =	vld.idx.msk [tilespmem:v8+s10+$0x0], $0xffff  }
0x58: {  	s14 =	simm.s32 $0x80;
	s11 =	sand.u32 $0x3FFFFE00, s11;
	s6 =	sand.u32 $0x70, s6;
	v14 =	vor.u32 $0x300, v20  }
0x59: {  	s1 =	sor.u32 s6, s11;
	s15 =	sand.u32 $0x3FFFFC00, s14  }
0x5a: {  	s26 =	sor.u32 s9, s15;
	v7 =	vld [tilespmem:s1+$0x80]  }
0x5b: {  	v15 =	vld [tilespmem:s1+$0x0];
	[tilespmem:s26+$0x14800] =	vst v10  }
0x5c: {  	v10 =	vld.idx.msk [tilespmem:v11+s10+$0x0], $0xffff;
	[tilespmem:s31+$0x280] =	vst v8  }
0x5d: {  	v8 =	vor.u32 $0x100, v17;
	v11 =	vld.idx.msk [tilespmem:v14+s10+$0x0], $0xffff  }
0x5e: {  	v13 =	vld [tilespmem:s1+$0x100];
	v14 =	vor.u32 $0x380, v20  }
0x5f: {  	v22 =	vsub.f32 v1, v7  }
0x60: {  	v21 =	vsub.f32 v0, v15;
	s1 =	sadd.s32 $0x14800, s26  }
0x61: {  	v22 =	vmax.f32 v22, $9.999999770e-03;
	[tilespmem:s1+$0x80] =	vst v10  }
0x62: {  	v22 =	vmin.f32 v22, $1.698999980e+01;
	v10 =	vmax.f32 v21, $9.999999770e-03;
	v8 =	vld.idx.msk [tilespmem:v8+s10+$0x0], $0xffff;
	[tilespmem:s31+$0x300] =	vst v11  }
0x63: {  	v21 =	vsub.f32 v2, v13;
	v10 =	vmin.f32 v10, $1.698999980e+01;
	v11 =	vor.u32 $0x180, v17;
	v14 =	vld.idx.msk [tilespmem:v14+s10+$0x0], $0xffff  }
0x64: {  	v23 =	vadd.s32 $0x9C00, v20;
	v22 =	vtrunc.f32 v22;
	v10 =	vtrunc.f32 v10  }
0x65: {  	v22 =	vcvt.f32.s32 v22;
	v21 =	vmax.f32 v21, $9.999999770e-03;
	v10 =	vcvt.f32.s32 v10  }
0x66: {  	v21 =	vmin.f32 v21, $1.698999980e+01  }
0x67: {  	v21 =	vtrunc.f32 v21;
	v10 =	vmul.u32 $0x121, v10;
	[tilespmem:s1+$0x100] =	vst v8;
	v8 =	vmul.u32 $0x11, v22  }
0x68: {  	v21 =	vcvt.f32.s32 v21;
	v11 =	vld.idx.msk [tilespmem:v11+s10+$0x0], $0xffff;
	[tilespmem:s31+$0x380] =	vst v14  }
0x69: {  	v14 =	vor.u32 $0x200, v17;
	v8 =	vadd.s32 v10, v8;
	v10 =	vld.idx.msk [tilespmem:v23+s10+$0x0], $0xffff  }
0x6a: {  	v8 =	vadd.s32 v21, v8;
	v21 =	vadd.s32 $0x9C80, v20  }
0x6b: {  	v22 =	vshll.u32 v8, $0x3  }
0x6c: {  	v8 =	vand.u32 $0x7F, v8;
	v22 =	vand.u32 $0xFFFFFC00, v22  }
0x6d: {  	[tilespmem:s1+$0x180] =	vst v11;
	v8 =	vor.u32 v8, v22  }
0x6e: {  	v11 =	vld.idx.msk [tilespmem:v14+s10+$0x0], $0xffff;
	[tilespmem:s2+$0x15800] =	vst v10  }
0x6f: {  	v10 =	vor.u32 $0x280, v17;
	v14 =	vld.idx.msk [tilespmem:v21+s10+$0x0], $0xffff  }
0x70: {  	v21 =	vadd.s32 $0x9D00, v20;
	_ =	sdelay $0x1  }
0x71: {  	v22 =	vld.idx.msk [tilespmem:v8+s10+$0x0], $0xffff  }
0x72: {  	s17 =	simm.s32 $0x30;
	[tilespmem:s1+$0x200] =	vst v11;
	v11 =	vor.u32 $0x80, v8  }
0x73: {  	s16 =	simm.s32 $0x100;
	s18 =	simm.s32 $0xC0;
	s0 =	sand.u32 $0x70, s17;
	v10 =	vld.idx.msk [tilespmem:v10+s10+$0x0], $0xffff;
	[tilespmem:s2+$0x15880] =	vst v14  }
0x74: {  	s15 =	sand.u32 $0x3FFFFE00, s18;
	s31 =	sand.u32 $0x3FFFFC00, s16;
	v23 =	vor.u32 $0x300, v17;
	v21 =	vld.idx.msk [tilespmem:v21+s10+$0x0], $0xffff  }
0x75: {  	v24 =	vadd.s32 $0x9D80, v20;
	s16 =	sor.u32 s0, s15;
	s28 =	sor.u32 s6, s31  }
0x76: {  	v14 =	vld [tilespmem:s16+$0x0];
	[tilespmem:s28+$0x14800] =	vst v22  }
0x77: {  	v22 =	vld.idx.msk [tilespmem:v11+s10+$0x0], $0xffff  }
0x78: {  	[tilespmem:s1+$0x280] =	vst v10;
	v10 =	vld [tilespmem:s16+$0x80]  }
0x79: {  	v23 =	vld.idx.msk [tilespmem:v23+s10+$0x0], $0xffff;
	[tilespmem:s2+$0x15900] =	vst v21;
	v21 =	vor.u32 $0x100, v8  }
0x7a: {  	v25 =	vor.u32 $0x380, v17;
	v24 =	vld.idx.msk [tilespmem:v24+s10+$0x0], $0xffff  }
0x7b: {  	v26 =	vadd.s32 $0x9E00, v20;
	v11 =	vld [tilespmem:s16+$0x100]  }
0x7c: {  	s6 =	sadd.s32 $0x14800, s28  }
0x7d: {  	v27 =	vsub.f32 v0, v14;
	[tilespmem:s6+$0x80] =	vst v22;
	v28 =	vsub.f32 v1, v10  }
0x7e: {  	v29 =	vadd.s32 $0x9C00, v17;
	[tilespmem:s1+$0x300] =	vst v23;
	v21 =	vld.idx.msk [tilespmem:v21+s10+$0x0], $0xffff  }
0x7f: {  	v22 =	vmax.f32 v27, $9.999999770e-03;
	v28 =	vmax.f32 v28, $9.999999770e-03;
	v25 =	vld.idx.msk [tilespmem:v25+s10+$0x0], $0xffff;
	[tilespmem:s2+$0x15980] =	vst v24;
	v24 =	vor.u32 $0x180, v8  }
0x80: {  	v22 =	vmin.f32 v22, $1.698999980e+01;
	v23 =	vsub.f32 v2, v11;
	v28 =	vmin.f32 v28, $1.698999980e+01;
	v26 =	vld.idx.msk [tilespmem:v26+s10+$0x0], $0xffff  }
0x81: {  	v27 =	vadd.s32 $0x9E80, v20;
	v22 =	vtrunc.f32 v22;
	v28 =	vtrunc.f32 v28  }
0x82: {  	v22 =	vcvt.f32.s32 v22;
	v23 =	vmax.f32 v23, $9.999999770e-03;
	v28 =	vcvt.f32.s32 v28  }
0x83: {  	v23 =	vmin.f32 v23, $1.698999980e+01;
	[tilespmem:s6+$0x100] =	vst v21  }
0x84: {  	v22 =	vmul.u32 $0x121, v22;
	v23 =	vtrunc.f32 v23;
	v21 =	vmul.u32 $0x11, v28;
	[tilespmem:s1+$0x380] =	vst v25;
	v24 =	vld.idx.msk [tilespmem:v24+s10+$0x0], $0xffff  }
0x85: {  	v23 =	vcvt.f32.s32 v23;
	v25 =	vor.u32 $0x200, v8;
	v28 =	vld.idx.msk [tilespmem:v29+s10+$0x0], $0xffff;
	[tilespmem:s2+$0x15A00] =	vst v26  }
0x86: {  	v4 =	vadd.f32 $8.500000000e+00, v4;
	v21 =	vadd.s32 v22, v21;
	v26 =	vadd.s32 $0x9C80, v17;
	v22 =	vld.idx.msk [tilespmem:v27+s10+$0x0], $0xffff  }
0x87: {  	v3 =	vadd.f32 $8.500000000e+00, v3;
	v5 =	vadd.f32 $8.500000000e+00, v5;
	v21 =	vadd.s32 v23, v21  }
0x88: {  	v19 =	vsub.f32 v4, v19;
	v23 =	vadd.s32 $0x9F00, v20;
	v27 =	vshll.u32 v21, $0x3  }
0x89: {  	v29 =	vsub.f32 v3, v9;
	v9 =	vand.u32 $0x7F, v21;
	v21 =	vand.u32 $0xFFFFFC00, v27;
	[tilespmem:s6+$0x180] =	vst v24  }
0x8a: {  	v19 =	vmax.f32 v19, $9.999999770e-03;
	v9 =	vor.u32 v9, v21;
	[tilespmem:s26+$0x15800] =	vst v28;
	v24 =	vld.idx.msk [tilespmem:v25+s10+$0x0], $0xffff  }
0x8b: {  	v6 =	vsub.f32 v5, v6;
	v21 =	vmax.f32 v29, $9.999999770e-03;
	v25 =	vld.idx.msk [tilespmem:v26+s10+$0x0], $0xffff;
	[tilespmem:s2+$0x15A80] =	vst v22;
	v22 =	vor.u32 $0x280, v8  }
0x8c: {  	v19 =	vmin.f32 v19, $1.698999980e+01;
	v21 =	vmin.f32 v21, $1.698999980e+01;
	v26 =	vadd.s32 $0x9D00, v17  }
0x8d: {  	v19 =	vtrunc.f32 v19;
	v6 =	vmax.f32 v6, $9.999999770e-03;
	v21 =	vtrunc.f32 v21;
	v23 =	vld.idx.msk [tilespmem:v23+s10+$0x0], $0xffff  }
0x8e: {  	s18 =	simm.s32 $0x40;
	v19 =	vcvt.f32.s32 v19;
	v20 =	vadd.s32 $0x9F80, v20;
	v21 =	vcvt.f32.s32 v21  }
0x8f: {  	s11 =	sand.u32 $0x70, s18;
	v6 =	vmin.f32 v6, $1.698999980e+01;
	s31 =	simm.s32 $0x100;
	v27 =	vld.idx.msk [tilespmem:v9+s10+$0x0], $0xffff;
	[tilespmem:s6+$0x200] =	vst v24  }
0x90: {  	v19 =	vmul.u32 $0x11, v19;
	s15 =	sand.u32 $0x3FFFFE00, s31;
	v21 =	vmul.u32 $0x121, v21;
	v24 =	vor.u32 $0x80, v9;
	[tilespmem:s26+$0x15880] =	vst v25;
	v22 =	vld.idx.msk [tilespmem:v22+s10+$0x0], $0xffff  }
0x91: {  	s17 =	simm.s32 $0x180;
	v6 =	vtrunc.f32 v6;
	s16 =	sor.u32 s11, s15;
	v25 =	vor.u32 $0x300, v8;
	v26 =	vld.idx.msk [tilespmem:v26+s10+$0x0], $0xffff  }
0x92: {  	v6 =	vcvt.f32.s32 v6;
	s1 =	sand.u32 $0x3FFFFC00, s17;
	v19 =	vadd.s32 v21, v19;
	v21 =	vld [tilespmem:s16+$0x0];
	[tilespmem:s2+$0x15B00] =	vst v23  }
0x93: {  	s0 =	sor.u32 s0, s1;
	v28 =	vadd.s32 $0x9D80, v17;
	v23 =	vld.idx.msk [tilespmem:v20+s10+$0x0], $0xffff  }
0x94: {  	v6 =	vadd.s32 v6, v19;
	v20 =	vld [tilespmem:s16+$0x80];
	[tilespmem:s0+$0x14800] =	vst v27  }
0x95: {  	v19 =	vshll.u32 v6, $0x3;
	v24 =	vld.idx.msk [tilespmem:v24+s10+$0x0], $0xffff;
	[tilespmem:s6+$0x280] =	vst v22  }
0x96: {  	v6 =	vand.u32 $0x7F, v6;
	v19 =	vand.u32 $0xFFFFFC00, v19;
	v22 =	vld.idx.msk [tilespmem:v25+s10+$0x0], $0xffff;
	v25 =	vor.u32 $0x100, v9  }
0x97: {  	v6 =	vor.u32 v6, v19;
	v19 =	vld [tilespmem:s16+$0x100];
	[tilespmem:s26+$0x15900] =	vst v26  }
0x98: {  	v27 =	vor.u32 $0x380, v8;
	v29 =	vsub.f32 v0, v21;
	v26 =	vld.idx.msk [tilespmem:v28+s10+$0x0], $0xffff  }
0x99: {  	s1 =	sadd.s32 $0x14800, s0;
	v28 =	vadd.s32 $0x9E00, v17  }
0x9a: {  	v29 =	vmax.f32 v29, $9.999999770e-03;
	[tilespmem:s1+$0x80] =	vst v24;
	v24 =	vsub.f32 v1, v20  }
0x9b: {  	[tilespmem:s2+$0x15B80] =	vst v23;
	v29 =	vmin.f32 v29, $1.698999980e+01;
	v23 =	vld.idx.msk [tilespmem:v25+s10+$0x0], $0xffff  }
0x9c: {  	v31 =	vor.u32 $0x180, v9;
	v30 =	vld.idx.msk [tilespmem:v6+s10+$0x0], $0xffff;
	v29 =	vtrunc.f32 v29;
	[tilespmem:s6+$0x300] =	vst v22;
	v24 =	vmax.f32 v24, $9.999999770e-03  }
0x9d: {  	v25 =	vor.u32 $0x80, v6;
	v22 =	vsub.f32 v2, v19;
	[tilespmem:s26+$0x15980] =	vst v26;
	v27 =	vld.idx.msk [tilespmem:v27+s10+$0x0], $0xffff;
	v24 =	vmin.f32 v24, $1.698999980e+01  }
0x9e: {  	v32 =	vadd.s32 $0x9C00, v8;
	v29 =	vcvt.f32.s32 v29;
	v28 =	vld.idx.msk [tilespmem:v28+s10+$0x0], $0xffff;
	v24 =	vtrunc.f32 v24  }
0x9f: {  	v26 =	vadd.s32 $0x9E80, v17;
	v22 =	vmax.f32 v22, $9.999999770e-03;
	v24 =	vcvt.f32.s32 v24  }
0xa0: {  	v16 =	vsub.f32 v4, v16;
	v22 =	vmin.f32 v22, $1.698999980e+01;
	[tilespmem:s1+$0x100] =	vst v23  }
0xa1: {  	[tilespmem:s2+$0x16800] =	vst v30;
	v22 =	vtrunc.f32 v22;
	v23 =	vmul.u32 $0x121, v29;
	v24 =	vmul.u32 $0x11, v24;
	v29 =	vld.idx.msk [tilespmem:v31+s10+$0x0], $0xffff  }
0xa2: {  	v16 =	vmax.f32 v16, $9.999999770e-03;
	v25 =	vld.idx.msk [tilespmem:v25+s10+$0x0], $0xffff;
	v22 =	vcvt.f32.s32 v22;
	[tilespmem:s6+$0x380] =	vst v27;
	v27 =	vor.u32 $0x200, v9  }
0xa3: {  	v16 =	vmin.f32 v16, $1.698999980e+01;
	v30 =	vor.u32 $0x100, v6;
	[tilespmem:s26+$0x15A00] =	vst v28;
	v31 =	vld.idx.msk [tilespmem:v32+s10+$0x0], $0xffff;
	v23 =	vadd.s32 v23, v24  }
0xa4: {  	v18 =	vsub.f32 v3, v18;
	v24 =	vld.idx.msk [tilespmem:v26+s10+$0x0], $0xffff;
	v26 =	vadd.s32 $0x9C80, v8;
	v22 =	vadd.s32 v22, v23  }
0xa5: {  	v16 =	vtrunc.f32 v16;
	v23 =	vadd.s32 $0x9F00, v17;
	v28 =	vshll.u32 v22, $0x3  }
0xa6: {  	v18 =	vmax.f32 v18, $9.999999770e-03;
	v22 =	vand.u32 $0x7F, v22;
	v28 =	vand.u32 $0xFFFFFC00, v28;
	[tilespmem:s1+$0x180] =	vst v29  }
0xa7: {  	v18 =	vmin.f32 v18, $1.698999980e+01;
	[tilespmem:s2+$0x16880] =	vst v25;
	v29 =	vsub.f32 v5, v12;
	v12 =	vor.u32 v22, v28;
	v25 =	vld.idx.msk [tilespmem:v27+s10+$0x0], $0xffff  }
0xa8: {  	v16 =	vcvt.f32.s32 v16;
	v18 =	vtrunc.f32 v18;
	v22 =	vld.idx.msk [tilespmem:v30+s10+$0x0], $0xffff;
	[tilespmem:s28+$0x15800] =	vst v31;
	v27 =	vor.u32 $0x280, v9  }
0xa9: {  	v18 =	vcvt.f32.s32 v18;
	v28 =	vor.u32 $0x180, v6;
	[tilespmem:s26+$0x15A80] =	vst v24;
	v26 =	vld.idx.msk [tilespmem:v26+s10+$0x0], $0xffff;
	v24 =	vmax.f32 v29, $9.999999770e-03  }
0xaa: {  	v16 =	vmul.u32 $0x11, v16;
	v23 =	vld.idx.msk [tilespmem:v23+s10+$0x0], $0xffff;
	v24 =	vmin.f32 v24, $1.698999980e+01  }
0xab: {  	v18 =	vmul.u32 $0x121, v18;
	v29 =	vadd.s32 $0x9D00, v8;
	v24 =	vtrunc.f32 v24  }
0xac: {  	s18 =	simm.s32 $0x50;
	s31 =	simm.s32 $0x140;
	v17 =	vadd.s32 $0x9F80, v17;
	v30 =	vld.idx.msk [tilespmem:v12+s10+$0x0], $0xffff;
	v24 =	vcvt.f32.s32 v24;
	[tilespmem:s1+$0x200] =	vst v25  }
0xad: {  	s9 =	sand.u32 $0x70, s18;
	v16 =	vadd.s32 v18, v16;
	s14 =	sand.u32 $0x3FFFFE00, s31;
	[tilespmem:s2+$0x16900] =	vst v22;
	v22 =	vld.idx.msk [tilespmem:v27+s10+$0x0], $0xffff  }
0xae: {  	s15 =	sor.u32 s9, s14;
	v25 =	vor.u32 $0x80, v12;
	v27 =	vld.idx.msk [tilespmem:v28+s10+$0x0], $0xffff;
	[tilespmem:s28+$0x15880] =	vst v26;
	v16 =	vadd.s32 v24, v16;
	v26 =	vsub.f32 v3, v15  }
0xaf: {  	s17 =	simm.s32 $0x200;
	v18 =	vor.u32 $0x300, v9;
	[tilespmem:s26+$0x15B00] =	vst v23;
	v28 =	vadd.s32 $0x9D80, v8;
	v15 =	vld [tilespmem:s15+$0x0];
	v23 =	vshll.u32 v16, $0x3  }
0xb0: {  	s6 =	sand.u32 $0x3FFFFC00, s17;
	v24 =	vld.idx.msk [tilespmem:v29+s10+$0x0], $0xffff;
	v16 =	vand.u32 $0x7F, v16;
	v23 =	vand.u32 $0xFFFFFC00, v23;
	v26 =	vmax.f32 v26, $9.999999770e-03  }
0xb1: {  	s29 =	sor.u32 s11, s6;
	v17 =	vld.idx.msk [tilespmem:v17+s10+$0x0], $0xffff;
	v29 =	vsub.f32 v4, v7;
	v7 =	vor.u32 v16, v23;
	v16 =	vmin.f32 v26, $1.698999980e+01  }
0xb2: {  	v13 =	vsub.f32 v5, v13;
	[tilespmem:s29+$0x14800] =	vst v30;
	v26 =	vtrunc.f32 v16;
	v16 =	vld [tilespmem:s15+$0x80]  }
0xb3: {  	v23 =	vor.u32 $0x200, v6;
	[tilespmem:s1+$0x280] =	vst v22;
	v22 =	vld.idx.msk [tilespmem:v25+s10+$0x0], $0xffff  }
0xb4: {  	v14 =	vsub.f32 v3, v14;
	v25 =	vmax.f32 v29, $9.999999770e-03;
	v29 =	vmax.f32 v13, $9.999999770e-03;
	v13 =	vld [tilespmem:s15+$0x100]  }
0xb5: {  	v18 =	vld.idx.msk [tilespmem:v18+s10+$0x0], $0xffff;
	[tilespmem:s28+$0x15900] =	vst v24;
	v24 =	vmin.f32 v25, $1.698999980e+01;
	v25 =	vcvt.f32.s32 v26;
	v26 =	vor.u32 $0x100, v12  }
0xb6: {  	v14 =	vmax.f32 v14, $9.999999770e-03;
	[tilespmem:s26+$0x15B80] =	vst v17;
	v17 =	vor.u32 $0x380, v9;
	v28 =	vld.idx.msk [tilespmem:v28+s10+$0x0], $0xffff  }
0xb7: {  	v14 =	vmin.f32 v14, $1.698999980e+01;
	[tilespmem:s2+$0x16980] =	vst v27;
	v27 =	vadd.s32 $0x9E00, v8;
	v30 =	vld.idx.msk [tilespmem:v7+s10+$0x0], $0xffff  }
0xb8: {  	v35 =	vadd.s32 $0x9C00, v9;
	s16 =	sadd.s32 $0x14800, s29;
	v37 =	vor.u32 $0x80, v7;
	v31 =	vsub.f32 v0, v15;
	v23 =	vld.idx.msk [tilespmem:v23+s10+$0x0], $0xffff  }
0xb9: {  	v33 =	vor.u32 $0x280, v6;
	v24 =	vtrunc.f32 v24;
	[tilespmem:s16+$0x80] =	vst v22;
	v22 =	vsub.f32 v1, v16  }
0xba: {  	v40 =	vor.u32 $0x300, v6;
	v31 =	vmax.f32 v31, $9.999999770e-03;
	v24 =	vcvt.f32.s32 v24;
	v26 =	vld.idx.msk [tilespmem:v26+s10+$0x0], $0xffff;
	[tilespmem:s1+$0x300] =	vst v18  }
0xbb: {  	v31 =	vmin.f32 v31, $1.698999980e+01;
	v17 =	vld.idx.msk [tilespmem:v17+s10+$0x0], $0xffff;
	[tilespmem:s28+$0x15980] =	vst v28;
	v28 =	vor.u32 $0x180, v12;
	v22 =	vmax.f32 v22, $9.999999770e-03  }
0xbc: {  	v34 =	vsub.f32 v2, v13;
	v18 =	vor.u32 $0x100, v7;
	v27 =	vld.idx.msk [tilespmem:v27+s10+$0x0], $0xffff;
	[tilespmem:s26+$0x16800] =	vst v30;
	v22 =	vmin.f32 v22, $1.698999980e+01  }
0xbd: {  	[tilespmem:s2+$0x16A00] =	vst v23;
	v23 =	vadd.s32 $0x9E80, v8;
	v30 =	vtrunc.f32 v31;
	v31 =	vld.idx.msk [tilespmem:v37+s10+$0x0], $0xffff;
	v22 =	vtrunc.f32 v22  }
0xbe: {  	v39 =	vmax.f32 v34, $9.999999770e-03;
	v38 =	vld.idx.msk [tilespmem:v33+s10+$0x0], $0xffff;
	v30 =	vcvt.f32.s32 v30;
	v22 =	vcvt.f32.s32 v22  }
0xbf: {  	v25 =	vmul.u32 $0x121, v25;
	v24 =	vmul.u32 $0x11, v24;
	v33 =	vmin.f32 v39, $1.698999980e+01;
	[tilespmem:s16+$0x100] =	vst v26  }
0xc0: {  	v26 =	vtrunc.f32 v33;
	v30 =	vmul.u32 $0x121, v30;
	v28 =	vld.idx.msk [tilespmem:v28+s10+$0x0], $0xffff;
	[tilespmem:s1+$0x380] =	vst v17;
	v17 =	vmul.u32 $0x11, v22  }
0xc1: {  	v14 =	vtrunc.f32 v14;
	v22 =	vcvt.f32.s32 v26;
	v26 =	vor.u32 $0x200, v12;
	v41 =	vld.idx.msk [tilespmem:v35+s10+$0x0], $0xffff;
	[tilespmem:s28+$0x15A00] =	vst v27  }
0xc2: {  	v24 =	vadd.s32 v25, v24;
	v25 =	vadd.s32 $0x9C80, v9;
	v23 =	vld.idx.msk [tilespmem:v23+s10+$0x0], $0xffff;
	v17 =	vadd.s32 v30, v17;
	[tilespmem:s26+$0x16880] =	vst v31  }
0xc3: {  	v11 =	vsub.f32 v5, v11;
	v27 =	vadd.s32 $0x9F00, v8;
	[tilespmem:s2+$0x16A80] =	vst v38;
	v17 =	vadd.s32 v22, v17;
	v18 =	vld.idx.msk [tilespmem:v18+s10+$0x0], $0xffff  }
0xc4: {  	v31 =	vor.u32 $0x180, v7;
	v22 =	vsub.f32 v4, v10;
	v30 =	vld.idx.msk [tilespmem:v40+s10+$0x0], $0xffff;
	v10 =	vshll.u32 v17, $0x3  }
0xc5: {  	v42 =	vor.u32 $0x380, v6;
	v17 =	vand.u32 $0x7F, v17;
	[tilespmem:s16+$0x180] =	vst v28;
	v10 =	vand.u32 $0xFFFFFC00, v10  }
0xc6: {  	v14 =	vcvt.f32.s32 v14;
	v11 =	vmax.f32 v11, $9.999999770e-03;
	v26 =	vld.idx.msk [tilespmem:v26+s10+$0x0], $0xffff;
	[tilespmem:s0+$0x15800] =	vst v41;
	v10 =	vor.u32 v17, v10  }
0xc7: {  	v29 =	vmin.f32 v29, $1.698999980e+01;
	v17 =	vmax.f32 v22, $9.999999770e-03;
	v22 =	vld.idx.msk [tilespmem:v25+s10+$0x0], $0xffff;
	[tilespmem:s28+$0x15A80] =	vst v23;
	v23 =	vor.u32 $0x280, v12  }
0xc8: {  	v11 =	vmin.f32 v11, $1.698999980e+01;
	v29 =	vtrunc.f32 v29;
	v25 =	vld.idx.msk [tilespmem:v27+s10+$0x0], $0xffff;
	v27 =	vadd.s32 $0x9D00, v9;
	[tilespmem:s26+$0x16900] =	vst v18  }
0xc9: {  	v29 =	vcvt.f32.s32 v29;
	v8 =	vadd.s32 $0x9F80, v8;
	v17 =	vmin.f32 v17, $1.698999980e+01;
	[tilespmem:s2+$0x16B00] =	vst v30;
	v18 =	vld.idx.msk [tilespmem:v31+s10+$0x0], $0xffff  }
0xca: {  	v14 =	vmul.u32 $0x121, v14;
	v11 =	vtrunc.f32 v11;
	v17 =	vtrunc.f32 v17;
	v28 =	vld.idx.msk [tilespmem:v42+s10+$0x0], $0xffff  }
0xcb: {  	s18 =	simm.s32 $0x60;
	v24 =	vadd.s32 v29, v24;
	v29 =	vor.u32 $0x200, v7;
	v17 =	vcvt.f32.s32 v17;
	v31 =	vld.idx.msk [tilespmem:v10+s10+$0x0], $0xffff;
	[tilespmem:s16+$0x200] =	vst v26  }
0xcc: {  	s14 =	sand.u32 $0x70, s18;
	v21 =	vsub.f32 v3, v21;
	v20 =	vsub.f32 v4, v20;
	s15 =	simm.s32 $0x180;
	v23 =	vld.idx.msk [tilespmem:v23+s10+$0x0], $0xffff;
	[tilespmem:s0+$0x15880] =	vst v22;
	v22 =	vor.u32 $0x80, v10  }
0xcd: {  	s17 =	simm.s32 $0x280;
	s31 =	sand.u32 $0x3FFFFE00, s15;
	v30 =	vshll.u32 v24, $0x3;
	v17 =	vmul.u32 $0x11, v17;
	v26 =	vor.u32 $0x300, v12;
	v27 =	vld.idx.msk [tilespmem:v27+s10+$0x0], $0xffff;
	[tilespmem:s28+$0x15B00] =	vst v25  }
0xce: {  	v11 =	vcvt.f32.s32 v11;
	v43 =	vadd.s32 $0x9C80, v6;
	s15 =	sor.u32 s14, s31;
	s1 =	sand.u32 $0x3FFFFC00, s17;
	v25 =	vand.u32 $0xFFFFFC00, v30;
	v30 =	vld.idx.msk [tilespmem:v8+s10+$0x0], $0xffff  }
0xcf: {  	v20 =	vmax.f32 v20, $9.999999770e-03;
	s1 =	sor.u32 s9, s1;
	v14 =	vadd.s32 v14, v17;
	[tilespmem:s26+$0x16980] =	vst v18;
	v8 =	vmax.f32 v21, $9.999999770e-03;
	v21 =	vld [tilespmem:s15+$0x0]  }
0xd0: {  	v19 =	vsub.f32 v5, v19;
	v17 =	vadd.s32 v11, v14;
	v11 =	vadd.s32 $0x9D80, v9;
	v14 =	vld.idx.msk [tilespmem:v29+s10+$0x0], $0xffff;
	[tilespmem:s1+$0x14800] =	vst v31  }
0xd1: {  	v8 =	vmin.f32 v8, $1.698999980e+01;
	v29 =	vadd.s32 $0x9C00, v6;
	[tilespmem:s16+$0x280] =	vst v23;
	v23 =	vand.u32 $0x7F, v24;
	v22 =	vld.idx.msk [tilespmem:v22+s10+$0x0], $0xffff  }
0xd2: {  	v20 =	vmin.f32 v20, $1.698999980e+01;
	v24 =	vtrunc.f32 v8;
	v8 =	vor.u32 v23, v25;
	v23 =	vld.idx.msk [tilespmem:v26+s10+$0x0], $0xffff  }
0xd3: {  	v20 =	vtrunc.f32 v20;
	v19 =	vmax.f32 v19, $9.999999770e-03;
	v25 =	vor.u32 $0x280, v7;
	v26 =	vld [tilespmem:s15+$0x80]  }
0xd4: {  	v20 =	vcvt.f32.s32 v20;
	v31 =	vmin.f32 v19, $1.698999980e+01;
	v19 =	vld [tilespmem:s15+$0x100];
	[tilespmem:s0+$0x15900] =	vst v27;
	v27 =	vor.u32 $0x100, v10  }
0xd5: {  	v46 =	vadd.s32 $0x9D00, v6;
	v52 =	vadd.s32 $0x9E80, v6;
	[tilespmem:s2+$0x16B80] =	vst v28;
	v28 =	vor.u32 $0x380, v12;
	v11 =	vld.idx.msk [tilespmem:v11+s10+$0x0], $0xffff  }
0xd6: {  	v20 =	vmul.u32 $0x11, v20;
	v36 =	vor.u32 $0x300, v7;
	[tilespmem:s28+$0x15B80] =	vst v30;
	v30 =	vadd.s32 $0x9E00, v9;
	v29 =	vld.idx.msk [tilespmem:v29+s10+$0x0], $0xffff  }
0xd7: {  	v15 =	vsub.f32 v3, v15;
	v37 =	vadd.s32 $0x9E80, v9;
	s11 =	sadd.s32 $0x14800, s1;
	v31 =	vtrunc.f32 v31;
	[tilespmem:s26+$0x16A00] =	vst v14;
	v14 =	vld.idx.msk [tilespmem:v8+s10+$0x0], $0xffff  }
0xd8: {  	v44 =	vsub.f32 v0, v21;
	[tilespmem:s11+$0x80] =	vst v22;
	v22 =	vld.idx.msk [tilespmem:v25+s10+$0x0], $0xffff;
	v25 =	vor.u32 $0x80, v8;
	v45 =	vsub.f32 v1, v26  }
0xd9: {  	v24 =	vcvt.f32.s32 v24;
	v31 =	vcvt.f32.s32 v31;
	v47 =	vsub.f32 v2, v19;
	v27 =	vld.idx.msk [tilespmem:v27+s10+$0x0], $0xffff;
	[tilespmem:s16+$0x300] =	vst v23  }
0xda: {  	v23 =	vmax.f32 v44, $9.999999770e-03;
	v28 =	vld.idx.msk [tilespmem:v28+s10+$0x0], $0xffff;
	[tilespmem:s0+$0x15980] =	vst v11;
	v11 =	vor.u32 $0x180, v10;
	v34 =	vmax.f32 v45, $9.999999770e-03  }
0xdb: {  	v23 =	vmin.f32 v23, $1.698999980e+01;
	[tilespmem:s2+$0x17800] =	vst v29;
	v29 =	vld.idx.msk [tilespmem:v30+s10+$0x0], $0xffff;
	v30 =	vadd.s32 $0x9C00, v12;
	v34 =	vmin.f32 v34, $1.698999980e+01  }
0xdc: {  	v33 =	vmax.f32 v47, $9.999999770e-03;
	v23 =	vtrunc.f32 v23;
	v32 =	vld.idx.msk [tilespmem:v43+s10+$0x0], $0xffff;
	[tilespmem:s28+$0x16800] =	vst v14;
	v14 =	vtrunc.f32 v34  }
0xdd: {  	v33 =	vmin.f32 v33, $1.698999980e+01;
	v23 =	vcvt.f32.s32 v23;
	[tilespmem:s26+$0x16A80] =	vst v22;
	v25 =	vld.idx.msk [tilespmem:v25+s10+$0x0], $0xffff;
	v14 =	vcvt.f32.s32 v14  }
0xde: {  	v48 =	vor.u32 $0x100, v8;
	v24 =	vmul.u32 $0x121, v24;
	v33 =	vtrunc.f32 v33;
	[tilespmem:s11+$0x100] =	vst v27;
	v27 =	vld.idx.msk [tilespmem:v36+s10+$0x0], $0xffff  }
0xdf: {  	v22 =	vor.u32 $0x380, v7;
	v23 =	vmul.u32 $0x121, v23;
	v11 =	vld.idx.msk [tilespmem:v11+s10+$0x0], $0xffff;
	[tilespmem:s16+$0x380] =	vst v28;
	v28 =	vmul.u32 $0x11, v14  }
0xe0: {  	v30 =	vld.idx.msk [tilespmem:v30+s10+$0x0], $0xffff;
	[tilespmem:s0+$0x15A00] =	vst v29;
	v14 =	vadd.s32 v24, v20;
	v20 =	vcvt.f32.s32 v33;
	v24 =	vor.u32 $0x200, v10  }
0xe1: {  	v29 =	vld.idx.msk [tilespmem:v37+s10+$0x0], $0xffff;
	[tilespmem:s2+$0x17880] =	vst v32;
	v14 =	vadd.s32 v31, v14;
	v31 =	vadd.s32 $0x9C80, v12;
	v23 =	vadd.s32 v23, v28  }
0xe2: {  	v55 =	vadd.s32 $0x9E00, v6;
	v32 =	vld.idx.msk [tilespmem:v46+s10+$0x0], $0xffff;
	v28 =	vadd.s32 $0x9F00, v9;
	[tilespmem:s28+$0x16880] =	vst v25;
	v20 =	vadd.s32 v20, v23  }
0xe3: {  	v15 =	vmax.f32 v15, $9.999999770e-03;
	v23 =	vadd.s32 $0x9D80, v6;
	[tilespmem:s26+$0x16B00] =	vst v27;
	v25 =	vld.idx.msk [tilespmem:v48+s10+$0x0], $0xffff;
	v27 =	vshll.u32 v20, $0x3  }
0xe4: {  	[tilespmem:s11+$0x180] =	vst v11;
	v20 =	vand.u32 $0x7F, v20;
	v22 =	vld.idx.msk [tilespmem:v22+s10+$0x0], $0xffff;
	v11 =	vand.u32 $0xFFFFFC00, v27;
	v27 =	vor.u32 $0x180, v8  }
0xe5: {  	v15 =	vmin.f32 v15, $1.698999980e+01;
	v16 =	vsub.f32 v4, v16;
	[tilespmem:s29+$0x15800] =	vst v30;
	v24 =	vld.idx.msk [tilespmem:v24+s10+$0x0], $0xffff;
	v11 =	vor.u32 v20, v11  }
0xe6: {  	v15 =	vtrunc.f32 v15;
	v13 =	vsub.f32 v5, v13;
	[tilespmem:s0+$0x15A80] =	vst v29;
	v29 =	vor.u32 $0x280, v10;
	v20 =	vld.idx.msk [tilespmem:v31+s10+$0x0], $0xffff  }
0xe7: {  	v15 =	vcvt.f32.s32 v15;
	v16 =	vmax.f32 v16, $9.999999770e-03;
	v30 =	vadd.s32 $0x9D00, v12;
	[tilespmem:s2+$0x17900] =	vst v32;
	v28 =	vld.idx.msk [tilespmem:v28+s10+$0x0], $0xffff  }
0xe8: {  	v13 =	vmax.f32 v13, $9.999999770e-03;
	v16 =	vmin.f32 v16, $1.698999980e+01;
	v9 =	vadd.s32 $0x9F80, v9;
	v23 =	vld.idx.msk [tilespmem:v23+s10+$0x0], $0xffff;
	[tilespmem:s28+$0x16900] =	vst v25  }
0xe9: {  	v13 =	vmin.f32 v13, $1.698999980e+01;
	v16 =	vtrunc.f32 v16;
	v25 =	vld.idx.msk [tilespmem:v27+s10+$0x0], $0xffff;
	v27 =	vadd.s32 $0x9C00, v7  }
0xea: {  	v16 =	vcvt.f32.s32 v16;
	v21 =	vsub.f32 v3, v21;
	[tilespmem:s11+$0x200] =	vst v24;
	v24 =	vor.u32 $0x200, v8;
	v31 =	vld.idx.msk [tilespmem:v11+s10+$0x0], $0xffff  }
0xeb: {  	v51 =	vadd.s32 $0x9D80, v12;
	v15 =	vmul.u32 $0x121, v15;
	v13 =	vtrunc.f32 v13;
	v29 =	vld.idx.msk [tilespmem:v29+s10+$0x0], $0xffff;
	[tilespmem:s29+$0x15880] =	vst v20  }
0xec: {  	v50 =	vmul.u32 $0x11, v16;
	s17 =	simm.s32 $0x70;
	v20 =	vmax.f32 v21, $9.999999770e-03;
	v21 =	vld.idx.msk [tilespmem:v30+s10+$0x0], $0xffff;
	[tilespmem:s0+$0x15B00] =	vst v28;
	v28 =	vor.u32 $0x80, v11  }
0xed: {  	s18 =	simm.s32 $0x1C0;
	v13 =	vcvt.f32.s32 v13;
	s9 =	sand.u32 $0x70, s17;
	v18 =	vshll.u32 v17, $0x3;
	s16 =	simm.s32 $0x300;
	[tilespmem:s26+$0x16B80] =	vst v22;
	v30 =	vor.u32 $0x300, v10;
	v22 =	vld.idx.msk [tilespmem:v9+s10+$0x0], $0xffff  }
0xee: {  	v17 =	vand.u32 $0x7F, v17;
	s15 =	sand.u32 $0x3FFFFE00, s18;
	v26 =	vsub.f32 v4, v26;
	s6 =	sand.u32 $0x3FFFFC00, s16;
	v9 =	vadd.s32 v15, v50;
	v27 =	vld.idx.msk [tilespmem:v27+s10+$0x0], $0xffff;
	[tilespmem:s28+$0x16980] =	vst v25  }
0xef: {  	v18 =	vand.u32 $0xFFFFFC00, v18;
	s31 =	sor.u32 s9, s15;
	s6 =	sor.u32 s14, s6;
	v15 =	vadd.s32 v13, v9;
	v9 =	vmin.f32 v20, $1.698999980e+01;
	v20 =	vld.idx.msk [tilespmem:v24+s10+$0x0], $0xffff  }
0xf0: {  	v19 =	vsub.f32 v5, v19;
	v13 =	vmax.f32 v26, $9.999999770e-03;
	v9 =	vtrunc.f32 v9;
	[tilespmem:s6+$0x14800] =	vst v31;
	v24 =	vld [tilespmem:s31+$0x0]  }
0xf1: {  	v13 =	vmin.f32 v13, $1.698999980e+01;
	v25 =	vcvt.f32.s32 v9;
	[tilespmem:s11+$0x280] =	vst v29;
	v9 =	vor.u32 v17, v18;
	v26 =	vld.idx.msk [tilespmem:v28+s10+$0x0], $0xffff  }
0xf2: {  	v53 =	vadd.s32 $0x9F00, v12;
	v54 =	vadd.s32 $0x9C80, v7;
	v13 =	vtrunc.f32 v13;
	v18 =	vld.idx.msk [tilespmem:v30+s10+$0x0], $0xffff  }
0xf3: {  	v17 =	vmax.f32 v19, $9.999999770e-03;
	v19 =	vor.u32 $0x280, v8;
	[tilespmem:s29+$0x15900] =	vst v21;
	v13 =	vcvt.f32.s32 v13;
	v30 =	vld [tilespmem:s31+$0x80]  }
0xf4: {  	v57 =	vadd.s32 $0x9D80, v7;
	v40 =	vadd.s32 $0x9C00, v10;
	v21 =	vor.u32 $0x100, v11;
	v28 =	vld.idx.msk [tilespmem:v51+s10+$0x0], $0xffff;
	[tilespmem:s0+$0x15B80] =	vst v22  }
0xf5: {  	v62 =	vadd.s32 $0x9D00, v10;
	v29 =	vor.u32 $0x380, v10;
	v31 =	vmul.u32 $0x11, v13;
	v13 =	vld [tilespmem:s31+$0x100];
	[tilespmem:s26+$0x17800] =	vst v27  }
0xf6: {  	v42 =	vadd.s32 $0x9E80, v12;
	s30 =	sadd.s32 $0x14800, s6;
	v49 =	vshll.u32 v14, $0x3;
	v22 =	vadd.s32 $0x9E00, v12;
	[tilespmem:s28+$0x16A00] =	vst v20;
	v20 =	vld.idx.msk [tilespmem:v9+s10+$0x0], $0xffff  }
0xf7: {  	v38 =	vor.u32 $0x300, v8;
	v16 =	vand.u32 $0xFFFFFC00, v49;
	v34 =	vld.idx.msk [tilespmem:v54+s10+$0x0], $0xffff;
	[tilespmem:s30+$0x80] =	vst v26;
	v26 =	vor.u32 $0x80, v9  }
0xf8: {  	v39 =	vor.u32 $0x180, v11;
	v27 =	vadd.s32 $0x9D00, v7;
	v56 =	vsub.f32 v3, v24;
	v19 =	vld.idx.msk [tilespmem:v19+s10+$0x0], $0xffff;
	[tilespmem:s11+$0x300] =	vst v18  }
0xf9: {  	v17 =	vmin.f32 v17, $1.698999980e+01;
	v24 =	vsub.f32 v0, v24;
	v21 =	vld.idx.msk [tilespmem:v21+s10+$0x0], $0xffff;
	[tilespmem:s29+$0x15980] =	vst v28;
	v28 =	vsub.f32 v1, v30  }
0xfa: {  	v25 =	vmul.u32 $0x121, v25;
	v17 =	vtrunc.f32 v17;
	v18 =	vor.u32 $0x380, v8;
	v29 =	vld.idx.msk [tilespmem:v29+s10+$0x0], $0xffff  }
0xfb: {  	v24 =	vmax.f32 v24, $9.999999770e-03;
	v30 =	vsub.f32 v4, v30;
	v22 =	vld.idx.msk [tilespmem:v22+s10+$0x0], $0xffff;
	v28 =	vmax.f32 v28, $9.999999770e-03;
	[tilespmem:s0+$0x16800] =	vst v20  }
0xfc: {  	v41 =	vsub.f32 v2, v13;
	v24 =	vmin.f32 v24, $1.698999980e+01;
	v28 =	vmin.f32 v28, $1.698999980e+01;
	[tilespmem:s26+$0x17880] =	vst v34;
	v26 =	vld.idx.msk [tilespmem:v26+s10+$0x0], $0xffff  }
0xfd: {  	v24 =	vtrunc.f32 v24;
	v20 =	vor.u32 $0x100, v9;
	[tilespmem:s28+$0x16A80] =	vst v19;
	v28 =	vtrunc.f32 v28;
	v27 =	vld.idx.msk [tilespmem:v27+s10+$0x0], $0xffff  }
0xfe: {  	v24 =	vcvt.f32.s32 v24;
	v19 =	vmax.f32 v41, $9.999999770e-03;
	[tilespmem:s30+$0x100] =	vst v21;
	v21 =	vld.idx.msk [tilespmem:v38+s10+$0x0], $0xffff;
	v28 =	vcvt.f32.s32 v28  }
0xff: {  	v13 =	vsub.f32 v5, v13;
	v30 =	vmax.f32 v30, $9.999999770e-03;
	v19 =	vmin.f32 v19, $1.698999980e+01;
	[tilespmem:s11+$0x380] =	vst v29;
	v58 =	vld.idx.msk [tilespmem:v39+s10+$0x0], $0xffff  }
0x100: {  	v19 =	vtrunc.f32 v19;
	v59 =	vld.idx.msk [tilespmem:v40+s10+$0x0], $0xffff;
	[tilespmem:s29+$0x15A00] =	vst v22;
	v22 =	vmul.u32 $0x121, v24;
	v28 =	vmul.u32 $0x11, v28  }
0x101: {  	[tilespmem:s2+$0x17980] =	vst v23;
	v29 =	vmax.f32 v56, $9.999999770e-03;
	v24 =	vor.u32 $0x200, v11;
	v60 =	vld.idx.msk [tilespmem:v42+s10+$0x0], $0xffff;
	v19 =	vcvt.f32.s32 v19  }
0x102: {  	v23 =	vmin.f32 v29, $1.698999980e+01;
	v29 =	vadd.s32 $0x9C80, v10;
	v22 =	vadd.s32 v22, v28;
	[tilespmem:s0+$0x16880] =	vst v26;
	v26 =	vld.idx.msk [tilespmem:v55+s10+$0x0], $0xffff  }
0x103: {  	v23 =	vtrunc.f32 v23;
	v28 =	vmin.f32 v30, $1.698999980e+01;
	[tilespmem:s26+$0x17900] =	vst v27;
	v19 =	vadd.s32 v19, v22;
	v20 =	vld.idx.msk [tilespmem:v20+s10+$0x0], $0xffff  }
0x104: {  	v30 =	vor.u32 $0x180, v9;
	[tilespmem:s28+$0x16B00] =	vst v21;
	v21 =	vcvt.f32.s32 v23;
	v63 =	vld.idx.msk [tilespmem:v57+s10+$0x0], $0xffff;
	v23 =	vshll.u32 v19, $0x3  }
0x105: {  	v22 =	vtrunc.f32 v28;
	[tilespmem:s30+$0x180] =	vst v58;
	v18 =	vld.idx.msk [tilespmem:v18+s10+$0x0], $0xffff;
	v19 =	vand.u32 $0x7F, v19;
	v23 =	vand.u32 $0xFFFFFC00, v23  }
0x106: {  	[tilespmem:s1+$0x15800] =	vst v59;
	v22 =	vcvt.f32.s32 v22;
	v28 =	vld.idx.msk [tilespmem:v24+s10+$0x0], $0xffff;
	v24 =	vmax.f32 v13, $9.999999770e-03;
	v13 =	vor.u32 v19, v23  }
0x107: {  	v17 =	vcvt.f32.s32 v17;
	v61 =	vld.idx.msk [tilespmem:v29+s10+$0x0], $0xffff;
	[tilespmem:s29+$0x15A80] =	vst v60;
	v21 =	vmul.u32 $0x121, v21;
	v29 =	vor.u32 $0x280, v11  }
0x108: {  	v19 =	vmin.f32 v24, $1.698999980e+01;
	v33 =	vld.idx.msk [tilespmem:v53+s10+$0x0], $0xffff;
	v22 =	vmul.u32 $0x11, v22;
	v23 =	vadd.s32 v25, v31;
	[tilespmem:s2+$0x17A00] =	vst v26  }
0x109: {  	v25 =	vadd.s32 $0x9F80, v12;
	v31 =	vadd.s32 $0x9C00, v8;
	v19 =	vtrunc.f32 v19;
	[tilespmem:s0+$0x16900] =	vst v20;
	v24 =	vld.idx.msk [tilespmem:v52+s10+$0x0], $0xffff  }
0x10a: {  	v12 =	vadd.s32 v17, v23;
	v26 =	vadd.s32 $0x9F00, v6;
	v19 =	vcvt.f32.s32 v19;
	v23 =	vld.idx.msk [tilespmem:v30+s10+$0x0], $0xffff;
	[tilespmem:s28+$0x16B80] =	vst v18  }
0x10b: {  	v32 =	vor.u32 $0x80, v13;
	v20 =	vshll.u32 v15, $0x3;
	v17 =	vadd.s32 v21, v22;
	[tilespmem:s30+$0x200] =	vst v28;
	v27 =	vld.idx.msk [tilespmem:v13+s10+$0x0], $0xffff  }
0x10c: {  	v18 =	vand.u32 $0xFFFFFC00, v20;
	v20 =	vshll.u32 v12, $0x3;
	v19 =	vadd.s32 v19, v17;
	[tilespmem:s1+$0x15880] =	vst v61;
	v29 =	vld.idx.msk [tilespmem:v29+s10+$0x0], $0xffff  }
0x10d: {  	v17 =	vand.u32 $0xFFFFFC00, v20;
	v28 =	vor.u32 $0x200, v9;
	v20 =	vshll.u32 v19, $0x3;
	v30 =	vld.idx.msk [tilespmem:v62+s10+$0x0], $0xffff;
	[tilespmem:s29+$0x15B00] =	vst v33  }
0x10e: {  	s15 =	simm.s32 $0x380;
	s16 =	simm.s32 $0x8;
	s11 =	simm.s32 $0x80;
	v21 =	vor.u32 $0x300, v11;
	v22 =	vor.u32 $0x300, v13;
	[tilespmem:s26+$0x17980] =	vst v63;
	v20 =	vand.u32 $0xFFFFFC00, v20;
	v25 =	vld.idx.msk [tilespmem:v25+s10+$0x0], $0xffff  }
.LBB2_3:
0x10f: {  	s17 =	sshll.u32 s16, $0x6  }
0x110: {  	s31 =	sand.u32 $0x3FFFFC00, s15;
	v31 =	vld.idx.msk [tilespmem:v31+s10+$0x0], $0xffff;
	[tilespmem:s2+$0x17A80] =	vst v24;
	s15 =	smov.u32 s16;
	s14 =	sadd.s32 $0x1, s16  }
0x111: {  	v24 =	vadd.s32 $0x9D80, v10;
	s17 =	sand.u32 $0x3FFFFE00, s17;
	s31 =	sor.u32 s9, s31;
	s9 =	sand.u32 $0x70, s11;
	[tilespmem:s0+$0x16980] =	vst v23;
	v26 =	vld.idx.msk [tilespmem:v26+s10+$0x0], $0xffff  }
0x112: {  	p1 =	sne.s32 s16, $0x1F;
	s17 =	sor.u32 s9, s17;
	[tilespmem:s31+$0x14800] =	vst v27;
	v27 =	vld.idx.msk [tilespmem:v28+s10+$0x0], $0xffff  }
0x113: {  	v23 =	vand.u32 $0x7F, v14;
	v14 =	vmovc v15;
	v15 =	vmov v12;
	v12 =	vmov v19;
	v28 =	vld [tilespmem:s17+$0x0];
	[tilespmem:s30+$0x280] =	vst v29  }
0x114: {  	v29 =	vor.u32 v23, v16;
	v16 =	vmovc v18;
	v18 =	vmov v17;
	v17 =	vmov v20;
	v19 =	vld.idx.msk [tilespmem:v32+s10+$0x0], $0xffff;
	[tilespmem:s1+$0x15900] =	vst v30  }
0x115: {  	v20 =	vld.idx.msk [tilespmem:v21+s10+$0x0], $0xffff;
	[tilespmem:s29+$0x15B80] =	vst v25;
	v25 =	vor.u32 $0x280, v9;
	v21 =	vmov v22  }
0x116: {  	v23 =	vadd.s32 $0x9E80, v7;
	v30 =	vadd.s32 $0x9F80, v6;
	v6 =	vmovc v7;
	v7 =	vmovc v8;
	v22 =	vor.u32 $0x100, v13;
	v24 =	vld.idx.msk [tilespmem:v24+s10+$0x0], $0xffff;
	[tilespmem:s28+$0x17800] =	vst v31  }
0x117: {  	v33 =	vadd.s32 $0x9F00, v10;
	v32 =	vor.u32 $0x380, v11;
	v8 =	vmovc v9;
	v34 =	vadd.s32 $0x9E00, v6;
	v9 =	vmovc v29;
	v31 =	vld [tilespmem:s17+$0x100];
	[tilespmem:s2+$0x17B00] =	vst v26  }
0x118: {  	v36 =	vadd.s32 $0x9E00, v10;
	v26 =	vld [tilespmem:s17+$0x80];
	v35 =	vsub.f32 v3, v28;
	[tilespmem:s0+$0x16A00] =	vst v27;
	v27 =	vadd.s32 $0x9D80, v7  }
0x119: {  	s16 =	sadd.s32 $0x14800, s31;
	v37 =	vor.u32 $0x380, v8;
	v38 =	vadd.s32 $0x9C80, v7;
	v39 =	vadd.s32 $0x9D00, v7;
	v29 =	vld.idx.msk [tilespmem:v29+s10+$0x0], $0xffff  }
0x11a: {  	v28 =	vsub.f32 v0, v28;
	v35 =	vmax.f32 v35, $9.999999770e-03;
	[tilespmem:s16+$0x80] =	vst v19;
	v19 =	vld.idx.msk [tilespmem:v25+s10+$0x0], $0xffff;
	v25 =	vor.u32 $0x300, v8  }
0x11b: {  	v40 =	vor.u32 $0x100, v9;
	v35 =	vmin.f32 v35, $1.698999980e+01;
	v22 =	vld.idx.msk [tilespmem:v22+s10+$0x0], $0xffff;
	[tilespmem:s30+$0x300] =	vst v20;
	v20 =	vor.u32 $0x80, v9  }
0x11c: {  	v28 =	vmax.f32 v28, $9.999999770e-03;
	v41 =	vsub.f32 v2, v31;
	v32 =	vld.idx.msk [tilespmem:v32+s10+$0x0], $0xffff;
	[tilespmem:s1+$0x15980] =	vst v24;
	v24 =	vadd.s32 $0x9E80, v10  }
0x11d: {  	v43 =	vor.u32 $0x180, v13;
	v28 =	vmin.f32 v28, $1.698999980e+01;
	v42 =	vsub.f32 v1, v26;
	v36 =	vld.idx.msk [tilespmem:v36+s10+$0x0], $0xffff  }
0x11e: {  	v44 =	vadd.s32 $0x9C00, v11;
	v28 =	vtrunc.f32 v28;
	v41 =	vmax.f32 v41, $9.999999770e-03;
	v38 =	vld.idx.msk [tilespmem:v38+s10+$0x0], $0xffff  }
0x11f: {  	v28 =	vcvt.f32.s32 v28;
	v42 =	vmax.f32 v42, $9.999999770e-03;
	v41 =	vmin.f32 v41, $1.698999980e+01;
	[tilespmem:s29+$0x16800] =	vst v29;
	v29 =	vld.idx.msk [tilespmem:v30+s10+$0x0], $0xffff  }
0x120: {  	v26 =	vsub.f32 v4, v26;
	v30 =	vmin.f32 v42, $1.698999980e+01;
	v41 =	vtrunc.f32 v41;
	v20 =	vld.idx.msk [tilespmem:v20+s10+$0x0], $0xffff;
	[tilespmem:s0+$0x16A80] =	vst v19  }
0x121: {  	v19 =	vmul.u32 $0x121, v28;
	v28 =	vtrunc.f32 v30;
	v30 =	vcvt.f32.s32 v41;
	[tilespmem:s16+$0x100] =	vst v22;
	v22 =	vld.idx.msk [tilespmem:v25+s10+$0x0], $0xffff  }
0x122: {  	v26 =	vmax.f32 v26, $9.999999770e-03;
	v25 =	vcvt.f32.s32 v28;
	v28 =	vsub.f32 v5, v31;
	v31 =	vld.idx.msk [tilespmem:v43+s10+$0x0], $0xffff;
	[tilespmem:s30+$0x380] =	vst v32;
	s30 =	smov.u32 s16  }
0x123: {  	v26 =	vmin.f32 v26, $1.698999980e+01;
	v32 =	vtrunc.f32 v35;
	v35 =	vor.u32 $0x200, v13;
	v41 =	vld.idx.msk [tilespmem:v44+s10+$0x0], $0xffff;
	[tilespmem:s1+$0x15A00] =	vst v36  }
0x124: {  	v26 =	vtrunc.f32 v26;
	v32 =	vcvt.f32.s32 v32;
	v25 =	vmul.u32 $0x11, v25;
	v24 =	vld.idx.msk [tilespmem:v24+s10+$0x0], $0xffff;
	[tilespmem:s28+$0x17880] =	vst v38  }
0x125: {  	v26 =	vcvt.f32.s32 v26;
	v36 =	vadd.s32 $0x9C80, v11;
	v28 =	vmax.f32 v28, $9.999999770e-03;
	v38 =	vld.idx.msk [tilespmem:v39+s10+$0x0], $0xffff;
	[tilespmem:s2+$0x17B80] =	vst v29;
	s2 =	smov.u32 s26;
	s26 =	smov.u32 s28;
	s28 =	smov.u32 s0  }
0x126: {  	s0 =	smov.u32 s29;
	v19 =	vadd.s32 v19, v25;
	v25 =	vmin.f32 v28, $1.698999980e+01;
	v28 =	vmul.u32 $0x121, v32;
	[tilespmem:s29+$0x16880] =	vst v20;
	v29 =	vld.idx.msk [tilespmem:v34+s10+$0x0], $0xffff;
	s29 =	smov.u32 s1;
	s1 =	smov.u32 s6  }
0x127: {  	v20 =	vmul.u32 $0x11, v26;
	s6 =	smov.u32 s31;
	v19 =	vadd.s32 v30, v19;
	v25 =	vtrunc.f32 v25;
	v26 =	vld.idx.msk [tilespmem:v40+s10+$0x0], $0xffff;
	[tilespmem:s28+$0x16B00] =	vst v22  }
0x128: {  	v22 =	vand.u32 $0x7F, v19;
	v19 =	vshll.u32 v19, $0x3;
	v25 =	vcvt.f32.s32 v25;
	[tilespmem:s30+$0x180] =	vst v31;
	v30 =	vld.idx.msk [tilespmem:v37+s10+$0x0], $0xffff  }
0x129: {  	v20 =	vadd.s32 v28, v20;
	v31 =	vor.u32 $0x180, v9;
	v19 =	vand.u32 $0xFFFFFC00, v19;
	v28 =	vld.idx.msk [tilespmem:v35+s10+$0x0], $0xffff;
	[tilespmem:s1+$0x15800] =	vst v41  }
0x12a: {  	v32 =	vor.u32 v22, v19;
	v19 =	vadd.s32 v25, v20;
	v25 =	vld.idx.msk [tilespmem:v36+s10+$0x0], $0xffff;
	[tilespmem:s29+$0x15A80] =	vst v24  }
0x12b: {  	v34 =	vor.u32 $0x280, v13;
	v22 =	vor.u32 $0x300, v32;
	v20 =	vshll.u32 v19, $0x3;
	v33 =	vld.idx.msk [tilespmem:v33+s10+$0x0], $0xffff;
	[tilespmem:s26+$0x17900] =	vst v38  }
0x12c: {  	v35 =	vadd.s32 $0x9D00, v11;
	v20 =	vand.u32 $0xFFFFFC00, v20;
	v36 =	vld.idx.msk [tilespmem:v27+s10+$0x0], $0xffff;
	[tilespmem:s2+$0x17A00] =	vst v29  }
0x12d: {  	v37 =	vadd.s32 $0x9F80, v10;
	v10 =	vmovc v11;
	v11 =	vmov v13;
	v13 =	vmov v32;
	[tilespmem:s0+$0x16900] =	vst v26;
	v24 =	vld.idx.msk [tilespmem:v23+s10+$0x0], $0xffff  }
.Ltmp0:
0x12e: {  	v23 =	vld.idx.msk [tilespmem:v31+s10+$0x0], $0xffff;
	[tilespmem:s28+$0x16B80] =	vst v30;
	v31 =	vadd.s32 $0x9C00, v8;
	(pc) =	sbr.rel @p1 .LBB2_3-.Ltmp0, $4  }
0x12f: {  	v26 =	vadd.s32 $0x9F00, v6;
	v27 =	vld.idx.msk [tilespmem:v32+s10+$0x0], $0xffff;
	[tilespmem:s30+$0x200] =	vst v28  }
0x130: {  	v28 =	vor.u32 $0x200, v9;
	v29 =	vld.idx.msk [tilespmem:v34+s10+$0x0], $0xffff;
	[tilespmem:s1+$0x15880] =	vst v25  }
0x131: {  	v30 =	vld.idx.msk [tilespmem:v35+s10+$0x0], $0xffff;
	[tilespmem:s29+$0x15B00] =	vst v33  }
0x132: {  	s15 =	sshll.u32 s15, $0x7;
	s11 =	sadd.s32 $0x10, s11;
	s16 =	smov.u32 s14;
	v32 =	vor.u32 $0x80, v13;
	v25 =	vld.idx.msk [tilespmem:v37+s10+$0x0], $0xffff;
	[tilespmem:s26+$0x17980] =	vst v36  }
0x133: {  	_ = 	snop  }
0x134: {  	s11 =	sand.u32 $0x3FFFFC00, s15  }
0x135: {  	s9 =	sor.u32 s9, s11  }
0x136: {  	v33 =	vadd.s32 $0x9D80, v10;
	[tilespmem:s9+$0x14800] =	vst v27  }
0x137: {  	v27 =	vld.idx.msk [tilespmem:v32+s10+$0x0], $0xffff  }
0x138: {  	v52 =	vor.u32 $0x100, v13  }
0x139: {  	[tilespmem:s30+$0x280] =	vst v29  }
0x13a: {  	[tilespmem:s1+$0x15900] =	vst v30;
	v21 =	vld.idx.msk [tilespmem:v21+s10+$0x0], $0xffff  }
0x13b: {  	[tilespmem:s2+$0x17A80] =	vst v24;
	s11 =	sadd.s32 $0x14800, s9;
	v30 =	vor.u32 $0x380, v11;
	v29 =	vld.idx.msk [tilespmem:v33+s10+$0x0], $0xffff  }
0x13c: {  	v53 =	vadd.s32 $0x9E00, v10;
	[tilespmem:s11+$0x80] =	vst v27  }
0x13d: {  	[tilespmem:s0+$0x16980] =	vst v23;
	v24 =	vld.idx.msk [tilespmem:v52+s10+$0x0], $0xffff  }
0x13e: {  	v14 =	vand.u32 $0x7F, v14;
	v23 =	vor.u32 $0x180, v13;
	v28 =	vld.idx.msk [tilespmem:v28+s10+$0x0], $0xffff  }
0x13f: {  	v14 =	vor.u32 v14, v16;
	v27 =	vld.idx.msk [tilespmem:v31+s10+$0x0], $0xffff;
	[tilespmem:s30+$0x300] =	vst v21  }
0x140: {  	v16 =	vor.u32 $0x280, v9;
	v21 =	vld.idx.msk [tilespmem:v30+s10+$0x0], $0xffff;
	[tilespmem:s1+$0x15980] =	vst v29  }
0x141: {  	[tilespmem:s29+$0x15B80] =	vst v25;
	v29 =	vadd.s32 $0x9C00, v11;
	v25 =	vld.idx.msk [tilespmem:v53+s10+$0x0], $0xffff  }
0x142: {  	v26 =	vld.idx.msk [tilespmem:v26+s10+$0x0], $0xffff;
	v30 =	vadd.s32 $0x9E80, v10;
	[tilespmem:s11+$0x100] =	vst v24  }
0x143: {  	[tilespmem:s0+$0x16A00] =	vst v28;
	v24 =	vadd.s32 $0x9C80, v8;
	v23 =	vld.idx.msk [tilespmem:v23+s10+$0x0], $0xffff  }
0x144: {  	v28 =	vor.u32 $0x200, v13;
	[tilespmem:s28+$0x17800] =	vst v27;
	v27 =	vld.idx.msk [tilespmem:v14+s10+$0x0], $0xffff  }
0x145: {  	v16 =	vld.idx.msk [tilespmem:v16+s10+$0x0], $0xffff;
	v31 =	vor.u32 $0x80, v14;
	[tilespmem:s30+$0x380] =	vst v21  }
0x146: {  	v6 =	vadd.s32 $0x9F80, v6;
	v21 =	vld.idx.msk [tilespmem:v29+s10+$0x0], $0xffff;
	[tilespmem:s1+$0x15A00] =	vst v25  }
0x147: {  	[tilespmem:s2+$0x17B00] =	vst v26;
	v26 =	vadd.s32 $0x9C80, v11;
	v25 =	vld.idx.msk [tilespmem:v30+s10+$0x0], $0xffff  }
0x148: {  	v29 =	vadd.s32 $0x9F00, v10;
	v24 =	vld.idx.msk [tilespmem:v24+s10+$0x0], $0xffff;
	[tilespmem:s11+$0x180] =	vst v23  }
0x149: {  	[tilespmem:s29+$0x16800] =	vst v27;
	v23 =	vor.u32 $0x300, v9;
	v27 =	vld.idx.msk [tilespmem:v28+s10+$0x0], $0xffff  }
0x14a: {  	[tilespmem:s0+$0x16A80] =	vst v16;
	v16 =	vor.u32 $0x280, v13;
	v28 =	vld.idx.msk [tilespmem:v31+s10+$0x0], $0xffff  }
0x14b: {  	v6 =	vld.idx.msk [tilespmem:v6+s10+$0x0], $0xffff;
	v30 =	vor.u32 $0x100, v14;
	[tilespmem:s6+$0x15800] =	vst v21  }
0x14c: {  	v21 =	vadd.s32 $0x9D00, v8;
	v26 =	vld.idx.msk [tilespmem:v26+s10+$0x0], $0xffff;
	[tilespmem:s1+$0x15A80] =	vst v25  }
0x14d: {  	v25 =	vadd.s32 $0x9D00, v11;
	[tilespmem:s28+$0x17880] =	vst v24;
	v24 =	vld.idx.msk [tilespmem:v29+s10+$0x0], $0xffff  }
0x14e: {  	v10 =	vadd.s32 $0x9F80, v10;
	v23 =	vld.idx.msk [tilespmem:v23+s10+$0x0], $0xffff;
	[tilespmem:s11+$0x200] =	vst v27  }
0x14f: {  	v27 =	vadd.s32 $0x9E00, v7;
	[tilespmem:s29+$0x16880] =	vst v28;
	v16 =	vld.idx.msk [tilespmem:v16+s10+$0x0], $0xffff  }
0x150: {  	[tilespmem:s2+$0x17B80] =	vst v6;
	v28 =	vld.idx.msk [tilespmem:v30+s10+$0x0], $0xffff  }
0x151: {  	v29 =	vor.u32 $0x180, v14;
	v21 =	vld.idx.msk [tilespmem:v21+s10+$0x0], $0xffff;
	[tilespmem:s6+$0x15880] =	vst v26  }
0x152: {  	v26 =	vor.u32 $0x380, v9;
	v25 =	vld.idx.msk [tilespmem:v25+s10+$0x0], $0xffff;
	[tilespmem:s1+$0x15B00] =	vst v24  }
0x153: {  	v6 =	vand.u32 $0x7F, v15;
	[tilespmem:s0+$0x16B00] =	vst v23;
	v10 =	vld.idx.msk [tilespmem:v10+s10+$0x0], $0xffff;
	v23 =	vadd.s32 $0x9D80, v11  }
0x154: {  	v6 =	vor.u32 v6, v18;
	v15 =	vld.idx.msk [tilespmem:v27+s10+$0x0], $0xffff;
	[tilespmem:s11+$0x280] =	vst v16  }
0x155: {  	v16 =	vadd.s32 $0x9D80, v8;
	[tilespmem:s29+$0x16900] =	vst v28;
	v18 =	vld.idx.msk [tilespmem:v22+s10+$0x0], $0xffff  }
0x156: {  	[tilespmem:s28+$0x17900] =	vst v21;
	v21 =	vld.idx.msk [tilespmem:v29+s10+$0x0], $0xffff;
	v22 =	vor.u32 $0x380, v13  }
0x157: {  	v24 =	vld.idx.msk [tilespmem:v26+s10+$0x0], $0xffff;
	v26 =	vor.u32 $0x200, v14;
	[tilespmem:s6+$0x15900] =	vst v25  }
0x158: {  	v25 =	vadd.s32 $0x9E80, v7;
	[tilespmem:s1+$0x15B80] =	vst v10;
	v10 =	vld.idx.msk [tilespmem:v23+s10+$0x0], $0xffff  }
0x159: {  	[tilespmem:s26+$0x17A00] =	vst v15;
	v15 =	vadd.s32 $0x9E00, v11;
	v23 =	vld.idx.msk [tilespmem:v6+s10+$0x0], $0xffff  }
0x15a: {  	v16 =	vld.idx.msk [tilespmem:v16+s10+$0x0], $0xffff;
	[tilespmem:s11+$0x300] =	vst v18;
	v18 =	vor.u32 $0x80, v6  }
0x15b: {  	v27 =	vadd.s32 $0x9C00, v9;
	[tilespmem:s29+$0x16980] =	vst v21;
	v21 =	vld.idx.msk [tilespmem:v22+s10+$0x0], $0xffff  }
0x15c: {  	[tilespmem:s0+$0x16B80] =	vst v24;
	v24 =	vadd.s32 $0x9C00, v13;
	v22 =	vld.idx.msk [tilespmem:v26+s10+$0x0], $0xffff  }
0x15d: {  	v25 =	vld.idx.msk [tilespmem:v25+s10+$0x0], $0xffff;
	v26 =	vor.u32 $0x280, v14;
	[tilespmem:s6+$0x15980] =	vst v10  }
0x15e: {  	v10 =	vadd.s32 $0x9F00, v7;
	v15 =	vld.idx.msk [tilespmem:v15+s10+$0x0], $0xffff;
	[tilespmem:s1+$0x16800] =	vst v23  }
0x15f: {  	[tilespmem:s28+$0x17980] =	vst v16;
	v16 =	vadd.s32 $0x9E80, v11;
	v18 =	vld.idx.msk [tilespmem:v18+s10+$0x0], $0xffff  }
0x160: {  	v23 =	vld.idx.msk [tilespmem:v27+s10+$0x0], $0xffff;
	v27 =	vor.u32 $0x100, v6;
	[tilespmem:s11+$0x380] =	vst v21  }
0x161: {  	[tilespmem:s29+$0x16A00] =	vst v22;
	v21 =	vadd.s32 $0x9C80, v9;
	v22 =	vld.idx.msk [tilespmem:v24+s10+$0x0], $0xffff  }
0x162: {  	[tilespmem:s26+$0x17A80] =	vst v25;
	v25 =	vadd.s32 $0x9C80, v13;
	v24 =	vld.idx.msk [tilespmem:v26+s10+$0x0], $0xffff  }
0x163: {  	v10 =	vld.idx.msk [tilespmem:v10+s10+$0x0], $0xffff;
	v26 =	vor.u32 $0x300, v14;
	[tilespmem:s6+$0x15A00] =	vst v15  }
0x164: {  	v15 =	vadd.s32 $0x9E00, v8;
	v16 =	vld.idx.msk [tilespmem:v16+s10+$0x0], $0xffff;
	[tilespmem:s1+$0x16880] =	vst v18  }
0x165: {  	v7 =	vadd.s32 $0x9F80, v7;
	[tilespmem:s0+$0x17800] =	vst v23;
	v23 =	vld.idx.msk [tilespmem:v27+s10+$0x0], $0xffff  }
0x166: {  	v18 =	vadd.s32 $0x9F00, v11;
	v21 =	vld.idx.msk [tilespmem:v21+s10+$0x0], $0xffff;
	[tilespmem:s9+$0x15800] =	vst v22  }
0x167: {  	v22 =	vor.u32 $0x180, v6;
	[tilespmem:s29+$0x16A80] =	vst v24;
	v24 =	vld.idx.msk [tilespmem:v25+s10+$0x0], $0xffff  }
0x168: {  	[tilespmem:s26+$0x17B00] =	vst v10;
	v10 =	vld.idx.msk [tilespmem:v26+s10+$0x0], $0xffff;
	v25 =	vadd.s32 $0x9D00, v13  }
0x169: {  	v26 =	vor.u32 $0x380, v14;
	v15 =	vld.idx.msk [tilespmem:v15+s10+$0x0], $0xffff;
	[tilespmem:s6+$0x15A80] =	vst v16  }
0x16a: {  	v7 =	vld.idx.msk [tilespmem:v7+s10+$0x0], $0xffff;
	v16 =	vadd.s32 $0x9E80, v8;
	[tilespmem:s1+$0x16900] =	vst v23  }
0x16b: {  	v18 =	vld.idx.msk [tilespmem:v18+s10+$0x0], $0xffff;
	[tilespmem:s0+$0x17880] =	vst v21;
	v23 =	vadd.s32 $0x9D00, v9  }
0x16c: {  	v11 =	vadd.s32 $0x9F80, v11;
	v21 =	vld.idx.msk [tilespmem:v22+s10+$0x0], $0xffff;
	[tilespmem:s9+$0x15880] =	vst v24  }
0x16d: {  	v22 =	vor.u32 $0x200, v6;
	[tilespmem:s29+$0x16B00] =	vst v10;
	v10 =	vld.idx.msk [tilespmem:v25+s10+$0x0], $0xffff  }
0x16e: {  	[tilespmem:s28+$0x17A00] =	vst v15;
	v15 =	vadd.s32 $0x9D80, v13;
	v24 =	vld.idx.msk [tilespmem:v26+s10+$0x0], $0xffff  }
0x16f: {  	v12 =	vand.u32 $0x7F, v12;
	[tilespmem:s26+$0x17B80] =	vst v7;
	v16 =	vld.idx.msk [tilespmem:v16+s10+$0x0], $0xffff;
	v25 =	vadd.s32 $0x9C00, v14  }
0x170: {  	v7 =	vor.u32 v12, v17;
	[tilespmem:s6+$0x15B00] =	vst v18;
	v18 =	vadd.s32 $0x9F00, v8;
	v12 =	vld.idx.msk [tilespmem:v23+s10+$0x0], $0xffff  }
0x171: {  	v17 =	vadd.s32 $0x9D80, v9;
	v11 =	vld.idx.msk [tilespmem:v11+s10+$0x0], $0xffff;
	[tilespmem:s1+$0x16980] =	vst v21  }
0x172: {  	v21 =	vld.idx.msk [tilespmem:v22+s10+$0x0], $0xffff;
	[tilespmem:s9+$0x15900] =	vst v10  }
0x173: {  	v10 =	vor.u32 $0x280, v6;
	[tilespmem:s29+$0x16B80] =	vst v24;
	v15 =	vld.idx.msk [tilespmem:v15+s10+$0x0], $0xffff  }
0x174: {  	[tilespmem:s28+$0x17A80] =	vst v16;
	v16 =	vadd.s32 $0x9E00, v13;
	v22 =	vld.idx.msk [tilespmem:v25+s10+$0x0], $0xffff  }
0x175: {  	v18 =	vld.idx.msk [tilespmem:v18+s10+$0x0], $0xffff;
	[tilespmem:s0+$0x17900] =	vst v12  }
0x176: {  	[tilespmem:s6+$0x15B80] =	vst v11;
	v11 =	vadd.s32 $0x9C80, v14;
	v17 =	vld.idx.msk [tilespmem:v17+s10+$0x0], $0xffff  }
0x177: {  	v8 =	vadd.s32 $0x9F80, v8;
	[tilespmem:s1+$0x16A00] =	vst v21;
	v21 =	vld.idx.msk [tilespmem:v7+s10+$0x0], $0xffff  }
0x178: {  	v12 =	vor.u32 $0x80, v7;
	v10 =	vld.idx.msk [tilespmem:v10+s10+$0x0], $0xffff;
	[tilespmem:s9+$0x15980] =	vst v15  }
0x179: {  	v23 =	vor.u32 $0x300, v6;
	[tilespmem:s29+$0x17800] =	vst v22;
	v15 =	vld.idx.msk [tilespmem:v16+s10+$0x0], $0xffff  }
0x17a: {  	[tilespmem:s28+$0x17B00] =	vst v18;
	v16 =	vadd.s32 $0x9E80, v13  }
0x17b: {  	v11 =	vld.idx.msk [tilespmem:v11+s10+$0x0], $0xffff;
	[tilespmem:s0+$0x17980] =	vst v17  }
0x17c: {  	v18 =	vadd.s32 $0x9D00, v14;
	v8 =	vld.idx.msk [tilespmem:v8+s10+$0x0], $0xffff;
	[tilespmem:s6+$0x16800] =	vst v21  }
0x17d: {  	v21 =	vadd.s32 $0x9E00, v9;
	v12 =	vld.idx.msk [tilespmem:v12+s10+$0x0], $0xffff;
	[tilespmem:s1+$0x16A80] =	vst v10  }
0x17e: {  	v10 =	vor.u32 $0x100, v7;
	v17 =	vld.idx.msk [tilespmem:v23+s10+$0x0], $0xffff;
	[tilespmem:s9+$0x15A00] =	vst v15  }
0x17f: {  	v22 =	vor.u32 $0x380, v6;
	v15 =	vld.idx.msk [tilespmem:v16+s10+$0x0], $0xffff  }
0x180: {  	[tilespmem:s29+$0x17880] =	vst v11;
	v11 =	vadd.s32 $0x9F00, v13  }
0x181: {  	[tilespmem:s28+$0x17B80] =	vst v8;
	v16 =	vld.idx.msk [tilespmem:v18+s10+$0x0], $0xffff  }
0x182: {  	v8 =	vld.idx.msk [tilespmem:v21+s10+$0x0], $0xffff;
	[tilespmem:s6+$0x16880] =	vst v12  }
0x183: {  	v10 =	vld.idx.msk [tilespmem:v10+s10+$0x0], $0xffff;
	[tilespmem:s1+$0x16B00] =	vst v17  }
0x184: {  	v12 =	vld.idx.msk [tilespmem:v22+s10+$0x0], $0xffff;
	[tilespmem:s9+$0x15A80] =	vst v15  }
0x185: {  	v11 =	vld.idx.msk [tilespmem:v11+s10+$0x0], $0xffff  }
0x186: {  	v13 =	vadd.s32 $0x9F80, v13;
	_ =	sdelay $0x3  }
0x187: {  	[tilespmem:s9+$0x15B00] =	vst v11  }
0x188: {  	v11 =	vld.idx.msk [tilespmem:v13+s10+$0x0], $0xffff;
	v13 =	vand.u32 $0x7F, v19  }
0x189: {  	v13 =	vor.u32 v13, v20;
	_ =	sdelay $0x3  }
0x18a: {  	[tilespmem:s9+$0x15B80] =	vst v11  }
0x18b: {  	v11 =	vld.idx.msk [tilespmem:v13+s10+$0x0], $0xffff  }
0x18c: {  	v15 =	vor.u32 $0x80, v13;
	_ =	sdelay $0x3  }
0x18d: {  	[tilespmem:s9+$0x16800] =	vst v11  }
0x18e: {  	v11 =	vld.idx.msk [tilespmem:v15+s10+$0x0], $0xffff  }
0x18f: {  	v15 =	vor.u32 $0x100, v13;
	_ =	sdelay $0x3  }
0x190: {  	[tilespmem:s9+$0x16880] =	vst v11  }
0x191: {  	v11 =	vor.u32 $0x180, v7;
	v15 =	vld.idx.msk [tilespmem:v15+s10+$0x0], $0xffff  }
0x192: {  	v17 =	vor.u32 $0x180, v13;
	_ =	sdelay $0x2  }
0x193: {  	[tilespmem:s6+$0x16900] =	vst v10  }
0x194: {  	v10 =	vld.idx.msk [tilespmem:v11+s10+$0x0], $0xffff;
	[tilespmem:s9+$0x16900] =	vst v15  }
0x195: {  	v11 =	vor.u32 $0x200, v7;
	v15 =	vld.idx.msk [tilespmem:v17+s10+$0x0], $0xffff  }
0x196: {  	v17 =	vor.u32 $0x200, v13;
	_ =	sdelay $0x2  }
0x197: {  	[tilespmem:s6+$0x16980] =	vst v10  }
0x198: {  	v10 =	vld.idx.msk [tilespmem:v11+s10+$0x0], $0xffff;
	[tilespmem:s9+$0x16980] =	vst v15  }
0x199: {  	v11 =	vor.u32 $0x280, v7;
	v15 =	vld.idx.msk [tilespmem:v17+s10+$0x0], $0xffff  }
0x19a: {  	v17 =	vor.u32 $0x280, v13;
	_ =	sdelay $0x2  }
0x19b: {  	[tilespmem:s6+$0x16A00] =	vst v10  }
0x19c: {  	v10 =	vld.idx.msk [tilespmem:v11+s10+$0x0], $0xffff;
	[tilespmem:s9+$0x16A00] =	vst v15  }
0x19d: {  	v11 =	vor.u32 $0x300, v7;
	v15 =	vld.idx.msk [tilespmem:v17+s10+$0x0], $0xffff  }
0x19e: {  	v17 =	vor.u32 $0x300, v13;
	_ =	sdelay $0x2  }
0x19f: {  	[tilespmem:s6+$0x16A80] =	vst v10  }
0x1a0: {  	v10 =	vld.idx.msk [tilespmem:v11+s10+$0x0], $0xffff;
	[tilespmem:s9+$0x16A80] =	vst v15  }
0x1a1: {  	v11 =	vor.u32 $0x380, v7;
	v15 =	vld.idx.msk [tilespmem:v17+s10+$0x0], $0xffff  }
0x1a2: {  	v17 =	vor.u32 $0x380, v13;
	_ =	sdelay $0x2  }
0x1a3: {  	[tilespmem:s6+$0x16B00] =	vst v10  }
0x1a4: {  	v10 =	vadd.s32 $0x9C00, v6;
	v11 =	vld.idx.msk [tilespmem:v11+s10+$0x0], $0xffff;
	[tilespmem:s9+$0x16B00] =	vst v15  }
0x1a5: {  	v15 =	vadd.s32 $0x9C00, v7;
	v17 =	vld.idx.msk [tilespmem:v17+s10+$0x0], $0xffff  }
0x1a6: {  	v18 =	vadd.s32 $0x9C00, v13;
	_ =	sdelay $0x1  }
0x1a7: {  	[tilespmem:s1+$0x16B80] =	vst v12  }
0x1a8: {  	v10 =	vld.idx.msk [tilespmem:v10+s10+$0x0], $0xffff;
	[tilespmem:s6+$0x16B80] =	vst v11  }
0x1a9: {  	v11 =	vadd.s32 $0x9C80, v6;
	v12 =	vld.idx.msk [tilespmem:v15+s10+$0x0], $0xffff;
	[tilespmem:s9+$0x16B80] =	vst v17  }
0x1aa: {  	v15 =	vadd.s32 $0x9C80, v7;
	v17 =	vld.idx.msk [tilespmem:v18+s10+$0x0], $0xffff  }
0x1ab: {  	v18 =	vadd.s32 $0x9C80, v13;
	_ =	sdelay $0x1  }
0x1ac: {  	[tilespmem:s1+$0x17800] =	vst v10  }
0x1ad: {  	v10 =	vld.idx.msk [tilespmem:v11+s10+$0x0], $0xffff;
	[tilespmem:s6+$0x17800] =	vst v12  }
0x1ae: {  	v11 =	vadd.s32 $0x9D00, v6;
	v12 =	vld.idx.msk [tilespmem:v15+s10+$0x0], $0xffff;
	[tilespmem:s9+$0x17800] =	vst v17  }
0x1af: {  	v15 =	vadd.s32 $0x9D00, v7;
	v17 =	vld.idx.msk [tilespmem:v18+s10+$0x0], $0xffff  }
0x1b0: {  	v18 =	vadd.s32 $0x9D00, v13;
	_ =	sdelay $0x1  }
0x1b1: {  	[tilespmem:s1+$0x17880] =	vst v10  }
0x1b2: {  	v10 =	vadd.s32 $0x9D80, v14;
	v11 =	vld.idx.msk [tilespmem:v11+s10+$0x0], $0xffff;
	[tilespmem:s6+$0x17880] =	vst v12  }
0x1b3: {  	v12 =	vadd.s32 $0x9D80, v6;
	v15 =	vld.idx.msk [tilespmem:v15+s10+$0x0], $0xffff;
	[tilespmem:s9+$0x17880] =	vst v17  }
0x1b4: {  	v17 =	vadd.s32 $0x9D80, v7;
	v18 =	vld.idx.msk [tilespmem:v18+s10+$0x0], $0xffff  }
0x1b5: {  	v19 =	vadd.s32 $0x9D80, v13  }
0x1b6: {  	[tilespmem:s29+$0x17900] =	vst v16  }
0x1b7: {  	v10 =	vld.idx.msk [tilespmem:v10+s10+$0x0], $0xffff;
	[tilespmem:s1+$0x17900] =	vst v11  }
0x1b8: {  	v11 =	vadd.s32 $0x9E00, v14;
	v12 =	vld.idx.msk [tilespmem:v12+s10+$0x0], $0xffff;
	[tilespmem:s6+$0x17900] =	vst v15  }
0x1b9: {  	v15 =	vadd.s32 $0x9E00, v6;
	v16 =	vld.idx.msk [tilespmem:v17+s10+$0x0], $0xffff;
	[tilespmem:s9+$0x17900] =	vst v18  }
0x1ba: {  	v17 =	vadd.s32 $0x9E00, v7;
	v18 =	vld.idx.msk [tilespmem:v19+s10+$0x0], $0xffff  }
0x1bb: {  	v19 =	vadd.s32 $0x9E00, v13  }
0x1bc: {  	[tilespmem:s29+$0x17980] =	vst v10  }
0x1bd: {  	v10 =	vadd.s32 $0x9E80, v9;
	v11 =	vld.idx.msk [tilespmem:v11+s10+$0x0], $0xffff;
	[tilespmem:s1+$0x17980] =	vst v12  }
0x1be: {  	v12 =	vadd.s32 $0x9E80, v14;
	v15 =	vld.idx.msk [tilespmem:v15+s10+$0x0], $0xffff;
	[tilespmem:s6+$0x17980] =	vst v16  }
0x1bf: {  	v16 =	vadd.s32 $0x9E80, v6;
	v17 =	vld.idx.msk [tilespmem:v17+s10+$0x0], $0xffff;
	[tilespmem:s9+$0x17980] =	vst v18  }
0x1c0: {  	v18 =	vadd.s32 $0x9E80, v7;
	v19 =	vld.idx.msk [tilespmem:v19+s10+$0x0], $0xffff  }
0x1c1: {  	[tilespmem:s0+$0x17A00] =	vst v8;
	v8 =	vadd.s32 $0x9E80, v13  }
0x1c2: {  	v10 =	vld.idx.msk [tilespmem:v10+s10+$0x0], $0xffff;
	[tilespmem:s29+$0x17A00] =	vst v11  }
0x1c3: {  	v11 =	vadd.s32 $0x9F00, v9;
	v12 =	vld.idx.msk [tilespmem:v12+s10+$0x0], $0xffff;
	[tilespmem:s1+$0x17A00] =	vst v15  }
0x1c4: {  	v15 =	vadd.s32 $0x9F00, v14;
	v16 =	vld.idx.msk [tilespmem:v16+s10+$0x0], $0xffff;
	[tilespmem:s6+$0x17A00] =	vst v17  }
0x1c5: {  	v17 =	vadd.s32 $0x9F00, v6;
	v18 =	vld.idx.msk [tilespmem:v18+s10+$0x0], $0xffff;
	[tilespmem:s9+$0x17A00] =	vst v19  }
0x1c6: {  	v19 =	vadd.s32 $0x9F00, v7;
	v8 =	vld.idx.msk [tilespmem:v8+s10+$0x0], $0xffff  }
0x1c7: {  	[tilespmem:s0+$0x17A80] =	vst v10;
	v10 =	vadd.s32 $0x9F00, v13  }
0x1c8: {  	v11 =	vld.idx.msk [tilespmem:v11+s10+$0x0], $0xffff;
	[tilespmem:s29+$0x17A80] =	vst v12  }
0x1c9: {  	v9 =	vadd.s32 $0x9F80, v9;
	v12 =	vld.idx.msk [tilespmem:v15+s10+$0x0], $0xffff;
	[tilespmem:s1+$0x17A80] =	vst v16  }
0x1ca: {  	v14 =	vadd.s32 $0x9F80, v14;
	v15 =	vld.idx.msk [tilespmem:v17+s10+$0x0], $0xffff;
	[tilespmem:s6+$0x17A80] =	vst v18  }
0x1cb: {  	v6 =	vadd.s32 $0x9F80, v6;
	v16 =	vld.idx.msk [tilespmem:v19+s10+$0x0], $0xffff;
	[tilespmem:s9+$0x17A80] =	vst v8  }
0x1cc: {  	v7 =	vadd.s32 $0x9F80, v7;
	v8 =	vld.idx.msk [tilespmem:v10+s10+$0x0], $0xffff  }
0x1cd: {  	[tilespmem:s0+$0x17B00] =	vst v11;
	v10 =	vadd.s32 $0x9F80, v13  }
0x1ce: {  	v9 =	vld.idx.msk [tilespmem:v9+s10+$0x0], $0xffff;
	[tilespmem:s29+$0x17B00] =	vst v12  }
0x1cf: {  	v11 =	vld.idx.msk [tilespmem:v14+s10+$0x0], $0xffff;
	[tilespmem:s1+$0x17B00] =	vst v15  }
0x1d0: {  	v6 =	vld.idx.msk [tilespmem:v6+s10+$0x0], $0xffff;
	[tilespmem:s6+$0x17B00] =	vst v16  }
0x1d1: {  	v7 =	vld.idx.msk [tilespmem:v7+s10+$0x0], $0xffff;
	[tilespmem:s9+$0x17B00] =	vst v8  }
0x1d2: {  	s26 =	sshll.u32 s24, $0xA;
	v8 =	vld.idx.msk [tilespmem:v10+s10+$0x0], $0xffff  }
0x1d3: {  	s11 =	sshll.u32 s23, $0x8;
	s2 =	sand.u32 $0xFE000, s26;
	[tilespmem:s0+$0x17B80] =	vst v9  }
0x1d4: {  	s0 =	sor.u32 s7, s2;
	s2 =	sand.u32 $0x300, s11;
	[tilespmem:s29+$0x17B80] =	vst v11  }
0x1d5: {  	s14 =	sor.u32 s2, s0;
	[tilespmem:s1+$0x17B80] =	vst v6  }
0x1d6: {  	s24 =	sshrl.u32 s14, $0x3;
	[tilespmem:s6+$0x17B80] =	vst v7  }
0x1d7: {  	s15 =	simm.s32 $0x14800;
	s1 =	sadd.s32 s3, s24;
	[tilespmem:s9+$0x17B80] =	vst v8  }
0x1d8: {  	[hbm4b:s1+s12] =	stream.strided.scatter [tilespmem:s15], [sflag:$0x1], $0x400, s13, s12, $0x38;
	[tilespmem:$0x1C800] =	vst v63  }
0x1d9: {  	s17 =	simm.s32 $0x14C00;
	s16 =	sadd.s32 $0x80, s1  }
0x1da: {  	[hbm4b:s16+s12] =	stream.strided.scatter [tilespmem:s17], [sflag:$0x1], $0x400, s13, s12, $0x38;
	[tilespmem:$0x1C800] =	vst v63  }
0x1db: {  	s26 =	simm.s32 $0x15000;
	s18 =	sadd.s32 $0x100, s1  }
0x1dc: {  	[hbm4b:s18+s12] =	stream.strided.scatter [tilespmem:s26], [sflag:$0x1], $0x400, s13, s12, $0x38;
	[tilespmem:$0x1C800] =	vst v63  }
0x1dd: {  	s6 =	sadd.s32 $0x180, s1;
	s9 =	simm.s32 $0x15400  }
0x1de: {  	[hbm4b:s6+s12] =	stream.strided.scatter [tilespmem:s9], [sflag:$0x1], $0x400, s13, s12, $0x38;
	[tilespmem:$0x1C800] =	vst v63  }
0x1df: {  	s11 =	simm.s32 $0x15800;
	s1 =	sadd.s32 $0x100000, s1  }
0x1e0: {  	[hbm4b:s1+s12] =	stream.strided.scatter [tilespmem:s11], [sflag:$0x1], $0x400, s13, s12, $0x38;
	[tilespmem:$0x1C800] =	vst v63  }
0x1e1: {  	s15 =	simm.s32 $0x15C00;
	s14 =	sadd.s32 $0x80, s1  }
0x1e2: {  	[hbm4b:s14+s12] =	stream.strided.scatter [tilespmem:s15], [sflag:$0x1], $0x400, s13, s12, $0x38;
	[tilespmem:$0x1C800] =	vst v63  }
0x1e3: {  	s16 =	sadd.s32 $0x100, s1;
	s17 =	simm.s32 $0x16000  }
0x1e4: {  	[hbm4b:s16+s12] =	stream.strided.scatter [tilespmem:s17], [sflag:$0x1], $0x400, s13, s12, $0x38;
	[tilespmem:$0x1C800] =	vst v63  }
0x1e5: {  	s18 =	simm.s32 $0x16400;
	s26 =	sshll.u32 s25, $0x7;
	s1 =	sadd.s32 $0x180, s1  }
0x1e6: {  	[hbm4b:s1+s12] =	stream.strided.scatter [tilespmem:s18], [sflag:$0x1], $0x400, s13, s12, $0x38;
	[tilespmem:$0x1C800] =	vst v63  }
0x1e7: {  	s1 =	sand.u32 $0x380, s26  }
0x1e8: {  	s0 =	sor.u32 s1, s0  }
0x1e9: {  	s25 =	sshrl.u32 s0, $0x3  }
0x1ea: {  	s2 =	simm.s32 $0x16800;
	s0 =	sadd.s32 s3, s25  }
0x1eb: {  	[hbm4b:s0+s12] =	stream.strided.scatter [tilespmem:s2], [sflag:$0x2], $0x400, s13, s12, $0x38;
	[tilespmem:$0x1C800] =	vst v63  }
0x1ec: {  	s9 =	simm.s32 $0x16C00;
	s6 =	sadd.s32 $0x80, s0  }
0x1ed: {  	[hbm4b:s6+s12] =	stream.strided.scatter [tilespmem:s9], [sflag:$0x2], $0x400, s13, s12, $0x38;
	[tilespmem:$0x1C800] =	vst v63  }
0x1ee: {  	s14 =	simm.s32 $0x17000;
	s11 =	sadd.s32 $0x100, s0  }
0x1ef: {  	[hbm4b:s11+s12] =	stream.strided.scatter [tilespmem:s14], [sflag:$0x2], $0x400, s13, s12, $0x38;
	[tilespmem:$0x1C800] =	vst v63  }
0x1f0: {  	s16 =	simm.s32 $0x17400;
	s15 =	sadd.s32 $0x180, s0  }
0x1f1: {  	[hbm4b:s15+s12] =	stream.strided.scatter [tilespmem:s16], [sflag:$0x2], $0x400, s13, s12, $0x38;
	[tilespmem:$0x1C800] =	vst v63  }
0x1f2: {  	s17 =	simm.s32 $0x17800;
	s0 =	sadd.s32 $0x100000, s0  }
0x1f3: {  	[hbm4b:s0+s12] =	stream.strided.scatter [tilespmem:s17], [sflag:$0x2], $0x400, s13, s12, $0x38;
	[tilespmem:$0x1C800] =	vst v63  }
0x1f4: {  	s26 =	simm.s32 $0x17C00;
	s18 =	sadd.s32 $0x80, s0  }
0x1f5: {  	[hbm4b:s18+s12] =	stream.strided.scatter [tilespmem:s26], [sflag:$0x2], $0x400, s13, s12, $0x38;
	[tilespmem:$0x1C800] =	vst v63  }
0x1f6: {  	s6 =	sadd.s32 $0x100, s0;
	s9 =	simm.s32 $0x18000  }
0x1f7: {  	[hbm4b:s6+s12] =	stream.strided.scatter [tilespmem:s9], [sflag:$0x2], $0x400, s13, s12, $0x38;
	[tilespmem:$0x1C800] =	vst v63  }
0x1f8: {  	s11 =	simm.s32 $0x18400;
	s0 =	sadd.s32 $0x180, s0  }
0x1f9: {  	[hbm4b:s0+s12] =	stream.strided.scatter [tilespmem:s11], [sflag:$0x2], $0x400, s13, s12, $0x38;
	[tilespmem:$0x1C800] =	vst v63  }
0x1fa: {  	s0 =	simm.s32 @!p0 $0x3  }
0x1fb: {  	_ =	swait.ge @!p0 [sflag:s0], $0x2000  }
0x1fc: {  	[sflag:s0] =	ssyncset.done @!p0 $0x0  }
0x1fd: {  	[sflag:s0] =	ssyncadd.s32 @!p0 $0xFFFFE000;
	s0 =	simm.s32 @!p0 $0x4  }
0x1fe: {  	s14 =	simm.s32 $0x0;
	_ =	swait.ge @!p0 [sflag:s0], $0x2000  }
0x1ff: {  	s15 =	sand.u32 $0x70, s14;
	s16 =	sand.u32 $0x600, s14;
	[sflag:s0] =	ssyncset.done @!p0 $0x0  }
0x200: {  	s17 =	sor.u32 s15, s16;
	[sflag:s0] =	ssyncadd.s32 @!p0 $0xFFFFE000  }
0x201: {  	v24 =	vld [tilespmem:s17+$0x800]  }
0x202: {  	v22 =	vld [tilespmem:s17+$0x880];
	_ =	sdelay $0x2  }
0x203: {  	v23 =	vld [tilespmem:s17+$0x900];
	_ =	sdelay $0x1  }
0x204: {  	v6 =	vsub.f32 v0, v24;
	v7 =	vsub.f32 v1, v22;
	_ =	sdelay $0x1  }
0x205: {  	v6 =	vmax.f32 v6, $9.999999770e-03;
	v7 =	vmax.f32 v7, $9.999999770e-03  }
0x206: {  	v8 =	vsub.f32 v2, v23;
	v6 =	vmin.f32 v6, $1.698999980e+01;
	v7 =	vmin.f32 v7, $1.698999980e+01  }
0x207: {  	v6 =	vtrunc.f32 v6;
	v7 =	vtrunc.f32 v7  }
0x208: {  	v8 =	vmax.f32 v8, $9.999999770e-03;
	v6 =	vcvt.f32.s32 v6;
	v7 =	vcvt.f32.s32 v7  }
0x209: {  	v8 =	vmin.f32 v8, $1.698999980e+01  }
0x20a: {  	v8 =	vtrunc.f32 v8;
	v6 =	vmul.u32 $0x121, v6;
	v7 =	vmul.u32 $0x11, v7  }
0x20b: {  	v8 =	vcvt.f32.s32 v8  }
0x20c: {  	v6 =	vadd.s32 v6, v7  }
0x20d: {  	v6 =	vadd.s32 v8, v6  }
0x20e: {  	v7 =	vshll.u32 v6, $0x3  }
0x20f: {  	v6 =	vand.u32 $0x7F, v6;
	v7 =	vand.u32 $0xFFFFFC00, v7  }
0x210: {  	s18 =	simm.s32 $0x10;
	s26 =	simm.s32 $0x40;
	v8 =	vor.u32 v6, v7  }
0x211: {  	s6 =	sand.u32 $0x600, s26;
	s0 =	sand.u32 $0x70, s18  }
0x212: {  	s6 =	sor.u32 s0, s6  }
0x213: {  	v16 =	vld [tilespmem:s6+$0x800]  }
0x214: {  	v17 =	vld [tilespmem:s6+$0x880]  }
0x215: {  	v6 =	vld.idx.msk [tilespmem:v8+s10+$0x0], $0xffff;
	_ =	sdelay $0x1  }
0x216: {  	v13 =	vld [tilespmem:s6+$0x900];
	v7 =	vor.u32 $0x80, v8  }
0x217: {  	s1 =	sand.u32 $0xC00, s14  }
0x218: {  	s29 =	sor.u32 s15, s1  }
0x219: {  	v9 =	vsub.f32 v1, v17;
	[tilespmem:s29+$0x18800] =	vst v6;
	v6 =	vsub.f32 v0, v16;
	_ =	sdelay $0x1  }
0x21a: {  	v11 =	vsub.f32 v2, v13;
	v9 =	vmax.f32 v9, $9.999999770e-03;
	v7 =	vld.idx.msk [tilespmem:v7+s10+$0x0], $0xffff;
	v6 =	vmax.f32 v6, $9.999999770e-03  }
0x21b: {  	v9 =	vmin.f32 v9, $1.698999980e+01;
	v10 =	vor.u32 $0x100, v8;
	v6 =	vmin.f32 v6, $1.698999980e+01  }
0x21c: {  	v9 =	vtrunc.f32 v9;
	v6 =	vtrunc.f32 v6  }
0x21d: {  	v11 =	vmax.f32 v11, $9.999999770e-03;
	v9 =	vcvt.f32.s32 v9;
	v6 =	vcvt.f32.s32 v6  }
0x21e: {  	v11 =	vmin.f32 v11, $1.698999980e+01  }
0x21f: {  	v9 =	vmul.u32 $0x11, v9;
	[tilespmem:s29+$0x18880] =	vst v7;
	v7 =	vtrunc.f32 v11;
	v6 =	vmul.u32 $0x121, v6  }
0x220: {  	s9 =	simm.s32 $0x80;
	s6 =	simm.s32 $0x20;
	v10 =	vld.idx.msk [tilespmem:v10+s10+$0x0], $0xffff;
	v7 =	vcvt.f32.s32 v7  }
0x221: {  	s2 =	sand.u32 $0x600, s9;
	s1 =	sand.u32 $0x70, s6;
	v11 =	vor.u32 $0x180, v8;
	v6 =	vadd.s32 v6, v9  }
0x222: {  	s2 =	sor.u32 s1, s2;
	v6 =	vadd.s32 v7, v6  }
0x223: {  	v18 =	vld [tilespmem:s2+$0x800];
	v9 =	vshll.u32 v6, $0x3  }
0x224: {  	v7 =	vld [tilespmem:s2+$0x880];
	v6 =	vand.u32 $0x7F, v6;
	v9 =	vand.u32 $0xFFFFFC00, v9  }
0x225: {  	[tilespmem:s29+$0x18900] =	vst v10;
	v21 =	vor.u32 v6, v9  }
0x226: {  	v10 =	vld.idx.msk [tilespmem:v11+s10+$0x0], $0xffff  }
0x227: {  	v11 =	vld [tilespmem:s2+$0x900];
	v6 =	vor.u32 $0x200, v8;
	_ =	sdelay $0x1  }
0x228: {  	v9 =	vsub.f32 v0, v18;
	v12 =	vsub.f32 v1, v7  }
0x229: {  	v14 =	vld.idx.msk [tilespmem:v21+s10+$0x0], $0xffff  }
0x22a: {  	v15 =	vor.u32 $0x80, v21;
	v9 =	vmax.f32 v9, $9.999999770e-03;
	v12 =	vmax.f32 v12, $9.999999770e-03;
	[tilespmem:s29+$0x18980] =	vst v10  }
0x22b: {  	s11 =	simm.s32 $0x80;
	v9 =	vmin.f32 v9, $1.698999980e+01;
	v10 =	vsub.f32 v2, v11;
	v12 =	vmin.f32 v12, $1.698999980e+01;
	v6 =	vld.idx.msk [tilespmem:v6+s10+$0x0], $0xffff  }
0x22c: {  	v19 =	vor.u32 $0x280, v8;
	s2 =	sand.u32 $0xC00, s11;
	v9 =	vtrunc.f32 v9;
	v12 =	vtrunc.f32 v12  }
0x22d: {  	s31 =	sor.u32 s0, s2;
	v9 =	vcvt.f32.s32 v9;
	v10 =	vmax.f32 v10, $9.999999770e-03;
	v12 =	vcvt.f32.s32 v12  }
0x22e: {  	v10 =	vmin.f32 v10, $1.698999980e+01;
	[tilespmem:s31+$0x18800] =	vst v14  }
0x22f: {  	v9 =	vmul.u32 $0x121, v9;
	v10 =	vtrunc.f32 v10;
	v12 =	vmul.u32 $0x11, v12;
	v14 =	vld.idx.msk [tilespmem:v15+s10+$0x0], $0xffff  }
0x230: {  	v10 =	vcvt.f32.s32 v10;
	[tilespmem:s29+$0x18A00] =	vst v6;
	v15 =	vor.u32 $0x100, v21  }
0x231: {  	v6 =	vadd.s32 v9, v12;
	v9 =	vld.idx.msk [tilespmem:v19+s10+$0x0], $0xffff  }
0x232: {  	v6 =	vadd.s32 v10, v6  }
0x233: {  	v10 =	vor.u32 $0x300, v8;
	v12 =	vshll.u32 v6, $0x3  }
0x234: {  	v6 =	vand.u32 $0x7F, v6;
	v12 =	vand.u32 $0xFFFFFC00, v12;
	[tilespmem:s31+$0x18880] =	vst v14  }
0x235: {  	v6 =	vor.u32 v6, v12;
	v12 =	vld.idx.msk [tilespmem:v15+s10+$0x0], $0xffff  }
0x236: {  	[tilespmem:s29+$0x18A80] =	vst v9;
	v9 =	vor.u32 $0x180, v21;
	_ =	sdelay $0x1  }
0x237: {  	v10 =	vld.idx.msk [tilespmem:v10+s10+$0x0], $0xffff  }
0x238: {  	v14 =	vor.u32 $0x380, v8  }
0x239: {  	s14 =	simm.s32 $0x30;
	s16 =	simm.s32 $0xC0;
	v15 =	vld.idx.msk [tilespmem:v6+s10+$0x0], $0xffff;
	[tilespmem:s31+$0x18900] =	vst v12  }
0x23a: {  	s6 =	sand.u32 $0x600, s16;
	s0 =	sand.u32 $0x70, s14;
	v12 =	vor.u32 $0x80, v6;
	v9 =	vld.idx.msk [tilespmem:v9+s10+$0x0], $0xffff  }
0x23b: {  	s15 =	simm.s32 $0x100;
	v20 =	vor.u32 $0x200, v21;
	s6 =	sor.u32 s0, s6  }
0x23c: {  	s2 =	sand.u32 $0xC00, s15;
	v19 =	vld [tilespmem:s6+$0x800];
	[tilespmem:s29+$0x18B00] =	vst v10  }
0x23d: {  	s28 =	sor.u32 s1, s2;
	v14 =	vld.idx.msk [tilespmem:v14+s10+$0x0], $0xffff  }
0x23e: {  	v10 =	vld [tilespmem:s6+$0x880];
	[tilespmem:s28+$0x18800] =	vst v15;
	v15 =	vadd.s32 $0x9C00, v8  }
0x23f: {  	v12 =	vld.idx.msk [tilespmem:v12+s10+$0x0], $0xffff;
	[tilespmem:s31+$0x18980] =	vst v9  }
0x240: {  	v25 =	vor.u32 $0x100, v6;
	v9 =	vld.idx.msk [tilespmem:v20+s10+$0x0], $0xffff  }
0x241: {  	v26 =	vor.u32 $0x280, v21  }
0x242: {  	[tilespmem:s29+$0x18B80] =	vst v14;
	v20 =	vld [tilespmem:s6+$0x900]  }
0x243: {  	v27 =	vsub.f32 v0, v19;
	v14 =	vld.idx.msk [tilespmem:v15+s10+$0x0], $0xffff  }
0x244: {  	[tilespmem:s28+$0x18880] =	vst v12;
	v12 =	vsub.f32 v1, v10  }
0x245: {  	v27 =	vmax.f32 v27, $9.999999770e-03;
	v15 =	vadd.s32 $0x9C80, v8;
	v25 =	vld.idx.msk [tilespmem:v25+s10+$0x0], $0xffff;
	[tilespmem:s31+$0x18A00] =	vst v9  }
0x246: {  	v28 =	vor.u32 $0x180, v6;
	v27 =	vmin.f32 v27, $1.698999980e+01;
	v12 =	vmax.f32 v12, $9.999999770e-03;
	v26 =	vld.idx.msk [tilespmem:v26+s10+$0x0], $0xffff  }
0x247: {  	v9 =	vor.u32 $0x300, v21;
	v29 =	vsub.f32 v2, v20;
	v12 =	vmin.f32 v12, $1.698999980e+01  }
0x248: {  	[tilespmem:s29+$0x19800] =	vst v14;
	v14 =	vtrunc.f32 v27;
	v12 =	vtrunc.f32 v12  }
0x249: {  	v27 =	vmax.f32 v29, $9.999999770e-03;
	v14 =	vcvt.f32.s32 v14;
	v12 =	vcvt.f32.s32 v12  }
0x24a: {  	v15 =	vld.idx.msk [tilespmem:v15+s10+$0x0], $0xffff;
	v27 =	vmin.f32 v27, $1.698999980e+01;
	[tilespmem:s28+$0x18900] =	vst v25  }
0x24b: {  	v25 =	vtrunc.f32 v27;
	v14 =	vmul.u32 $0x121, v14;
	v12 =	vmul.u32 $0x11, v12;
	[tilespmem:s31+$0x18A80] =	vst v26;
	v26 =	vld.idx.msk [tilespmem:v28+s10+$0x0], $0xffff  }
0x24c: {  	v27 =	vor.u32 $0x200, v6;
	v25 =	vcvt.f32.s32 v25;
	v9 =	vld.idx.msk [tilespmem:v9+s10+$0x0], $0xffff  }
0x24d: {  	v29 =	vadd.s32 $0x9D00, v8;
	v12 =	vadd.s32 v14, v12  }
0x24e: {  	v12 =	vadd.s32 v25, v12  }
0x24f: {  	[tilespmem:s29+$0x19880] =	vst v15;
	v15 =	vshll.u32 v12, $0x3  }
0x250: {  	v28 =	vor.u32 $0x380, v21;
	v12 =	vand.u32 $0x7F, v12;
	v15 =	vand.u32 $0xFFFFFC00, v15;
	[tilespmem:s28+$0x18980] =	vst v26  }
0x251: {  	[tilespmem:s31+$0x18B00] =	vst v9;
	v26 =	vld.idx.msk [tilespmem:v27+s10+$0x0], $0xffff;
	v9 =	vor.u32 v12, v15  }
0x252: {  	v14 =	vld.idx.msk [tilespmem:v29+s10+$0x0], $0xffff;
	v15 =	vor.u32 $0x280, v6  }
0x253: {  	v25 =	vadd.s32 $0x9D80, v8;
	_ =	sdelay $0x1  }
0x254: {  	v12 =	vld.idx.msk [tilespmem:v28+s10+$0x0], $0xffff  }
0x255: {  	s18 =	simm.s32 $0x100;
	s17 =	simm.s32 $0x40;
	v27 =	vadd.s32 $0x9C00, v21;
	v28 =	vld.idx.msk [tilespmem:v9+s10+$0x0], $0xffff;
	[tilespmem:s28+$0x18A00] =	vst v26  }
0x256: {  	s1 =	sand.u32 $0x70, s17;
	s2 =	sand.u32 $0x600, s18;
	[tilespmem:s29+$0x19900] =	vst v14;
	v29 =	vor.u32 $0x80, v9;
	v26 =	vld.idx.msk [tilespmem:v15+s10+$0x0], $0xffff  }
0x257: {  	s26 =	simm.s32 $0x180;
	s2 =	sor.u32 s1, s2;
	v30 =	vor.u32 $0x300, v6;
	v25 =	vld.idx.msk [tilespmem:v25+s10+$0x0], $0xffff  }
0x258: {  	s6 =	sand.u32 $0xC00, s26;
	v15 =	vld [tilespmem:s2+$0x800]  }
0x259: {  	v31 =	vadd.s32 $0x9E00, v8;
	s30 =	sor.u32 s0, s6;
	[tilespmem:s31+$0x18B80] =	vst v12;
	v12 =	vld [tilespmem:s2+$0x880]  }
0x25a: {  	v27 =	vld.idx.msk [tilespmem:v27+s10+$0x0], $0xffff;
	[tilespmem:s30+$0x18800] =	vst v28  }
0x25b: {  	v28 =	vadd.s32 $0x9C80, v21;
	[tilespmem:s28+$0x18A80] =	vst v26;
	v26 =	vld.idx.msk [tilespmem:v29+s10+$0x0], $0xffff  }
0x25c: {  	v29 =	vld.idx.msk [tilespmem:v30+s10+$0x0], $0xffff;
	v30 =	vor.u32 $0x100, v9  }
0x25d: {  	v24 =	vsub.f32 v3, v24;
	v23 =	vsub.f32 v5, v23;
	v14 =	vld [tilespmem:s2+$0x900];
	[tilespmem:s29+$0x19980] =	vst v25;
	v25 =	vor.u32 $0x380, v6  }
0x25e: {  	v22 =	vsub.f32 v4, v22;
	v17 =	vsub.f32 v4, v17;
	v31 =	vld.idx.msk [tilespmem:v31+s10+$0x0], $0xffff  }
0x25f: {  	v55 =	vsub.f32 v1, v12;
	[tilespmem:s31+$0x19800] =	vst v27;
	v27 =	vsub.f32 v0, v15  }
0x260: {  	v24 =	vmax.f32 v24, $9.999999770e-03;
	v54 =	vadd.s32 $0x9E80, v8;
	v34 =	vadd.s32 $0x9D00, v21;
	v28 =	vld.idx.msk [tilespmem:v28+s10+$0x0], $0xffff;
	[tilespmem:s30+$0x18880] =	vst v26  }
0x261: {  	v56 =	vor.u32 $0x180, v9;
	v27 =	vmax.f32 v27, $9.999999770e-03;
	v30 =	vld.idx.msk [tilespmem:v30+s10+$0x0], $0xffff;
	[tilespmem:s28+$0x18B00] =	vst v29;
	v29 =	vmax.f32 v55, $9.999999770e-03  }
0x262: {  	v27 =	vmin.f32 v27, $1.698999980e+01;
	v26 =	vsub.f32 v2, v14;
	v25 =	vld.idx.msk [tilespmem:v25+s10+$0x0], $0xffff;
	v29 =	vmin.f32 v29, $1.698999980e+01  }
0x263: {  	[tilespmem:s29+$0x19A00] =	vst v31;
	v31 =	vadd.s32 $0x9C00, v6;
	v27 =	vtrunc.f32 v27;
	v29 =	vtrunc.f32 v29  }
0x264: {  	v27 =	vcvt.f32.s32 v27;
	v26 =	vmax.f32 v26, $9.999999770e-03;
	v29 =	vcvt.f32.s32 v29  }
0x265: {  	v23 =	vmax.f32 v23, $9.999999770e-03;
	v35 =	vadd.s32 $0x9F00, v8;
	v32 =	vld.idx.msk [tilespmem:v54+s10+$0x0], $0xffff;
	v26 =	vmin.f32 v26, $1.698999980e+01;
	[tilespmem:s31+$0x19880] =	vst v28  }
0x266: {  	v27 =	vmul.u32 $0x121, v27;
	v26 =	vtrunc.f32 v26;
	v28 =	vld.idx.msk [tilespmem:v34+s10+$0x0], $0xffff;
	[tilespmem:s30+$0x18900] =	vst v30;
	v29 =	vmul.u32 $0x11, v29  }
0x267: {  	v22 =	vmax.f32 v22, $9.999999770e-03;
	v26 =	vcvt.f32.s32 v26;
	v30 =	vadd.s32 $0x9D80, v21;
	v33 =	vld.idx.msk [tilespmem:v56+s10+$0x0], $0xffff;
	[tilespmem:s28+$0x18B80] =	vst v25  }
0x268: {  	v24 =	vmin.f32 v24, $1.698999980e+01;
	v25 =	vld.idx.msk [tilespmem:v31+s10+$0x0], $0xffff;
	v27 =	vadd.s32 v27, v29;
	v29 =	vor.u32 $0x200, v9  }
0x269: {  	v23 =	vmin.f32 v23, $1.698999980e+01;
	v26 =	vadd.s32 v26, v27;
	v27 =	vadd.s32 $0x9C80, v6  }
0x26a: {  	v22 =	vmin.f32 v22, $1.698999980e+01;
	v17 =	vmax.f32 v17, $9.999999770e-03;
	v24 =	vtrunc.f32 v24;
	[tilespmem:s29+$0x19A80] =	vst v32  }
0x26b: {  	v22 =	vtrunc.f32 v22;
	v17 =	vmin.f32 v17, $1.698999980e+01;
	v31 =	vld.idx.msk [tilespmem:v35+s10+$0x0], $0xffff;
	v57 =	vshll.u32 v26, $0x3;
	[tilespmem:s31+$0x19900] =	vst v28  }
0x26c: {  	v58 =	vadd.s32 $0x9F80, v8;
	v8 =	vand.u32 $0x7F, v26;
	v26 =	vand.u32 $0xFFFFFC00, v57;
	v28 =	vld.idx.msk [tilespmem:v30+s10+$0x0], $0xffff;
	[tilespmem:s30+$0x18980] =	vst v33  }
0x26d: {  	s9 =	simm.s32 $0x140;
	v24 =	vcvt.f32.s32 v24;
	v22 =	vcvt.f32.s32 v22;
	s6 =	simm.s32 $0x50;
	v8 =	vor.u32 v8, v26;
	v29 =	vld.idx.msk [tilespmem:v29+s10+$0x0], $0xffff;
	[tilespmem:s28+$0x19800] =	vst v25  }
0x26e: {  	v23 =	vtrunc.f32 v23;
	v17 =	vtrunc.f32 v17;
	s0 =	sand.u32 $0x70, s6;
	s2 =	sand.u32 $0x600, s9;
	v25 =	vld.idx.msk [tilespmem:v27+s10+$0x0], $0xffff;
	v27 =	vor.u32 $0x280, v9  }
0x26f: {  	v24 =	vmul.u32 $0x121, v24;
	v22 =	vmul.u32 $0x11, v22;
	s2 =	sor.u32 s0, s2;
	v26 =	vadd.s32 $0x9E00, v21  }
0x270: {  	v23 =	vcvt.f32.s32 v23;
	v60 =	vcvt.f32.s32 v17;
	v17 =	vld [tilespmem:s2+$0x880];
	[tilespmem:s29+$0x19B00] =	vst v31  }
0x271: {  	v22 =	vadd.s32 v24, v22;
	v30 =	vadd.s32 $0x9D00, v6;
	v24 =	vld.idx.msk [tilespmem:v58+s10+$0x0], $0xffff  }
0x272: {  	v22 =	vadd.s32 v23, v22;
	v16 =	vsub.f32 v3, v16;
	v23 =	vld.idx.msk [tilespmem:v8+s10+$0x0], $0xffff;
	[tilespmem:s30+$0x18A00] =	vst v29  }
0x273: {  	v31 =	vor.u32 $0x300, v9;
	[tilespmem:s31+$0x19980] =	vst v28;
	v28 =	vshll.u32 v22, $0x3;
	v29 =	vor.u32 $0x80, v8;
	v27 =	vld.idx.msk [tilespmem:v27+s10+$0x0], $0xffff  }
0x274: {  	s11 =	simm.s32 $0x200;
	v26 =	vld.idx.msk [tilespmem:v26+s10+$0x0], $0xffff;
	v28 =	vand.u32 $0xFFFFFC00, v28;
	[tilespmem:s28+$0x19880] =	vst v25;
	v25 =	vsub.f32 v5, v13;
	v13 =	vand.u32 $0x7F, v22  }
0x275: {  	v16 =	vmax.f32 v16, $9.999999770e-03;
	s6 =	sand.u32 $0xC00, s11;
	v22 =	vld [tilespmem:s2+$0x800];
	v13 =	vor.u32 v13, v28  }
0x276: {  	v59 =	vadd.s32 $0x9E80, v21;
	s26 =	sor.u32 s1, s6;
	v30 =	vld.idx.msk [tilespmem:v30+s10+$0x0], $0xffff;
	v28 =	vmin.f32 v16, $1.698999980e+01  }
0x277: {  	v16 =	vld [tilespmem:s2+$0x900];
	[tilespmem:s26+$0x18800] =	vst v23;
	v23 =	vtrunc.f32 v28;
	v28 =	vadd.s32 $0x9D80, v6  }
0x278: {  	v29 =	vld.idx.msk [tilespmem:v29+s10+$0x0], $0xffff;
	[tilespmem:s30+$0x18A80] =	vst v27  }
0x279: {  	v18 =	vsub.f32 v3, v18;
	[tilespmem:s29+$0x19B80] =	vst v24;
	v23 =	vcvt.f32.s32 v23;
	v27 =	vor.u32 $0x100, v8;
	v24 =	vld.idx.msk [tilespmem:v31+s10+$0x0], $0xffff  }
0x27a: {  	v25 =	vmax.f32 v25, $9.999999770e-03;
	v62 =	vor.u32 $0x80, v13;
	[tilespmem:s31+$0x19A00] =	vst v26;
	v26 =	vor.u32 $0x380, v9;
	v61 =	vld.idx.msk [tilespmem:v13+s10+$0x0], $0xffff  }
0x27b: {  	v25 =	vmin.f32 v25, $1.698999980e+01;
	v32 =	vld.idx.msk [tilespmem:v59+s10+$0x0], $0xffff;
	v23 =	vmul.u32 $0x121, v23;
	v31 =	vmul.u32 $0x11, v60;
	[tilespmem:s28+$0x19900] =	vst v30  }
0x27c: {  	v63 =	vadd.s32 $0x9E00, v6;
	v25 =	vtrunc.f32 v25;
	v30 =	vadd.s32 $0x9F00, v21;
	v28 =	vld.idx.msk [tilespmem:v28+s10+$0x0], $0xffff  }
0x27d: {  	v23 =	vadd.s32 v23, v31;
	v31 =	vsub.f32 v0, v22;
	[tilespmem:s26+$0x18880] =	vst v29;
	v29 =	vsub.f32 v1, v17  }
0x27e: {  	v40 =	vadd.s32 $0x9C00, v9;
	v25 =	vcvt.f32.s32 v25;
	v36 =	vsub.f32 v2, v16;
	v27 =	vld.idx.msk [tilespmem:v27+s10+$0x0], $0xffff;
	[tilespmem:s30+$0x18B00] =	vst v24  }
0x27f: {  	[tilespmem:s29+$0x1A800] =	vst v61;
	v24 =	vmax.f32 v31, $9.999999770e-03;
	v29 =	vmax.f32 v29, $9.999999770e-03;
	v31 =	vor.u32 $0x180, v8;
	v26 =	vld.idx.msk [tilespmem:v26+s10+$0x0], $0xffff  }
0x280: {  	v23 =	vadd.s32 v25, v23;
	[tilespmem:s31+$0x19A80] =	vst v32;
	v33 =	vld.idx.msk [tilespmem:v62+s10+$0x0], $0xffff;
	v24 =	vmin.f32 v24, $1.698999980e+01;
	v29 =	vmin.f32 v29, $1.698999980e+01  }
0x281: {  	v25 =	vor.u32 $0x100, v13;
	v24 =	vtrunc.f32 v24;
	[tilespmem:s28+$0x19980] =	vst v28;
	v28 =	vtrunc.f32 v29  }
0x282: {  	v30 =	vld.idx.msk [tilespmem:v30+s10+$0x0], $0xffff;
	v29 =	vmax.f32 v36, $9.999999770e-03;
	v24 =	vcvt.f32.s32 v24;
	v28 =	vcvt.f32.s32 v28  }
0x283: {  	v43 =	vadd.s32 $0x9E80, v6;
	v21 =	vadd.s32 $0x9F80, v21;
	v41 =	vld.idx.msk [tilespmem:v63+s10+$0x0], $0xffff;
	v29 =	vmin.f32 v29, $1.698999980e+01;
	[tilespmem:s26+$0x18900] =	vst v27  }
0x284: {  	v27 =	vtrunc.f32 v29;
	v24 =	vmul.u32 $0x121, v24;
	v28 =	vmul.u32 $0x11, v28;
	v29 =	vld.idx.msk [tilespmem:v31+s10+$0x0], $0xffff;
	[tilespmem:s30+$0x18B80] =	vst v26  }
0x285: {  	v44 =	vor.u32 $0x200, v8;
	v42 =	vshll.u32 v23, $0x3;
	v27 =	vcvt.f32.s32 v27;
	[tilespmem:s29+$0x1A880] =	vst v33;
	v31 =	vld.idx.msk [tilespmem:v40+s10+$0x0], $0xffff  }
0x286: {  	v23 =	vand.u32 $0x7F, v23;
	v25 =	vld.idx.msk [tilespmem:v25+s10+$0x0], $0xffff;
	v24 =	vadd.s32 v24, v28;
	v28 =	vadd.s32 $0x9C80, v9  }
0x287: {  	[tilespmem:s31+$0x19B00] =	vst v30;
	v30 =	vor.u32 $0x180, v13;
	v26 =	vand.u32 $0xFFFFFC00, v42;
	v24 =	vadd.s32 v27, v24  }
0x288: {  	v21 =	vld.idx.msk [tilespmem:v21+s10+$0x0], $0xffff;
	[tilespmem:s28+$0x19A00] =	vst v41;
	v27 =	vsub.f32 v4, v7;
	v7 =	vor.u32 v23, v26;
	v26 =	vshll.u32 v24, $0x3  }
0x289: {  	s14 =	simm.s32 $0x60;
	s15 =	simm.s32 $0x180;
	v23 =	vld.idx.msk [tilespmem:v43+s10+$0x0], $0xffff;
	v24 =	vand.u32 $0x7F, v24;
	v26 =	vand.u32 $0xFFFFFC00, v26;
	[tilespmem:s26+$0x18980] =	vst v29  }
0x28a: {  	v18 =	vmax.f32 v18, $9.999999770e-03;
	s16 =	sand.u32 $0x70, s14;
	s17 =	sand.u32 $0x600, s15;
	v29 =	vsub.f32 v5, v11;
	v32 =	vld.idx.msk [tilespmem:v44+s10+$0x0], $0xffff;
	v11 =	vor.u32 v24, v26;
	[tilespmem:s30+$0x19800] =	vst v31  }
0x28b: {  	v18 =	vmin.f32 v18, $1.698999980e+01;
	s1 =	sor.u32 s16, s17;
	v26 =	vor.u32 $0x280, v8;
	[tilespmem:s29+$0x1A900] =	vst v25;
	v25 =	vld.idx.msk [tilespmem:v28+s10+$0x0], $0xffff  }
0x28c: {  	v45 =	vadd.s32 $0x9F00, v6;
	v48 =	vsub.f32 v3, v19;
	v19 =	vld [tilespmem:s1+$0x880];
	v24 =	vmax.f32 v27, $9.999999770e-03  }
0x28d: {  	v18 =	vtrunc.f32 v18;
	[tilespmem:s31+$0x19B80] =	vst v21;
	v21 =	vadd.s32 $0x9D00, v9;
	v24 =	vmin.f32 v24, $1.698999980e+01;
	v27 =	vld.idx.msk [tilespmem:v30+s10+$0x0], $0xffff  }
0x28e: {  	v18 =	vcvt.f32.s32 v18;
	v28 =	vmax.f32 v29, $9.999999770e-03;
	v24 =	vtrunc.f32 v24;
	v29 =	vld.idx.msk [tilespmem:v7+s10+$0x0], $0xffff;
	[tilespmem:s28+$0x19A80] =	vst v23  }
0x28f: {  	v24 =	vcvt.f32.s32 v24;
	v30 =	vld.idx.msk [tilespmem:v11+s10+$0x0], $0xffff;
	[tilespmem:s26+$0x18A00] =	vst v32  }
0x290: {  	v18 =	vmul.u32 $0x121, v18;
	v23 =	vmin.f32 v28, $1.698999980e+01;
	v26 =	vld.idx.msk [tilespmem:v26+s10+$0x0], $0xffff;
	[tilespmem:s30+$0x19880] =	vst v25;
	v25 =	vor.u32 $0x80, v11  }
0x291: {  	s18 =	simm.s32 $0x280;
	v46 =	vor.u32 $0x300, v8;
	v28 =	vld.idx.msk [tilespmem:v45+s10+$0x0], $0xffff;
	v23 =	vtrunc.f32 v23;
	v24 =	vmul.u32 $0x11, v24  }
0x292: {  	s6 =	sand.u32 $0xC00, s18;
	v6 =	vadd.s32 $0x9F80, v6;
	v23 =	vcvt.f32.s32 v23;
	v31 =	vld.idx.msk [tilespmem:v21+s10+$0x0], $0xffff  }
0x293: {  	s0 =	sor.u32 s0, s6;
	v18 =	vadd.s32 v18, v24;
	[tilespmem:s29+$0x1A980] =	vst v27;
	v21 =	vld [tilespmem:s1+$0x800]  }
0x294: {  	v10 =	vsub.f32 v4, v10;
	v24 =	vor.u32 $0x200, v13;
	v23 =	vadd.s32 v23, v18;
	v18 =	vld [tilespmem:s1+$0x900];
	[tilespmem:s0+$0x18800] =	vst v30  }
0x295: {  	v20 =	vsub.f32 v5, v20;
	v49 =	vadd.s32 $0x9D80, v9;
	[tilespmem:s26+$0x18A80] =	vst v26;
	v25 =	vld.idx.msk [tilespmem:v25+s10+$0x0], $0xffff  }
0x296: {  	v10 =	vmax.f32 v10, $9.999999770e-03;
	v50 =	vor.u32 $0x100, v11;
	v47 =	vshll.u32 v23, $0x3;
	[tilespmem:s28+$0x19B00] =	vst v28;
	v27 =	vld.idx.msk [tilespmem:v46+s10+$0x0], $0xffff  }
0x297: {  	v28 =	vor.u32 $0x380, v8;
	v30 =	vand.u32 $0xFFFFFC00, v47;
	v52 =	vld.idx.msk [tilespmem:v6+s10+$0x0], $0xffff;
	v6 =	vand.u32 $0x7F, v23  }
0x298: {  	v10 =	vmin.f32 v10, $1.698999980e+01;
	v51 =	vor.u32 $0x80, v7;
	[tilespmem:s31+$0x1A800] =	vst v29;
	v6 =	vor.u32 v6, v30  }
0x299: {  	v10 =	vtrunc.f32 v10;
	v30 =	vsub.f32 v1, v19;
	v24 =	vld.idx.msk [tilespmem:v24+s10+$0x0], $0xffff;
	[tilespmem:s30+$0x19900] =	vst v31;
	v23 =	vsub.f32 v0, v21  }
0x29a: {  	v54 =	vadd.s32 $0x9C00, v8;
	v29 =	vor.u32 $0x180, v11;
	v31 =	vor.u32 $0x280, v13;
	v33 =	vld.idx.msk [tilespmem:v49+s10+$0x0], $0xffff;
	[tilespmem:s0+$0x18880] =	vst v25  }
0x29b: {  	v23 =	vmax.f32 v23, $9.999999770e-03;
	v25 =	vadd.s32 $0x9E00, v9;
	[tilespmem:s26+$0x18B00] =	vst v27;
	v27 =	vmax.f32 v30, $9.999999770e-03;
	v32 =	vld.idx.msk [tilespmem:v50+s10+$0x0], $0xffff  }
0x29c: {  	v37 =	vsub.f32 v2, v18;
	v23 =	vmin.f32 v23, $1.698999980e+01;
	v28 =	vld.idx.msk [tilespmem:v28+s10+$0x0], $0xffff;
	v27 =	vmin.f32 v27, $1.698999980e+01  }
0x29d: {  	v53 =	vor.u32 $0x100, v7;
	[tilespmem:s28+$0x19B80] =	vst v52;
	v30 =	vld.idx.msk [tilespmem:v51+s10+$0x0], $0xffff;
	v23 =	vtrunc.f32 v23;
	v27 =	vtrunc.f32 v27  }
0x29e: {  	v35 =	vld.idx.msk [tilespmem:v6+s10+$0x0], $0xffff;
	[tilespmem:s29+$0x1AA00] =	vst v24;
	v24 =	vmax.f32 v37, $9.999999770e-03;
	v23 =	vcvt.f32.s32 v23;
	v27 =	vcvt.f32.s32 v27  }
0x29f: {  	v15 =	vsub.f32 v3, v15;
	v38 =	vor.u32 $0x80, v6;
	v31 =	vld.idx.msk [tilespmem:v31+s10+$0x0], $0xffff;
	v24 =	vmin.f32 v24, $1.698999980e+01;
	[tilespmem:s30+$0x19980] =	vst v33  }
0x2a0: {  	v24 =	vtrunc.f32 v24;
	v23 =	vmul.u32 $0x121, v23;
	v25 =	vld.idx.msk [tilespmem:v25+s10+$0x0], $0xffff;
	v27 =	vmul.u32 $0x11, v27;
	[tilespmem:s0+$0x18900] =	vst v32  }
0x2a1: {  	v15 =	vmax.f32 v15, $9.999999770e-03;
	v56 =	vadd.s32 $0x9E80, v9;
	v24 =	vcvt.f32.s32 v24;
	[tilespmem:s26+$0x18B80] =	vst v28;
	v29 =	vld.idx.msk [tilespmem:v29+s10+$0x0], $0xffff  }
0x2a2: {  	s9 =	simm.s32 $0x1C0;
	s6 =	simm.s32 $0x70;
	v15 =	vmin.f32 v15, $1.698999980e+01;
	[tilespmem:s31+$0x1A880] =	vst v30;
	v28 =	vld.idx.msk [tilespmem:v54+s10+$0x0], $0xffff;
	v23 =	vadd.s32 v23, v27;
	v27 =	vor.u32 $0x200, v11  }
0x2a3: {  	v15 =	vtrunc.f32 v15;
	v57 =	vadd.s32 $0x9C80, v8;
	s1 =	sand.u32 $0x70, s6;
	s6 =	sand.u32 $0x600, s9;
	[tilespmem:s28+$0x1A800] =	vst v35;
	v30 =	vld.idx.msk [tilespmem:v53+s10+$0x0], $0xffff;
	v23 =	vadd.s32 v24, v23  }
0x2a4: {  	v55 =	vor.u32 $0x300, v13;
	v42 =	vcvt.f32.s32 v15;
	s6 =	sor.u32 s1, s6;
	[tilespmem:s29+$0x1AA80] =	vst v31;
	v31 =	vld.idx.msk [tilespmem:v38+s10+$0x0], $0xffff;
	v59 =	vshll.u32 v23, $0x3  }
0x2a5: {  	v58 =	vor.u32 $0x180, v7;
	v15 =	vld [tilespmem:s6+$0x880];
	v23 =	vand.u32 $0x7F, v23;
	[tilespmem:s30+$0x19A00] =	vst v25;
	v25 =	vand.u32 $0xFFFFFC00, v59  }
0x2a6: {  	v61 =	vcvt.f32.s32 v10;
	v32 =	vld.idx.msk [tilespmem:v56+s10+$0x0], $0xffff;
	v10 =	vor.u32 v23, v25;
	[tilespmem:s0+$0x18980] =	vst v29  }
0x2a7: {  	v20 =	vmax.f32 v20, $9.999999770e-03;
	v23 =	vadd.s32 $0x9F00, v9;
	[tilespmem:s26+$0x19800] =	vst v28;
	v25 =	vld.idx.msk [tilespmem:v27+s10+$0x0], $0xffff  }
0x2a8: {  	v12 =	vsub.f32 v4, v12;
	v26 =	vmax.f32 v48, $9.999999770e-03;
	[tilespmem:s31+$0x1A900] =	vst v30;
	v29 =	vor.u32 $0x280, v11;
	v28 =	vld.idx.msk [tilespmem:v57+s10+$0x0], $0xffff  }
0x2a9: {  	v20 =	vmin.f32 v20, $1.698999980e+01;
	v26 =	vmin.f32 v26, $1.698999980e+01;
	v24 =	vld.idx.msk [tilespmem:v55+s10+$0x0], $0xffff;
	[tilespmem:s28+$0x1A880] =	vst v31;
	v31 =	vadd.s32 $0x9D00, v8  }
0x2aa: {  	v12 =	vmax.f32 v12, $9.999999770e-03;
	v60 =	vor.u32 $0x100, v6;
	v26 =	vtrunc.f32 v26;
	v30 =	vld.idx.msk [tilespmem:v58+s10+$0x0], $0xffff  }
0x2ab: {  	v20 =	vtrunc.f32 v20;
	v12 =	vmin.f32 v12, $1.698999980e+01;
	v26 =	vcvt.f32.s32 v26;
	[tilespmem:s30+$0x19A80] =	vst v32;
	v62 =	vld.idx.msk [tilespmem:v10+s10+$0x0], $0xffff  }
0x2ac: {  	v20 =	vcvt.f32.s32 v20;
	v12 =	vtrunc.f32 v12;
	v14 =	vsub.f32 v5, v14;
	v63 =	vld.idx.msk [tilespmem:v23+s10+$0x0], $0xffff;
	[tilespmem:s0+$0x18A00] =	vst v25  }
0x2ad: {  	v26 =	vmul.u32 $0x121, v26;
	v27 =	vmul.u32 $0x11, v61;
	v25 =	vor.u32 $0x80, v10;
	[tilespmem:s26+$0x19880] =	vst v28;
	v29 =	vld.idx.msk [tilespmem:v29+s10+$0x0], $0xffff  }
0x2ae: {  	s11 =	simm.s32 $0x300;
	v12 =	vcvt.f32.s32 v12;
	v14 =	vmax.f32 v14, $9.999999770e-03;
	v28 =	vld.idx.msk [tilespmem:v31+s10+$0x0], $0xffff;
	v31 =	vor.u32 $0x300, v11  }
0x2af: {  	v14 =	vmin.f32 v14, $1.698999980e+01;
	s9 =	sand.u32 $0xC00, s11;
	v9 =	vadd.s32 $0x9F80, v9;
	v26 =	vadd.s32 v26, v27;
	v27 =	vld.idx.msk [tilespmem:v60+s10+$0x0], $0xffff  }
0x2b0: {  	v14 =	vtrunc.f32 v14;
	s2 =	sor.u32 s16, s9;
	v41 =	vor.u32 $0x180, v6;
	v26 =	vadd.s32 v20, v26;
	v20 =	vld [tilespmem:s6+$0x900]  }
0x2b1: {  	v12 =	vmul.u32 $0x11, v12;
	v14 =	vcvt.f32.s32 v14;
	v43 =	vadd.s32 $0x9D80, v8;
	v23 =	vld [tilespmem:s6+$0x800];
	[tilespmem:s2+$0x18800] =	vst v62  }
0x2b2: {  	v16 =	vsub.f32 v5, v16;
	v17 =	vsub.f32 v4, v17;
	v44 =	vor.u32 $0x200, v7;
	v25 =	vld.idx.msk [tilespmem:v25+s10+$0x0], $0xffff;
	[tilespmem:s0+$0x18A80] =	vst v29  }
0x2b3: {  	v45 =	vor.u32 $0x100, v10;
	v40 =	vshll.u32 v26, $0x3;
	[tilespmem:s30+$0x19B00] =	vst v63;
	v29 =	vmul.u32 $0x121, v42;
	v31 =	vld.idx.msk [tilespmem:v31+s10+$0x0], $0xffff  }
0x2b4: {  	v34 =	vand.u32 $0xFFFFFC00, v40;
	[tilespmem:s28+$0x1A900] =	vst v27;
	v27 =	vld.idx.msk [tilespmem:v9+s10+$0x0], $0xffff;
	v9 =	vand.u32 $0x7F, v26;
	v26 =	vor.u32 $0x380, v11  }
0x2b5: {  	v16 =	vmax.f32 v16, $9.999999770e-03;
	v9 =	vor.u32 v9, v34;
	[tilespmem:s26+$0x19900] =	vst v28;
	v12 =	vadd.s32 v29, v12;
	v29 =	vld.idx.msk [tilespmem:v41+s10+$0x0], $0xffff  }
0x2b6: {  	[tilespmem:s31+$0x1A980] =	vst v30;
	v28 =	vld.idx.msk [tilespmem:v43+s10+$0x0], $0xffff;
	v14 =	vadd.s32 v14, v12;
	v12 =	vsub.f32 v3, v22;
	v22 =	vor.u32 $0x200, v6  }
0x2b7: {  	v47 =	vadd.s32 $0x9E00, v8;
	v30 =	vld.idx.msk [tilespmem:v44+s10+$0x0], $0xffff;
	v46 =	vsub.f32 v0, v23;
	[tilespmem:s2+$0x18880] =	vst v25;
	v25 =	vsub.f32 v1, v15  }
0x2b8: {  	v48 =	vor.u32 $0x280, v7;
	v51 =	vadd.s32 $0x9C00, v11;
	v50 =	vsub.f32 v2, v20;
	v32 =	vld.idx.msk [tilespmem:v45+s10+$0x0], $0xffff;
	[tilespmem:s0+$0x18B00] =	vst v31  }
0x2b9: {  	[tilespmem:s30+$0x19B80] =	vst v27;
	v27 =	vmax.f32 v46, $9.999999770e-03;
	v25 =	vmax.f32 v25, $9.999999770e-03;
	v31 =	vor.u32 $0x180, v10;
	v26 =	vld.idx.msk [tilespmem:v26+s10+$0x0], $0xffff  }
0x2ba: {  	v37 =	vmax.f32 v50, $9.999999770e-03;
	v27 =	vmin.f32 v27, $1.698999980e+01;
	[tilespmem:s28+$0x1A980] =	vst v29;
	v29 =	vld.idx.msk [tilespmem:v9+s10+$0x0], $0xffff;
	v25 =	vmin.f32 v25, $1.698999980e+01  }
0x2bb: {  	v49 =	vor.u32 $0x80, v9;
	v27 =	vtrunc.f32 v27;
	[tilespmem:s26+$0x19980] =	vst v28;
	v22 =	vld.idx.msk [tilespmem:v22+s10+$0x0], $0xffff;
	v25 =	vtrunc.f32 v25  }
0x2bc: {  	[tilespmem:s31+$0x1AA00] =	vst v30;
	v28 =	vor.u32 $0x280, v6;
	v27 =	vcvt.f32.s32 v27;
	v30 =	vld.idx.msk [tilespmem:v47+s10+$0x0], $0xffff;
	v25 =	vcvt.f32.s32 v25  }
0x2bd: {  	v52 =	vor.u32 $0x300, v7;
	v53 =	vadd.s32 $0x9E80, v8;
	v35 =	vld.idx.msk [tilespmem:v48+s10+$0x0], $0xffff;
	v37 =	vmin.f32 v37, $1.698999980e+01;
	[tilespmem:s2+$0x18900] =	vst v32  }
0x2be: {  	v54 =	vtrunc.f32 v37;
	v27 =	vmul.u32 $0x121, v27;
	v25 =	vmul.u32 $0x11, v25;
	v31 =	vld.idx.msk [tilespmem:v31+s10+$0x0], $0xffff;
	[tilespmem:s0+$0x18B80] =	vst v26  }
0x2bf: {  	v16 =	vmin.f32 v16, $1.698999980e+01;
	v55 =	vor.u32 $0x200, v10;
	v26 =	vcvt.f32.s32 v54;
	[tilespmem:s30+$0x1A800] =	vst v29;
	v29 =	vld.idx.msk [tilespmem:v51+s10+$0x0], $0xffff  }
0x2c0: {  	v16 =	vtrunc.f32 v16;
	v56 =	vld.idx.msk [tilespmem:v49+s10+$0x0], $0xffff;
	[tilespmem:s28+$0x1AA00] =	vst v22;
	v22 =	vadd.s32 v27, v25;
	v25 =	vadd.s32 $0x9C80, v11  }
0x2c1: {  	v60 =	vadd.s32 $0x9F00, v8;
	[tilespmem:s26+$0x19A00] =	vst v30;
	v27 =	vor.u32 $0x100, v9;
	v28 =	vld.idx.msk [tilespmem:v28+s10+$0x0], $0xffff;
	v22 =	vadd.s32 v26, v22  }
0x2c2: {  	v12 =	vmax.f32 v12, $9.999999770e-03;
	[tilespmem:s31+$0x1AA80] =	vst v35;
	v30 =	vor.u32 $0x300, v6;
	v57 =	vld.idx.msk [tilespmem:v53+s10+$0x0], $0xffff;
	v58 =	vshll.u32 v22, $0x3  }
0x2c3: {  	v26 =	vmax.f32 v17, $9.999999770e-03;
	v17 =	vld.idx.msk [tilespmem:v52+s10+$0x0], $0xffff;
	v22 =	vand.u32 $0x7F, v22;
	v59 =	vand.u32 $0xFFFFFC00, v58;
	[tilespmem:s2+$0x18980] =	vst v31  }
0x2c4: {  	v26 =	vmin.f32 v26, $1.698999980e+01;
	v31 =	vmin.f32 v12, $1.698999980e+01;
	v32 =	vld.idx.msk [tilespmem:v55+s10+$0x0], $0xffff;
	v12 =	vor.u32 v22, v59;
	[tilespmem:s0+$0x19800] =	vst v29  }
0x2c5: {  	v26 =	vtrunc.f32 v26;
	v22 =	vtrunc.f32 v31;
	[tilespmem:s30+$0x1A880] =	vst v56;
	v29 =	vor.u32 $0x280, v10;
	v25 =	vld.idx.msk [tilespmem:v25+s10+$0x0], $0xffff  }
0x2c6: {  	v26 =	vcvt.f32.s32 v26;
	v31 =	vcvt.f32.s32 v22;
	v27 =	vld.idx.msk [tilespmem:v27+s10+$0x0], $0xffff;
	[tilespmem:s28+$0x1AA80] =	vst v28  }
0x2c7: {  	v16 =	vcvt.f32.s32 v16;
	v19 =	vsub.f32 v4, v19;
	[tilespmem:s26+$0x19A80] =	vst v57;
	v22 =	vld.idx.msk [tilespmem:v30+s10+$0x0], $0xffff  }
0x2c8: {  	s14 =	simm.s32 $0x80;
	s15 =	simm.s32 $0x200;
	v28 =	vadd.s32 $0x9D00, v11;
	v26 =	vmul.u32 $0x11, v26;
	v30 =	vmul.u32 $0x121, v31;
	v31 =	vld.idx.msk [tilespmem:v60+s10+$0x0], $0xffff  }
0x2c9: {  	s9 =	sand.u32 $0x600, s15;
	v21 =	vsub.f32 v3, v21;
	v19 =	vmax.f32 v19, $9.999999770e-03;
	v8 =	vadd.s32 $0x9F80, v8;
	s6 =	sand.u32 $0x70, s14;
	v34 =	vld.idx.msk [tilespmem:v12+s10+$0x0], $0xffff;
	[tilespmem:s2+$0x18A00] =	vst v32  }
0x2ca: {  	[tilespmem:s29+$0x1AB00] =	vst v24;
	s9 =	sor.u32 s6, s9;
	v40 =	vor.u32 $0x300, v10;
	v20 =	vsub.f32 v5, v20;
	v26 =	vadd.s32 v30, v26;
	v29 =	vld.idx.msk [tilespmem:v29+s10+$0x0], $0xffff  }
0x2cb: {  	v30 =	vor.u32 $0x380, v13;
	[tilespmem:s0+$0x19880] =	vst v25;
	v25 =	vsub.f32 v5, v18;
	v18 =	vmax.f32 v21, $9.999999770e-03;
	v21 =	vld [tilespmem:s9+$0x800]  }
0x2cc: {  	v23 =	vsub.f32 v3, v23;
	v20 =	vmax.f32 v20, $9.999999770e-03;
	v24 =	vor.u32 $0x180, v9;
	[tilespmem:s30+$0x1A900] =	vst v27;
	v27 =	vld [tilespmem:s9+$0x880]  }
0x2cd: {  	s16 =	simm.s32 $0x380;
	v61 =	vshll.u32 v14, $0x3;
	v14 =	vand.u32 $0x7F, v14;
	v62 =	vor.u32 $0x80, v12;
	v28 =	vld.idx.msk [tilespmem:v28+s10+$0x0], $0xffff  }
0x2ce: {  	v63 =	vmin.f32 v18, $1.698999980e+01;
	v18 =	vadd.s32 v16, v26;
	[tilespmem:s26+$0x19B00] =	vst v31;
	v16 =	vmax.f32 v25, $9.999999770e-03;
	v25 =	vld [tilespmem:s9+$0x900]  }
0x2cf: {  	s11 =	sand.u32 $0xC00, s16;
	v33 =	vand.u32 $0xFFFFFC00, v61;
	v31 =	vadd.s32 $0x9D80, v11;
	v26 =	vld.idx.msk [tilespmem:v8+s10+$0x0], $0xffff;
	v8 =	vmin.f32 v19, $1.698999980e+01  }
0x2d0: {  	s1 =	sor.u32 s1, s11;
	v19 =	vtrunc.f32 v63;
	v30 =	vld.idx.msk [tilespmem:v30+s10+$0x0], $0xffff;
	v41 =	vtrunc.f32 v8;
	v8 =	vor.u32 v14, v33  }
0x2d1: {  	v42 =	vadd.s32 $0x9C00, v13;
	v47 =	vor.u32 $0x200, v9;
	v24 =	vld.idx.msk [tilespmem:v24+s10+$0x0], $0xffff;
	[tilespmem:s1+$0x18800] =	vst v34;
	v14 =	vcvt.f32.s32 v19  }
0x2d2: {  	v45 =	vor.u32 $0x100, v12;
	v16 =	vmin.f32 v16, $1.698999980e+01;
	[tilespmem:s2+$0x18A80] =	vst v29;
	v29 =	vld.idx.msk [tilespmem:v62+s10+$0x0], $0xffff;
	v19 =	vcvt.f32.s32 v41  }
0x2d3: {  	v16 =	vtrunc.f32 v16;
	v43 =	vld.idx.msk [tilespmem:v40+s10+$0x0], $0xffff;
	v14 =	vmul.u32 $0x121, v14;
	v50 =	vsub.f32 v1, v27;
	[tilespmem:s0+$0x19900] =	vst v28  }
0x2d4: {  	s17 =	simm.s32 $0x90;
	s18 =	simm.s32 $0x240;
	v27 =	vsub.f32 v4, v27;
	v46 =	vmul.u32 $0x11, v19;
	v28 =	vor.u32 $0x380, v10;
	v31 =	vld.idx.msk [tilespmem:v31+s10+$0x0], $0xffff;
	[tilespmem:s26+$0x19B80] =	vst v26  }
0x2d5: {  	s11 =	sand.u32 $0x600, s18;
	s9 =	sand.u32 $0x70, s17;
	v16 =	vcvt.f32.s32 v16;
	v26 =	vsub.f32 v2, v25;
	v25 =	vsub.f32 v5, v25;
	v48 =	vld.idx.msk [tilespmem:v8+s10+$0x0], $0xffff;
	[tilespmem:s29+$0x1AB80] =	vst v30  }
0x2d6: {  	[tilespmem:s31+$0x1AB00] =	vst v17;
	s11 =	sor.u32 s9, s11;
	v49 =	vor.u32 $0x80, v8;
	v14 =	vadd.s32 v14, v46;
	v30 =	vadd.s32 $0x9E00, v11;
	v32 =	vld.idx.msk [tilespmem:v42+s10+$0x0], $0xffff  }
0x2d7: {  	v14 =	vadd.s32 v16, v14;
	[tilespmem:s1+$0x18880] =	vst v29;
	v17 =	vmax.f32 v25, $9.999999770e-03;
	v25 =	vmax.f32 v27, $9.999999770e-03;
	v27 =	vld [tilespmem:s11+$0x800]  }
0x2d8: {  	v16 =	vadd.s32 $0x9C80, v13;
	v29 =	vsub.f32 v0, v21;
	v26 =	vmax.f32 v26, $9.999999770e-03;
	v35 =	vld.idx.msk [tilespmem:v45+s10+$0x0], $0xffff;
	[tilespmem:s2+$0x18B00] =	vst v43  }
0x2d9: {  	v23 =	vmax.f32 v23, $9.999999770e-03;
	[tilespmem:s30+$0x1A980] =	vst v24;
	v24 =	vmin.f32 v26, $1.698999980e+01;
	v26 =	vld.idx.msk [tilespmem:v28+s10+$0x0], $0xffff;
	v28 =	vor.u32 $0x180, v12  }
0x2da: {  	v52 =	vadd.s32 $0x9C00, v10;
	v38 =	vmax.f32 v50, $9.999999770e-03;
	v29 =	vmax.f32 v29, $9.999999770e-03;
	[tilespmem:s0+$0x19980] =	vst v31;
	v31 =	vld.idx.msk [tilespmem:v47+s10+$0x0], $0xffff  }
0x2db: {  	v20 =	vmin.f32 v20, $1.698999980e+01;
	v38 =	vmin.f32 v38, $1.698999980e+01;
	v29 =	vmin.f32 v29, $1.698999980e+01;
	v30 =	vld.idx.msk [tilespmem:v30+s10+$0x0], $0xffff;
	[tilespmem:s26+$0x1A800] =	vst v48  }
0x2dc: {  	v39 =	vor.u32 $0x280, v9;
	v53 =	vtrunc.f32 v38;
	v29 =	vtrunc.f32 v29;
	v37 =	vld.idx.msk [tilespmem:v49+s10+$0x0], $0xffff;
	[tilespmem:s29+$0x1B800] =	vst v32  }
0x2dd: {  	v54 =	vadd.s32 $0x9E80, v11;
	v36 =	vcvt.f32.s32 v53;
	v29 =	vcvt.f32.s32 v29;
	v16 =	vld.idx.msk [tilespmem:v16+s10+$0x0], $0xffff;
	[tilespmem:s1+$0x18900] =	vst v35  }
0x2de: {  	v23 =	vmin.f32 v23, $1.698999980e+01;
	v55 =	vor.u32 $0x100, v8;
	v24 =	vtrunc.f32 v24;
	v28 =	vld.idx.msk [tilespmem:v28+s10+$0x0], $0xffff;
	[tilespmem:s2+$0x18B80] =	vst v26  }
0x2df: {  	v56 =	vmul.u32 $0x11, v36;
	v26 =	vadd.s32 $0x9D00, v13;
	v29 =	vmul.u32 $0x121, v29;
	v34 =	vld.idx.msk [tilespmem:v52+s10+$0x0], $0xffff;
	[tilespmem:s30+$0x1AA00] =	vst v31  }
0x2e0: {  	v20 =	vtrunc.f32 v20;
	v57 =	vadd.s32 $0x9C80, v10;
	v45 =	vld [tilespmem:s11+$0x900];
	v24 =	vcvt.f32.s32 v24;
	[tilespmem:s0+$0x19A00] =	vst v30  }
0x2e1: {  	v23 =	vtrunc.f32 v23;
	v31 =	vor.u32 $0x200, v12;
	v30 =	vld.idx.msk [tilespmem:v39+s10+$0x0], $0xffff;
	v29 =	vadd.s32 v29, v56;
	[tilespmem:s26+$0x1A880] =	vst v37  }
0x2e2: {  	v23 =	vcvt.f32.s32 v23;
	v58 =	vor.u32 $0x300, v9;
	v32 =	vld.idx.msk [tilespmem:v54+s10+$0x0], $0xffff;
	v24 =	vadd.s32 v24, v29;
	[tilespmem:s29+$0x1B880] =	vst v16  }
0x2e3: {  	v15 =	vsub.f32 v4, v15;
	v29 =	vld.idx.msk [tilespmem:v55+s10+$0x0], $0xffff;
	v16 =	vadd.s32 $0x9F00, v11;
	v59 =	vshll.u32 v24, $0x3;
	[tilespmem:s1+$0x18980] =	vst v28  }
0x2e4: {  	v24 =	vand.u32 $0x7F, v24;
	v26 =	vld.idx.msk [tilespmem:v26+s10+$0x0], $0xffff;
	v28 =	vor.u32 $0x180, v8;
	v35 =	vand.u32 $0xFFFFFC00, v59;
	[tilespmem:s2+$0x19800] =	vst v34  }
0x2e5: {  	v61 =	vmax.f32 v15, $9.999999770e-03;
	v60 =	vadd.s32 $0x9D80, v13;
	v15 =	vor.u32 v24, v35;
	v24 =	vld.idx.msk [tilespmem:v57+s10+$0x0], $0xffff  }
0x2e6: {  	v20 =	vcvt.f32.s32 v20;
	v23 =	vmul.u32 $0x121, v23;
	v31 =	vld.idx.msk [tilespmem:v31+s10+$0x0], $0xffff;
	[tilespmem:s30+$0x1AA80] =	vst v30  }
0x2e7: {  	v44 =	vshll.u32 v18, $0x3;
	v62 =	vor.u32 $0x280, v12;
	v40 =	vadd.s32 $0x9D00, v10;
	[tilespmem:s0+$0x19A80] =	vst v32;
	v63 =	vld.idx.msk [tilespmem:v58+s10+$0x0], $0xffff  }
0x2e8: {  	v19 =	vand.u32 $0xFFFFFC00, v44;
	v46 =	vor.u32 $0x300, v12;
	v21 =	vsub.f32 v3, v21;
	v41 =	vld.idx.msk [tilespmem:v16+s10+$0x0], $0xffff;
	[tilespmem:s26+$0x1A900] =	vst v29  }
0x2e9: {  	v42 =	vadd.s32 $0x9E00, v13;
	v11 =	vadd.s32 $0x9F80, v11;
	v30 =	vmin.f32 v61, $1.698999980e+01;
	v28 =	vld.idx.msk [tilespmem:v28+s10+$0x0], $0xffff;
	[tilespmem:s29+$0x1B900] =	vst v26  }
0x2ea: {  	v51 =	vshll.u32 v14, $0x3;
	v30 =	vtrunc.f32 v30;
	v26 =	vld.idx.msk [tilespmem:v60+s10+$0x0], $0xffff;
	[tilespmem:s2+$0x19880] =	vst v24;
	v24 =	vor.u32 $0x380, v7  }
0x2eb: {  	v25 =	vmin.f32 v25, $1.698999980e+01;
	v21 =	vmax.f32 v21, $9.999999770e-03;
	v29 =	vcvt.f32.s32 v30;
	v30 =	vld.idx.msk [tilespmem:v15+s10+$0x0], $0xffff;
	[tilespmem:s1+$0x18A00] =	vst v31  }
0x2ec: {  	[tilespmem:s28+$0x1AB00] =	vst v22;
	v22 =	vtrunc.f32 v25;
	v21 =	vmin.f32 v21, $1.698999980e+01;
	v44 =	vor.u32 $0x80, v15;
	v31 =	vld.idx.msk [tilespmem:v62+s10+$0x0], $0xffff  }
0x2ed: {  	s14 =	simm.s32 $0x400;
	v17 =	vmin.f32 v17, $1.698999980e+01;
	v22 =	vcvt.f32.s32 v22;
	v21 =	vtrunc.f32 v21;
	v43 =	vld.idx.msk [tilespmem:v40+s10+$0x0], $0xffff;
	[tilespmem:s0+$0x19B00] =	vst v41  }
0x2ee: {  	s14 =	sand.u32 $0xC00, s14;
	v21 =	vcvt.f32.s32 v21;
	v48 =	vsub.f32 v3, v27;
	v29 =	vmul.u32 $0x11, v29;
	[tilespmem:s30+$0x1AB00] =	vst v63;
	v25 =	vld.idx.msk [tilespmem:v11+s10+$0x0], $0xffff  }
0x2ef: {  	s6 =	sor.u32 s6, s14;
	v49 =	vor.u32 $0x200, v8;
	v11 =	vand.u32 $0x7F, v18;
	[tilespmem:s29+$0x1B980] =	vst v26;
	v26 =	vadd.s32 $0x9D80, v10;
	v24 =	vld.idx.msk [tilespmem:v24+s10+$0x0], $0xffff  }
0x2f0: {  	v18 =	vadd.s32 v23, v29;
	v23 =	vtrunc.f32 v17;
	[tilespmem:s6+$0x18800] =	vst v30;
	v11 =	vor.u32 v11, v19;
	v29 =	vld.idx.msk [tilespmem:v42+s10+$0x0], $0xffff  }
0x2f1: {  	v19 =	vmul.u32 $0x121, v21;
	v21 =	vmul.u32 $0x11, v22;
	v30 =	vadd.s32 $0x9C00, v7;
	[tilespmem:s1+$0x18A80] =	vst v31;
	v22 =	vld.idx.msk [tilespmem:v44+s10+$0x0], $0xffff  }
0x2f2: {  	[tilespmem:s26+$0x1A980] =	vst v28;
	v17 =	vadd.s32 v20, v18;
	v20 =	vcvt.f32.s32 v23;
	v23 =	vadd.s32 $0x9E80, v13;
	v31 =	vld.idx.msk [tilespmem:v46+s10+$0x0], $0xffff  }
0x2f3: {  	v27 =	vsub.f32 v0, v27;
	v47 =	vor.u32 $0x100, v15;
	v19 =	vadd.s32 v19, v21;
	[tilespmem:s2+$0x19900] =	vst v43;
	v21 =	vld [tilespmem:s11+$0x880]  }
0x2f4: {  	v33 =	vmax.f32 v48, $9.999999770e-03;
	v19 =	vadd.s32 v20, v19;
	v20 =	vor.u32 $0x380, v12;
	[tilespmem:s0+$0x19B80] =	vst v25;
	v26 =	vld.idx.msk [tilespmem:v26+s10+$0x0], $0xffff  }
0x2f5: {  	v36 =	vsub.f32 v2, v45;
	v27 =	vmax.f32 v27, $9.999999770e-03;
	v33 =	vmin.f32 v33, $1.698999980e+01;
	v50 =	vld.idx.msk [tilespmem:v11+s10+$0x0], $0xffff;
	[tilespmem:s31+$0x1AB80] =	vst v24  }
0x2f6: {  	v52 =	vadd.s32 $0x9C00, v12;
	v16 =	vand.u32 $0xFFFFFC00, v51;
	v51 =	vadd.s32 $0x9E00, v10;
	[tilespmem:s29+$0x1BA00] =	vst v29;
	v30 =	vld.idx.msk [tilespmem:v30+s10+$0x0], $0xffff  }
0x2f7: {  	v27 =	vmin.f32 v27, $1.698999980e+01;
	v33 =	vtrunc.f32 v33;
	v29 =	vor.u32 $0x80, v11;
	[tilespmem:s6+$0x18880] =	vst v22;
	v22 =	vld.idx.msk [tilespmem:v23+s10+$0x0], $0xffff  }
0x2f8: {  	v33 =	vcvt.f32.s32 v33;
	v55 =	vor.u32 $0x280, v8;
	v23 =	vadd.s32 $0x9C80, v7;
	v32 =	vld.idx.msk [tilespmem:v47+s10+$0x0], $0xffff;
	[tilespmem:s1+$0x18B00] =	vst v31  }
0x2f9: {  	v28 =	vmax.f32 v36, $9.999999770e-03;
	v25 =	vadd.s32 $0x9F80, v13;
	v13 =	vadd.s32 $0x9F00, v13;
	v20 =	vld.idx.msk [tilespmem:v20+s10+$0x0], $0xffff;
	[tilespmem:s2+$0x19980] =	vst v26  }
0x2fa: {  	v31 =	vor.u32 $0x180, v15;
	v54 =	vsub.f32 v1, v21;
	v21 =	vsub.f32 v4, v21;
	v26 =	vld.idx.msk [tilespmem:v49+s10+$0x0], $0xffff;
	[tilespmem:s0+$0x1A800] =	vst v50  }
0x2fb: {  	v59 =	vadd.s32 $0x9C80, v12;
	v60 =	vor.u32 $0x300, v8;
	v28 =	vmin.f32 v28, $1.698999980e+01;
	v53 =	vld.idx.msk [tilespmem:v51+s10+$0x0], $0xffff;
	[tilespmem:s31+$0x1B800] =	vst v30  }
0x2fc: {  	v28 =	vtrunc.f32 v28;
	v24 =	vsub.f32 v5, v45;
	v21 =	vmax.f32 v21, $9.999999770e-03;
	v29 =	vld.idx.msk [tilespmem:v29+s10+$0x0], $0xffff;
	[tilespmem:s29+$0x1BA80] =	vst v22  }
0x2fd: {  	v30 =	vadd.s32 $0x9E80, v10;
	v22 =	vtrunc.f32 v27;
	v27 =	vmax.f32 v54, $9.999999770e-03;
	[tilespmem:s6+$0x18900] =	vst v32;
	v23 =	vld.idx.msk [tilespmem:v23+s10+$0x0], $0xffff  }
0x2fe: {  	v21 =	vmin.f32 v21, $1.698999980e+01;
	v13 =	vld.idx.msk [tilespmem:v13+s10+$0x0], $0xffff;
	v27 =	vmin.f32 v27, $1.698999980e+01;
	[tilespmem:s1+$0x18B80] =	vst v20;
	v20 =	vadd.s32 $0x9D00, v7  }
0x2ff: {  	v56 =	vor.u32 $0x100, v11;
	v21 =	vtrunc.f32 v21;
	v31 =	vld.idx.msk [tilespmem:v31+s10+$0x0], $0xffff;
	v27 =	vtrunc.f32 v27;
	[tilespmem:s26+$0x1AA00] =	vst v26  }
0x300: {  	v24 =	vmax.f32 v24, $9.999999770e-03;
	v22 =	vcvt.f32.s32 v22;
	v57 =	vld.idx.msk [tilespmem:v52+s10+$0x0], $0xffff;
	v26 =	vcvt.f32.s32 v27;
	[tilespmem:s2+$0x19A00] =	vst v53  }
0x301: {  	v24 =	vmin.f32 v24, $1.698999980e+01;
	v21 =	vcvt.f32.s32 v21;
	v27 =	vor.u32 $0x200, v15;
	v58 =	vld.idx.msk [tilespmem:v55+s10+$0x0], $0xffff;
	[tilespmem:s0+$0x1A880] =	vst v29  }
0x302: {  	v24 =	vtrunc.f32 v24;
	v22 =	vmul.u32 $0x121, v22;
	v30 =	vld.idx.msk [tilespmem:v30+s10+$0x0], $0xffff;
	v29 =	vmul.u32 $0x11, v26;
	[tilespmem:s31+$0x1B880] =	vst v23  }
0x303: {  	v21 =	vmul.u32 $0x11, v21;
	v23 =	vmul.u32 $0x121, v33;
	[tilespmem:s29+$0x1BB00] =	vst v13;
	v62 =	vld.idx.msk [tilespmem:v20+s10+$0x0], $0xffff;
	v20 =	vcvt.f32.s32 v28  }
0x304: {  	v61 =	vadd.s32 $0x9F00, v10;
	v24 =	vcvt.f32.s32 v24;
	v35 =	vld.idx.msk [tilespmem:v56+s10+$0x0], $0xffff;
	[tilespmem:s6+$0x18980] =	vst v31;
	v22 =	vadd.s32 v22, v29  }
0x305: {  	v63 =	vor.u32 $0x180, v11;
	v26 =	vld.idx.msk [tilespmem:v25+s10+$0x0], $0xffff;
	[tilespmem:s1+$0x19800] =	vst v57;
	v21 =	vadd.s32 v23, v21;
	v20 =	vadd.s32 v20, v22  }
0x306: {  	v29 =	vld.idx.msk [tilespmem:v27+s10+$0x0], $0xffff;
	v21 =	vadd.s32 v24, v21;
	[tilespmem:s26+$0x1AA80] =	vst v58;
	v22 =	vshll.u32 v20, $0x3  }
0x307: {  	v27 =	vld.idx.msk [tilespmem:v59+s10+$0x0], $0xffff;
	v23 =	vand.u32 $0x7F, v20;
	[tilespmem:s2+$0x19A80] =	vst v30;
	v30 =	vadd.s32 $0x9D80, v7;
	v25 =	vand.u32 $0xFFFFFC00, v22  }
0x308: {  	v18 =	vshll.u32 v17, $0x3;
	v24 =	vshll.u32 v21, $0x3;
	v20 =	vld.idx.msk [tilespmem:v60+s10+$0x0], $0xffff;
	v25 =	vor.u32 v23, v25  }
0x309: {  	v13 =	vshll.u32 v19, $0x3;
	v31 =	vor.u32 $0x280, v15;
	[tilespmem:s0+$0x1A900] =	vst v35;
	v22 =	vand.u32 $0xFFFFFC00, v24;
	v24 =	vld.idx.msk [tilespmem:v61+s10+$0x0], $0xffff  }
0x30a: {  	s15 =	simm.s32 $0xA0;
	s14 =	simm.s32 $0x280;
	v18 =	vand.u32 $0xFFFFFC00, v18;
	s11 =	simm.s32 $0x480;
	v13 =	vand.u32 $0xFFFFFC00, v13;
	v28 =	vadd.s32 $0x9D00, v12;
	v23 =	vld.idx.msk [tilespmem:v63+s10+$0x0], $0xffff;
	[tilespmem:s31+$0x1B900] =	vst v62  }
.LBB2_5:
0x30b: {  	s18 =	sand.u32 $0x70, s15;
	s16 =	sand.u32 $0x600, s14;
	s17 =	smov.u32 s15  }
0x30c: {  	v30 =	vld.idx.msk [tilespmem:v30+s10+$0x0], $0xffff;
	[tilespmem:s29+$0x1BB80] =	vst v26;
	s29 =	smov.u32 s31;
	s31 =	smov.u32 s28;
	s17 =	sadd.s32 $0x10, s15  }
0x30d: {  	p0 =	sne.s32 s15, $0x1F0;
	s28 =	smov.u32 s30;
	s16 =	sor.u32 s18, s16;
	v26 =	vld.idx.msk [tilespmem:v25+s10+$0x0], $0xffff;
	[tilespmem:s6+$0x18A00] =	vst v29;
	v29 =	vadd.s32 $0x9F80, v10;
	v10 =	vmovc v12;
	v12 =	vmov v15;
	v15 =	vmov v25  }
0x30e: {  	s30 =	smov.u32 s26;
	s26 =	smov.u32 s0;
	s0 =	smov.u32 s2;
	v25 =	vld.idx.msk [tilespmem:v31+s10+$0x0], $0xffff;
	[tilespmem:s1+$0x19880] =	vst v27;
	v27 =	vor.u32 $0x380, v6;
	v31 =	vadd.s32 $0x9E00, v7  }
0x30f: {  	s2 =	smov.u32 s1;
	s1 =	smov.u32 s6;
	v28 =	vld.idx.msk [tilespmem:v28+s10+$0x0], $0xffff;
	[tilespmem:s30+$0x1AB00] =	vst v20  }
0x310: {  	v33 =	vor.u32 $0x80, v15;
	v32 =	vld [tilespmem:s16+$0x800];
	[tilespmem:s0+$0x19B00] =	vst v24  }
0x311: {  	s6 =	sand.u32 $0xC00, s11;
	v34 =	vor.u32 $0x300, v12;
	v24 =	vld [tilespmem:s16+$0x900];
	[tilespmem:s26+$0x1A980] =	vst v23  }
0x312: {  	s6 =	sor.u32 s9, s6;
	s9 =	smov.u32 s18;
	v23 =	vld.idx.msk [tilespmem:v29+s10+$0x0], $0xffff;
	[tilespmem:s29+$0x1B980] =	vst v30  }
0x313: {  	v20 =	vadd.s32 $0x9F80, v7;
	v29 =	vand.u32 $0x7F, v14;
	v14 =	vmovc v17;
	v17 =	vmovc v19;
	[tilespmem:s6+$0x18800] =	vst v26;
	v26 =	vadd.s32 $0x9D80, v10;
	v27 =	vld.idx.msk [tilespmem:v27+s10+$0x0], $0xffff  }
0x314: {  	v30 =	vadd.s32 $0x9E80, v7;
	[tilespmem:s1+$0x18A80] =	vst v25;
	v25 =	vor.u32 v29, v16;
	v29 =	vld.idx.msk [tilespmem:v31+s10+$0x0], $0xffff;
	v31 =	vadd.s32 $0x9F00, v7;
	v7 =	vmovc v6  }
0x315: {  	v6 =	vmovc v9;
	v43 =	vsub.f32 v3, v32;
	v33 =	vld.idx.msk [tilespmem:v33+s10+$0x0], $0xffff;
	[tilespmem:s2+$0x19900] =	vst v28;
	v28 =	vadd.s32 $0x9C00, v7;
	v35 =	vadd.s32 $0x9C80, v7  }
0x316: {  	v38 =	vor.u32 $0x200, v11;
	v9 =	vmovc v8;
	v8 =	vmovc v11;
	v37 =	vor.u32 $0x80, v25;
	v36 =	vsub.f32 v5, v24;
	v34 =	vld.idx.msk [tilespmem:v34+s10+$0x0], $0xffff  }
0x317: {  	v40 =	vor.u32 $0x100, v15;
	v19 =	vmovc v21;
	v11 =	vmovc v25;
	v24 =	vsub.f32 v2, v24;
	v39 =	vld [tilespmem:s16+$0x880];
	v42 =	vmax.f32 v43, $9.999999770e-03  }
0x318: {  	v41 =	vor.u32 $0x380, v12;
	v16 =	vmovc v18;
	v18 =	vmovc v13;
	v21 =	vmin.f32 v42, $1.698999980e+01;
	v36 =	vmax.f32 v36, $9.999999770e-03;
	v26 =	vld.idx.msk [tilespmem:v26+s10+$0x0], $0xffff;
	[tilespmem:s0+$0x19B80] =	vst v23  }
0x319: {  	v13 =	vmovc v22;
	v23 =	vsub.f32 v0, v32;
	v24 =	vmax.f32 v24, $9.999999770e-03;
	v32 =	vmin.f32 v36, $1.698999980e+01;
	v25 =	vld.idx.msk [tilespmem:v25+s10+$0x0], $0xffff;
	[tilespmem:s31+$0x1AB80] =	vst v27  }
0x31a: {  	v22 =	vmin.f32 v24, $1.698999980e+01;
	v27 =	vadd.s32 $0x9E00, v10;
	v24 =	vtrunc.f32 v32;
	v28 =	vld.idx.msk [tilespmem:v28+s10+$0x0], $0xffff;
	[tilespmem:s29+$0x1BA00] =	vst v29  }
0x31b: {  	v21 =	vtrunc.f32 v21;
	v23 =	vmax.f32 v23, $9.999999770e-03;
	v22 =	vtrunc.f32 v22;
	[tilespmem:s6+$0x18880] =	vst v33;
	v29 =	vld.idx.msk [tilespmem:v30+s10+$0x0], $0xffff  }
0x31c: {  	v23 =	vmin.f32 v23, $1.698999980e+01;
	v22 =	vcvt.f32.s32 v22;
	v30 =	vsub.f32 v1, v39;
	v32 =	vld.idx.msk [tilespmem:v40+s10+$0x0], $0xffff;
	[tilespmem:s1+$0x18B00] =	vst v34  }
0x31d: {  	v36 =	vor.u32 $0x280, v8;
	v23 =	vtrunc.f32 v23;
	v33 =	vsub.f32 v4, v39;
	v34 =	vld.idx.msk [tilespmem:v41+s10+$0x0], $0xffff  }
0x31e: {  	v39 =	vor.u32 $0x180, v15;
	v23 =	vcvt.f32.s32 v23;
	v30 =	vmax.f32 v30, $9.999999770e-03;
	[tilespmem:s2+$0x19980] =	vst v26;
	v26 =	vld.idx.msk [tilespmem:v38+s10+$0x0], $0xffff  }
0x31f: {  	v33 =	vmax.f32 v33, $9.999999770e-03;
	v38 =	vadd.s32 $0x9C00, v12;
	v30 =	vmin.f32 v30, $1.698999980e+01;
	v27 =	vld.idx.msk [tilespmem:v27+s10+$0x0], $0xffff;
	[tilespmem:s0+$0x1A800] =	vst v25  }
0x320: {  	v25 =	vtrunc.f32 v30;
	v30 =	vmin.f32 v33, $1.698999980e+01;
	v33 =	vld.idx.msk [tilespmem:v37+s10+$0x0], $0xffff;
	v37 =	vor.u32 $0x100, v11;
	[tilespmem:s31+$0x1B800] =	vst v28  }
0x321: {  	v25 =	vcvt.f32.s32 v25;
	v28 =	vtrunc.f32 v30;
	v30 =	vadd.s32 $0x9E80, v10;
	v35 =	vld.idx.msk [tilespmem:v35+s10+$0x0], $0xffff;
	[tilespmem:s29+$0x1BA80] =	vst v29  }
0x322: {  	v21 =	vcvt.f32.s32 v21;
	v23 =	vmul.u32 $0x121, v23;
	v28 =	vcvt.f32.s32 v28;
	[tilespmem:s6+$0x18900] =	vst v32;
	v29 =	vld.idx.msk [tilespmem:v31+s10+$0x0], $0xffff  }
0x323: {  	v32 =	vadd.s32 $0x9D00, v7;
	v25 =	vmul.u32 $0x11, v25;
	v31 =	vld.idx.msk [tilespmem:v39+s10+$0x0], $0xffff;
	[tilespmem:s1+$0x18B80] =	vst v34  }
0x324: {  	v21 =	vmul.u32 $0x121, v21;
	v28 =	vmul.u32 $0x11, v28;
	v34 =	vld.idx.msk [tilespmem:v38+s10+$0x0], $0xffff;
	[tilespmem:s26+$0x1AA00] =	vst v26;
	v38 =	vor.u32 $0x300, v8  }
0x325: {  	v24 =	vcvt.f32.s32 v24;
	v23 =	vadd.s32 v23, v25;
	v25 =	vor.u32 $0x200, v15;
	[tilespmem:s2+$0x19A00] =	vst v27;
	v36 =	vld.idx.msk [tilespmem:v36+s10+$0x0], $0xffff  }
0x326: {  	v22 =	vadd.s32 v22, v23;
	v21 =	vadd.s32 v21, v28;
	v23 =	vadd.s32 $0x9C80, v12;
	v28 =	vld.idx.msk [tilespmem:v30+s10+$0x0], $0xffff;
	[tilespmem:s0+$0x1A880] =	vst v33  }
0x327: {  	v27 =	vand.u32 $0x7F, v22;
	v22 =	vshll.u32 v22, $0x3;
	v21 =	vadd.s32 v24, v21;
	v33 =	vld.idx.msk [tilespmem:v37+s10+$0x0], $0xffff;
	[tilespmem:s31+$0x1B880] =	vst v35  }
0x328: {  	v35 =	vadd.s32 $0x9F00, v10;
	v24 =	vand.u32 $0xFFFFFC00, v22;
	v22 =	vshll.u32 v21, $0x3;
	v32 =	vld.idx.msk [tilespmem:v32+s10+$0x0], $0xffff;
	[tilespmem:s29+$0x1BB00] =	vst v29  }
0x329: {  	s11 =	sadd.s32 $0x80, s11;
	v37 =	vor.u32 $0x180, v11;
	v22 =	vand.u32 $0xFFFFFC00, v22;
	[tilespmem:s6+$0x18980] =	vst v31;
	v26 =	vld.idx.msk [tilespmem:v20+s10+$0x0], $0xffff  }
.Ltmp1:
0x32a: {  	v30 =	vadd.s32 $0x9D80, v7;
	v29 =	vld.idx.msk [tilespmem:v25+s10+$0x0], $0xffff;
	[tilespmem:s1+$0x19800] =	vst v34;
	(pc) =	sbr.rel @p0 .LBB2_5-.Ltmp1, $4  }
0x32b: {  	v25 =	vor.u32 v27, v24;
	v27 =	vld.idx.msk [tilespmem:v23+s10+$0x0], $0xffff;
	[tilespmem:s26+$0x1AA80] =	vst v36  }
0x32c: {  	v31 =	vor.u32 $0x280, v15;
	[tilespmem:s2+$0x19A80] =	vst v28;
	v20 =	vld.idx.msk [tilespmem:v38+s10+$0x0], $0xffff  }
0x32d: {  	v28 =	vadd.s32 $0x9D00, v12;
	v24 =	vld.idx.msk [tilespmem:v35+s10+$0x0], $0xffff;
	[tilespmem:s0+$0x1A900] =	vst v33  }
0x32e: {  	s14 =	sadd.s32 $0x40, s14;
	s15 =	smov.u32 s17;
	v23 =	vld.idx.msk [tilespmem:v37+s10+$0x0], $0xffff;
	[tilespmem:s31+$0x1B900] =	vst v32  }
0x32f: {  	_ =	sdelay $0x3  }
0x330: {  	v0 =	vld.idx.msk [tilespmem:v25+s10+$0x0], $0xffff  }
0x331: {  	v1 =	vor.u32 $0x80, v25;
	_ =	sdelay $0x1  }
0x332: {  	s11 =	sand.u32 $0xC00, s11  }
0x333: {  	s9 =	sor.u32 s9, s11  }
0x334: {  	[tilespmem:s9+$0x18800] =	vst v0  }
0x335: {  	v0 =	vld.idx.msk [tilespmem:v1+s10+$0x0], $0xffff  }
0x336: {  	v58 =	vor.u32 $0x100, v25;
	_ =	sdelay $0x3  }
0x337: {  	[tilespmem:s9+$0x18880] =	vst v0  }
0x338: {  	v0 =	vld.idx.msk [tilespmem:v58+s10+$0x0], $0xffff  }
0x339: {  	v59 =	vor.u32 $0x180, v25;
	_ =	sdelay $0x3  }
0x33a: {  	[tilespmem:s9+$0x18900] =	vst v0  }
0x33b: {  	v0 =	vld.idx.msk [tilespmem:v59+s10+$0x0], $0xffff  }
0x33c: {  	v60 =	vor.u32 $0x200, v25;
	_ =	sdelay $0x3  }
0x33d: {  	[tilespmem:s9+$0x18980] =	vst v0  }
0x33e: {  	v0 =	vld.idx.msk [tilespmem:v60+s10+$0x0], $0xffff  }
0x33f: {  	v61 =	vor.u32 $0x280, v25;
	_ =	sdelay $0x2  }
0x340: {  	[tilespmem:s6+$0x18A00] =	vst v29  }
0x341: {  	v2 =	vld.idx.msk [tilespmem:v31+s10+$0x0], $0xffff;
	[tilespmem:s9+$0x18A00] =	vst v0  }
0x342: {  	v62 =	vor.u32 $0x300, v15;
	v1 =	vld.idx.msk [tilespmem:v61+s10+$0x0], $0xffff  }
0x343: {  	v3 =	vor.u32 $0x300, v25;
	_ =	sdelay $0x2  }
0x344: {  	[tilespmem:s6+$0x18A80] =	vst v2  }
0x345: {  	v0 =	vld.idx.msk [tilespmem:v62+s10+$0x0], $0xffff;
	[tilespmem:s9+$0x18A80] =	vst v1  }
0x346: {  	v63 =	vor.u32 $0x380, v15;
	v29 =	vld.idx.msk [tilespmem:v3+s10+$0x0], $0xffff  }
0x347: {  	v31 =	vor.u32 $0x380, v25;
	_ =	sdelay $0x2  }
0x348: {  	[tilespmem:s6+$0x18B00] =	vst v0  }
0x349: {  	v0 =	vld.idx.msk [tilespmem:v63+s10+$0x0], $0xffff;
	[tilespmem:s9+$0x18B00] =	vst v29  }
0x34a: {  	v32 =	vadd.s32 $0x9C00, v15;
	v2 =	vld.idx.msk [tilespmem:v31+s10+$0x0], $0xffff  }
0x34b: {  	v33 =	vadd.s32 $0x9C00, v25;
	_ =	sdelay $0x2  }
0x34c: {  	[tilespmem:s6+$0x18B80] =	vst v0  }
0x34d: {  	v0 =	vld.idx.msk [tilespmem:v32+s10+$0x0], $0xffff;
	[tilespmem:s9+$0x18B80] =	vst v2  }
0x34e: {  	v34 =	vadd.s32 $0x9C80, v15;
	v2 =	vld.idx.msk [tilespmem:v33+s10+$0x0], $0xffff  }
0x34f: {  	v35 =	vadd.s32 $0x9C80, v25;
	_ =	sdelay $0x2  }
0x350: {  	[tilespmem:s6+$0x19800] =	vst v0  }
0x351: {  	v0 =	vld.idx.msk [tilespmem:v34+s10+$0x0], $0xffff;
	[tilespmem:s9+$0x19800] =	vst v2  }
0x352: {  	v37 =	vadd.s32 $0x9D00, v15;
	v2 =	vld.idx.msk [tilespmem:v35+s10+$0x0], $0xffff  }
0x353: {  	v38 =	vadd.s32 $0x9D00, v25;
	_ =	sdelay $0x1  }
0x354: {  	[tilespmem:s1+$0x19880] =	vst v27  }
0x355: {  	v5 =	vor.u32 $0x380, v6;
	v28 =	vld.idx.msk [tilespmem:v28+s10+$0x0], $0xffff;
	[tilespmem:s6+$0x19880] =	vst v0  }
0x356: {  	v43 =	vadd.s32 $0x9D80, v12;
	v1 =	vld.idx.msk [tilespmem:v37+s10+$0x0], $0xffff;
	[tilespmem:s9+$0x19880] =	vst v2  }
0x357: {  	v44 =	vadd.s32 $0x9D80, v15;
	v3 =	vld.idx.msk [tilespmem:v38+s10+$0x0], $0xffff  }
0x358: {  	v4 =	vld.idx.msk [tilespmem:v30+s10+$0x0], $0xffff;
	v45 =	vadd.s32 $0x9D80, v25;
	[tilespmem:s29+$0x1BB80] =	vst v26  }
0x359: {  	v10 =	vadd.s32 $0x9F80, v10;
	[tilespmem:s2+$0x19B00] =	vst v24  }
0x35a: {  	v36 =	vadd.s32 $0x9E00, v7;
	v39 =	vld.idx.msk [tilespmem:v5+s10+$0x0], $0xffff;
	[tilespmem:s1+$0x19900] =	vst v28  }
0x35b: {  	v41 =	vadd.s32 $0x9C00, v6;
	v0 =	vld.idx.msk [tilespmem:v43+s10+$0x0], $0xffff;
	[tilespmem:s6+$0x19900] =	vst v1  }
0x35c: {  	v49 =	vadd.s32 $0x9E00, v12;
	v2 =	vld.idx.msk [tilespmem:v44+s10+$0x0], $0xffff;
	[tilespmem:s9+$0x19900] =	vst v3  }
0x35d: {  	v50 =	vadd.s32 $0x9E00, v15;
	[tilespmem:s31+$0x1B980] =	vst v4;
	v4 =	vld.idx.msk [tilespmem:v45+s10+$0x0], $0xffff  }
0x35e: {  	v51 =	vadd.s32 $0x9E00, v25;
	[tilespmem:s0+$0x1A980] =	vst v23;
	v10 =	vld.idx.msk [tilespmem:v10+s10+$0x0], $0xffff  }
0x35f: {  	v52 =	vor.u32 $0x380, v9;
	v40 =	vld.idx.msk [tilespmem:v36+s10+$0x0], $0xffff;
	[tilespmem:s28+$0x1AB80] =	vst v39  }
0x360: {  	v42 =	vadd.s32 $0x9E80, v7;
	v27 =	vld.idx.msk [tilespmem:v41+s10+$0x0], $0xffff;
	[tilespmem:s1+$0x19980] =	vst v0  }
0x361: {  	v46 =	vadd.s32 $0x9C80, v6;
	v1 =	vld.idx.msk [tilespmem:v49+s10+$0x0], $0xffff;
	[tilespmem:s6+$0x19980] =	vst v2  }
0x362: {  	v56 =	vadd.s32 $0x9E80, v12;
	v3 =	vld.idx.msk [tilespmem:v50+s10+$0x0], $0xffff;
	[tilespmem:s9+$0x19980] =	vst v4  }
0x363: {  	v57 =	vadd.s32 $0x9E80, v15;
	[tilespmem:s2+$0x19B80] =	vst v10;
	v58 =	vld.idx.msk [tilespmem:v51+s10+$0x0], $0xffff  }
0x364: {  	[tilespmem:s31+$0x1BA00] =	vst v40;
	v59 =	vld.idx.msk [tilespmem:v52+s10+$0x0], $0xffff;
	v60 =	vadd.s32 $0x9E80, v25  }
0x365: {  	v47 =	vld.idx.msk [tilespmem:v42+s10+$0x0], $0xffff;
	[tilespmem:s28+$0x1B800] =	vst v27;
	v62 =	vadd.s32 $0x9C00, v9  }
0x366: {  	v48 =	vadd.s32 $0x9F00, v7;
	v5 =	vld.idx.msk [tilespmem:v46+s10+$0x0], $0xffff;
	[tilespmem:s1+$0x19A00] =	vst v1  }
0x367: {  	v54 =	vadd.s32 $0x9D00, v6;
	[tilespmem:s6+$0x19A00] =	vst v3;
	v4 =	vld.idx.msk [tilespmem:v56+s10+$0x0], $0xffff  }
0x368: {  	v55 =	vadd.s32 $0x9F80, v7;
	v31 =	vadd.s32 $0x9F00, v12;
	v7 =	vld.idx.msk [tilespmem:v57+s10+$0x0], $0xffff;
	[tilespmem:s9+$0x19A00] =	vst v58  }
0x369: {  	[tilespmem:s30+$0x1AB80] =	vst v59;
	v32 =	vadd.s32 $0x9F00, v15;
	v26 =	vld.idx.msk [tilespmem:v60+s10+$0x0], $0xffff  }
0x36a: {  	[tilespmem:s31+$0x1BA80] =	vst v47;
	v33 =	vadd.s32 $0x9F00, v25;
	v0 =	vld.idx.msk [tilespmem:v62+s10+$0x0], $0xffff  }
0x36b: {  	v53 =	vld.idx.msk [tilespmem:v48+s10+$0x0], $0xffff;
	[tilespmem:s28+$0x1B880] =	vst v5;
	v35 =	vadd.s32 $0x9C80, v9  }
0x36c: {  	v61 =	vld.idx.msk [tilespmem:v54+s10+$0x0], $0xffff;
	[tilespmem:s1+$0x19A80] =	vst v4  }
0x36d: {  	v30 =	vadd.s32 $0x9D80, v6;
	[tilespmem:s6+$0x19A80] =	vst v7;
	v3 =	vld.idx.msk [tilespmem:v31+s10+$0x0], $0xffff  }
0x36e: {  	v37 =	vadd.s32 $0x9F80, v12;
	v5 =	vld.idx.msk [tilespmem:v32+s10+$0x0], $0xffff;
	[tilespmem:s9+$0x19A80] =	vst v26  }
0x36f: {  	v38 =	vadd.s32 $0x9F80, v15;
	[tilespmem:s30+$0x1B800] =	vst v0;
	v39 =	vld.idx.msk [tilespmem:v33+s10+$0x0], $0xffff  }
0x370: {  	v40 =	vadd.s32 $0x9F80, v25;
	[tilespmem:s31+$0x1BB00] =	vst v53;
	v2 =	vld.idx.msk [tilespmem:v35+s10+$0x0], $0xffff  }
0x371: {  	v41 =	vadd.s32 $0x9D00, v9;
	v42 =	vand.u32 $0x7F, v14;
	v63 =	vld.idx.msk [tilespmem:v55+s10+$0x0], $0xffff;
	[tilespmem:s28+$0x1B900] =	vst v61  }
0x372: {  	v34 =	vld.idx.msk [tilespmem:v30+s10+$0x0], $0xffff;
	v0 =	vor.u32 v42, v16;
	[tilespmem:s1+$0x19B00] =	vst v3  }
0x373: {  	v36 =	vadd.s32 $0x9E00, v6;
	v44 =	vand.u32 $0x7F, v17;
	[tilespmem:s6+$0x19B00] =	vst v5;
	v7 =	vld.idx.msk [tilespmem:v37+s10+$0x0], $0xffff  }
0x374: {  	v1 =	vor.u32 v44, v18;
	v45 =	vand.u32 $0x7F, v19;
	v5 =	vld.idx.msk [tilespmem:v38+s10+$0x0], $0xffff;
	[tilespmem:s9+$0x19B00] =	vst v39  }
0x375: {  	v47 =	vand.u32 $0x7F, v21;
	[tilespmem:s30+$0x1B880] =	vst v2;
	v2 =	vor.u32 v45, v13;
	v46 =	vld.idx.msk [tilespmem:v40+s10+$0x0], $0xffff  }
0x376: {  	[tilespmem:s31+$0x1BB80] =	vst v63;
	v48 =	vld.idx.msk [tilespmem:v41+s10+$0x0], $0xffff;
	v3 =	vor.u32 v47, v22  }
0x377: {  	[tilespmem:s28+$0x1B980] =	vst v34;
	v50 =	vadd.s32 $0x9D80, v9;
	v51 =	vld.idx.msk [tilespmem:v0+s10+$0x0], $0xffff  }
0x378: {  	v53 =	vor.u32 $0x80, v0;
	v4 =	vld.idx.msk [tilespmem:v36+s10+$0x0], $0xffff;
	[tilespmem:s1+$0x19B80] =	vst v7  }
0x379: {  	v43 =	vadd.s32 $0x9E80, v6;
	[tilespmem:s6+$0x19B80] =	vst v5;
	v54 =	vld.idx.msk [tilespmem:v1+s10+$0x0], $0xffff  }
0x37a: {  	v55 =	vor.u32 $0x80, v1;
	v56 =	vld.idx.msk [tilespmem:v2+s10+$0x0], $0xffff;
	[tilespmem:s9+$0x19B80] =	vst v46  }
0x37b: {  	v57 =	vor.u32 $0x80, v2;
	[tilespmem:s30+$0x1B900] =	vst v48;
	v12 =	vld.idx.msk [tilespmem:v3+s10+$0x0], $0xffff  }
0x37c: {  	v58 =	vld.idx.msk [tilespmem:v50+s10+$0x0], $0xffff;
	[tilespmem:s2+$0x1A800] =	vst v51;
	v59 =	vor.u32 $0x80, v3  }
0x37d: {  	v61 =	vadd.s32 $0x9E00, v9;
	[tilespmem:s28+$0x1BA00] =	vst v4;
	v7 =	vld.idx.msk [tilespmem:v53+s10+$0x0], $0xffff  }
0x37e: {  	v63 =	vor.u32 $0x100, v0;
	v49 =	vld.idx.msk [tilespmem:v43+s10+$0x0], $0xffff;
	[tilespmem:s1+$0x1A800] =	vst v54  }
0x37f: {  	v52 =	vadd.s32 $0x9F00, v6;
	[tilespmem:s6+$0x1A800] =	vst v56;
	v5 =	vld.idx.msk [tilespmem:v55+s10+$0x0], $0xffff  }
0x380: {  	v21 =	vor.u32 $0x100, v1;
	v4 =	vld.idx.msk [tilespmem:v57+s10+$0x0], $0xffff;
	[tilespmem:s9+$0x1A800] =	vst v12  }
0x381: {  	[tilespmem:s30+$0x1B980] =	vst v58;
	v22 =	vor.u32 $0x100, v2;
	v12 =	vld.idx.msk [tilespmem:v59+s10+$0x0], $0xffff  }
0x382: {  	v24 =	vld.idx.msk [tilespmem:v61+s10+$0x0], $0xffff;
	v25 =	vor.u32 $0x100, v3;
	[tilespmem:s2+$0x1A880] =	vst v7  }
0x383: {  	v26 =	vadd.s32 $0x9E80, v9;
	[tilespmem:s28+$0x1BA80] =	vst v49;
	v27 =	vld.idx.msk [tilespmem:v63+s10+$0x0], $0xffff  }
0x384: {  	v28 =	vor.u32 $0x180, v0;
	v60 =	vld.idx.msk [tilespmem:v52+s10+$0x0], $0xffff;
	[tilespmem:s1+$0x1A880] =	vst v5  }
0x385: {  	v62 =	vadd.s32 $0x9F80, v6;
	[tilespmem:s6+$0x1A880] =	vst v4;
	v29 =	vld.idx.msk [tilespmem:v21+s10+$0x0], $0xffff  }
0x386: {  	v30 =	vor.u32 $0x180, v1;
	v10 =	vld.idx.msk [tilespmem:v22+s10+$0x0], $0xffff;
	[tilespmem:s9+$0x1A880] =	vst v12  }
0x387: {  	v31 =	vor.u32 $0x180, v2;
	[tilespmem:s30+$0x1BA00] =	vst v24;
	v32 =	vld.idx.msk [tilespmem:v25+s10+$0x0], $0xffff  }
0x388: {  	v34 =	vor.u32 $0x180, v3;
	v33 =	vld.idx.msk [tilespmem:v26+s10+$0x0], $0xffff;
	[tilespmem:s2+$0x1A900] =	vst v27  }
0x389: {  	v36 =	vor.u32 $0x200, v11;
	[tilespmem:s28+$0x1BB00] =	vst v60;
	v5 =	vld.idx.msk [tilespmem:v28+s10+$0x0], $0xffff  }
0x38a: {  	v37 =	vor.u32 $0x200, v0;
	v6 =	vld.idx.msk [tilespmem:v62+s10+$0x0], $0xffff;
	[tilespmem:s1+$0x1A900] =	vst v29  }
0x38b: {  	v35 =	vadd.s32 $0x9F00, v9;
	[tilespmem:s6+$0x1A900] =	vst v10;
	v4 =	vld.idx.msk [tilespmem:v30+s10+$0x0], $0xffff  }
0x38c: {  	v38 =	vor.u32 $0x200, v1;
	v12 =	vld.idx.msk [tilespmem:v31+s10+$0x0], $0xffff;
	[tilespmem:s9+$0x1A900] =	vst v32  }
0x38d: {  	v39 =	vor.u32 $0x200, v2;
	[tilespmem:s30+$0x1BA80] =	vst v33;
	v7 =	vld.idx.msk [tilespmem:v34+s10+$0x0], $0xffff  }
0x38e: {  	v15 =	vld.idx.msk [tilespmem:v36+s10+$0x0], $0xffff;
	v41 =	vor.u32 $0x200, v3;
	[tilespmem:s2+$0x1A980] =	vst v5  }
0x38f: {  	v43 =	vor.u32 $0x280, v11;
	[tilespmem:s28+$0x1BB80] =	vst v6;
	v16 =	vld.idx.msk [tilespmem:v37+s10+$0x0], $0xffff  }
0x390: {  	v44 =	vor.u32 $0x280, v0;
	v40 =	vld.idx.msk [tilespmem:v35+s10+$0x0], $0xffff;
	[tilespmem:s1+$0x1A980] =	vst v4  }
0x391: {  	v42 =	vadd.s32 $0x9F80, v9;
	[tilespmem:s6+$0x1A980] =	vst v12;
	v10 =	vld.idx.msk [tilespmem:v38+s10+$0x0], $0xffff  }
0x392: {  	v45 =	vor.u32 $0x280, v1;
	v6 =	vld.idx.msk [tilespmem:v39+s10+$0x0], $0xffff;
	[tilespmem:s9+$0x1A980] =	vst v7  }
0x393: {  	[tilespmem:s0+$0x1AA00] =	vst v15;
	v46 =	vor.u32 $0x280, v2;
	v47 =	vld.idx.msk [tilespmem:v41+s10+$0x0], $0xffff  }
0x394: {  	v48 =	vor.u32 $0x280, v3;
	v9 =	vld.idx.msk [tilespmem:v43+s10+$0x0], $0xffff;
	[tilespmem:s2+$0x1AA00] =	vst v16  }
0x395: {  	v49 =	vor.u32 $0x300, v11;
	[tilespmem:s30+$0x1BB00] =	vst v40;
	v4 =	vld.idx.msk [tilespmem:v44+s10+$0x0], $0xffff  }
0x396: {  	v50 =	vor.u32 $0x300, v0;
	v5 =	vld.idx.msk [tilespmem:v42+s10+$0x0], $0xffff;
	[tilespmem:s1+$0x1AA00] =	vst v10  }
0x397: {  	[tilespmem:s6+$0x1AA00] =	vst v6;
	v12 =	vld.idx.msk [tilespmem:v45+s10+$0x0], $0xffff  }
0x398: {  	v51 =	vor.u32 $0x300, v1;
	v7 =	vld.idx.msk [tilespmem:v46+s10+$0x0], $0xffff;
	[tilespmem:s9+$0x1AA00] =	vst v47  }
0x399: {  	v52 =	vor.u32 $0x300, v2;
	[tilespmem:s0+$0x1AA80] =	vst v9;
	v13 =	vld.idx.msk [tilespmem:v48+s10+$0x0], $0xffff  }
0x39a: {  	v53 =	vor.u32 $0x300, v3;
	v54 =	vld.idx.msk [tilespmem:v49+s10+$0x0], $0xffff;
	[tilespmem:s2+$0x1AA80] =	vst v4  }
0x39b: {  	v56 =	vor.u32 $0x380, v11;
	[tilespmem:s30+$0x1BB80] =	vst v5;
	v10 =	vld.idx.msk [tilespmem:v50+s10+$0x0], $0xffff  }
0x39c: {  	v57 =	vor.u32 $0x380, v0;
	[tilespmem:s1+$0x1AA80] =	vst v12  }
0x39d: {  	v55 =	vor.u32 $0x380, v8;
	[tilespmem:s6+$0x1AA80] =	vst v7;
	v6 =	vld.idx.msk [tilespmem:v51+s10+$0x0], $0xffff  }
0x39e: {  	v58 =	vor.u32 $0x380, v1;
	v5 =	vld.idx.msk [tilespmem:v52+s10+$0x0], $0xffff;
	[tilespmem:s9+$0x1AA80] =	vst v13  }
0x39f: {  	[tilespmem:s0+$0x1AB00] =	vst v54;
	v59 =	vor.u32 $0x380, v2;
	v9 =	vld.idx.msk [tilespmem:v53+s10+$0x0], $0xffff  }
0x3a0: {  	v60 =	vor.u32 $0x380, v3;
	[tilespmem:s2+$0x1AB00] =	vst v10;
	v12 =	vld.idx.msk [tilespmem:v56+s10+$0x0], $0xffff  }
0x3a1: {  	[tilespmem:s26+$0x1AB00] =	vst v20;
	v62 =	vadd.s32 $0x9C00, v11;
	v7 =	vld.idx.msk [tilespmem:v57+s10+$0x0], $0xffff  }
0x3a2: {  	v63 =	vadd.s32 $0x9C00, v0;
	v4 =	vld.idx.msk [tilespmem:v55+s10+$0x0], $0xffff;
	[tilespmem:s1+$0x1AB00] =	vst v6  }
0x3a3: {  	v61 =	vadd.s32 $0x9C00, v8;
	[tilespmem:s6+$0x1AB00] =	vst v5;
	v13 =	vld.idx.msk [tilespmem:v58+s10+$0x0], $0xffff  }
0x3a4: {  	v20 =	vadd.s32 $0x9C00, v1;
	v15 =	vld.idx.msk [tilespmem:v59+s10+$0x0], $0xffff;
	[tilespmem:s9+$0x1AB00] =	vst v9  }
0x3a5: {  	v21 =	vadd.s32 $0x9C00, v2;
	[tilespmem:s0+$0x1AB80] =	vst v12;
	v14 =	vld.idx.msk [tilespmem:v60+s10+$0x0], $0xffff  }
0x3a6: {  	v22 =	vadd.s32 $0x9C00, v3;
	[tilespmem:s2+$0x1AB80] =	vst v7;
	v6 =	vld.idx.msk [tilespmem:v62+s10+$0x0], $0xffff  }
0x3a7: {  	v24 =	vadd.s32 $0x9C80, v11;
	[tilespmem:s26+$0x1AB80] =	vst v4;
	v5 =	vld.idx.msk [tilespmem:v63+s10+$0x0], $0xffff  }
0x3a8: {  	v25 =	vadd.s32 $0x9C80, v0;
	v10 =	vld.idx.msk [tilespmem:v61+s10+$0x0], $0xffff;
	[tilespmem:s1+$0x1AB80] =	vst v13  }
0x3a9: {  	v23 =	vadd.s32 $0x9C80, v8;
	[tilespmem:s6+$0x1AB80] =	vst v15;
	v9 =	vld.idx.msk [tilespmem:v20+s10+$0x0], $0xffff  }
0x3aa: {  	v26 =	vadd.s32 $0x9C80, v1;
	v4 =	vld.idx.msk [tilespmem:v21+s10+$0x0], $0xffff;
	[tilespmem:s9+$0x1AB80] =	vst v14  }
0x3ab: {  	v27 =	vadd.s32 $0x9C80, v2;
	[tilespmem:s0+$0x1B800] =	vst v6;
	v12 =	vld.idx.msk [tilespmem:v22+s10+$0x0], $0xffff  }
0x3ac: {  	v29 =	vadd.s32 $0x9C80, v3;
	[tilespmem:s2+$0x1B800] =	vst v5;
	v7 =	vld.idx.msk [tilespmem:v24+s10+$0x0], $0xffff  }
0x3ad: {  	v31 =	vadd.s32 $0x9D00, v11;
	[tilespmem:s26+$0x1B800] =	vst v10;
	v13 =	vld.idx.msk [tilespmem:v25+s10+$0x0], $0xffff  }
0x3ae: {  	v32 =	vadd.s32 $0x9D00, v0;
	v28 =	vld.idx.msk [tilespmem:v23+s10+$0x0], $0xffff;
	[tilespmem:s1+$0x1B800] =	vst v9  }
0x3af: {  	v30 =	vadd.s32 $0x9D00, v8;
	[tilespmem:s6+$0x1B800] =	vst v4;
	v15 =	vld.idx.msk [tilespmem:v26+s10+$0x0], $0xffff  }
0x3b0: {  	v33 =	vadd.s32 $0x9D00, v1;
	v10 =	vld.idx.msk [tilespmem:v27+s10+$0x0], $0xffff;
	[tilespmem:s9+$0x1B800] =	vst v12  }
0x3b1: {  	v34 =	vadd.s32 $0x9D00, v2;
	[tilespmem:s0+$0x1B880] =	vst v7;
	v6 =	vld.idx.msk [tilespmem:v29+s10+$0x0], $0xffff  }
0x3b2: {  	v35 =	vadd.s32 $0x9D00, v3;
	[tilespmem:s2+$0x1B880] =	vst v13;
	v5 =	vld.idx.msk [tilespmem:v31+s10+$0x0], $0xffff  }
0x3b3: {  	v37 =	vadd.s32 $0x9D80, v11;
	[tilespmem:s26+$0x1B880] =	vst v28;
	v9 =	vld.idx.msk [tilespmem:v32+s10+$0x0], $0xffff  }
0x3b4: {  	v38 =	vadd.s32 $0x9D80, v0;
	v14 =	vld.idx.msk [tilespmem:v30+s10+$0x0], $0xffff;
	[tilespmem:s1+$0x1B880] =	vst v15  }
0x3b5: {  	v36 =	vadd.s32 $0x9D80, v8;
	[tilespmem:s6+$0x1B880] =	vst v10;
	v4 =	vld.idx.msk [tilespmem:v33+s10+$0x0], $0xffff  }
0x3b6: {  	v39 =	vadd.s32 $0x9D80, v1;
	v12 =	vld.idx.msk [tilespmem:v34+s10+$0x0], $0xffff;
	[tilespmem:s9+$0x1B880] =	vst v6  }
0x3b7: {  	v40 =	vadd.s32 $0x9D80, v2;
	[tilespmem:s0+$0x1B900] =	vst v5;
	v7 =	vld.idx.msk [tilespmem:v35+s10+$0x0], $0xffff  }
0x3b8: {  	v41 =	vadd.s32 $0x9D80, v3;
	[tilespmem:s2+$0x1B900] =	vst v9;
	v13 =	vld.idx.msk [tilespmem:v37+s10+$0x0], $0xffff  }
0x3b9: {  	v43 =	vadd.s32 $0x9E00, v11;
	[tilespmem:s26+$0x1B900] =	vst v14;
	v15 =	vld.idx.msk [tilespmem:v38+s10+$0x0], $0xffff  }
0x3ba: {  	v44 =	vadd.s32 $0x9E00, v0;
	v14 =	vld.idx.msk [tilespmem:v36+s10+$0x0], $0xffff;
	[tilespmem:s1+$0x1B900] =	vst v4  }
0x3bb: {  	v42 =	vadd.s32 $0x9E00, v8;
	[tilespmem:s6+$0x1B900] =	vst v12;
	v10 =	vld.idx.msk [tilespmem:v39+s10+$0x0], $0xffff  }
0x3bc: {  	v45 =	vadd.s32 $0x9E00, v1;
	v6 =	vld.idx.msk [tilespmem:v40+s10+$0x0], $0xffff;
	[tilespmem:s9+$0x1B900] =	vst v7  }
0x3bd: {  	v46 =	vadd.s32 $0x9E00, v2;
	[tilespmem:s0+$0x1B980] =	vst v13;
	v5 =	vld.idx.msk [tilespmem:v41+s10+$0x0], $0xffff  }
0x3be: {  	v47 =	vadd.s32 $0x9E00, v3;
	[tilespmem:s2+$0x1B980] =	vst v15;
	v9 =	vld.idx.msk [tilespmem:v43+s10+$0x0], $0xffff  }
0x3bf: {  	v49 =	vadd.s32 $0x9E80, v11;
	[tilespmem:s26+$0x1B980] =	vst v14;
	v4 =	vld.idx.msk [tilespmem:v44+s10+$0x0], $0xffff  }
0x3c0: {  	v50 =	vadd.s32 $0x9E80, v0;
	v14 =	vld.idx.msk [tilespmem:v42+s10+$0x0], $0xffff;
	[tilespmem:s1+$0x1B980] =	vst v10  }
0x3c1: {  	v48 =	vadd.s32 $0x9E80, v8;
	[tilespmem:s6+$0x1B980] =	vst v6;
	v12 =	vld.idx.msk [tilespmem:v45+s10+$0x0], $0xffff  }
0x3c2: {  	v51 =	vadd.s32 $0x9E80, v1;
	v7 =	vld.idx.msk [tilespmem:v46+s10+$0x0], $0xffff;
	[tilespmem:s9+$0x1B980] =	vst v5  }
0x3c3: {  	v52 =	vadd.s32 $0x9E80, v2;
	[tilespmem:s0+$0x1BA00] =	vst v9;
	v13 =	vld.idx.msk [tilespmem:v47+s10+$0x0], $0xffff  }
0x3c4: {  	v53 =	vadd.s32 $0x9E80, v3;
	[tilespmem:s2+$0x1BA00] =	vst v4;
	v15 =	vld.idx.msk [tilespmem:v49+s10+$0x0], $0xffff  }
0x3c5: {  	v55 =	vadd.s32 $0x9F00, v11;
	[tilespmem:s26+$0x1BA00] =	vst v14;
	v10 =	vld.idx.msk [tilespmem:v50+s10+$0x0], $0xffff  }
0x3c6: {  	v56 =	vadd.s32 $0x9F00, v0;
	v14 =	vld.idx.msk [tilespmem:v48+s10+$0x0], $0xffff;
	[tilespmem:s1+$0x1BA00] =	vst v12  }
0x3c7: {  	v54 =	vadd.s32 $0x9F00, v8;
	[tilespmem:s6+$0x1BA00] =	vst v7;
	v6 =	vld.idx.msk [tilespmem:v51+s10+$0x0], $0xffff  }
0x3c8: {  	v57 =	vadd.s32 $0x9F00, v1;
	v5 =	vld.idx.msk [tilespmem:v52+s10+$0x0], $0xffff;
	[tilespmem:s9+$0x1BA00] =	vst v13  }
0x3c9: {  	v58 =	vadd.s32 $0x9F00, v2;
	[tilespmem:s0+$0x1BA80] =	vst v15;
	v9 =	vld.idx.msk [tilespmem:v53+s10+$0x0], $0xffff  }
0x3ca: {  	v59 =	vadd.s32 $0x9F00, v3;
	[tilespmem:s2+$0x1BA80] =	vst v10;
	v4 =	vld.idx.msk [tilespmem:v55+s10+$0x0], $0xffff  }
0x3cb: {  	v61 =	vadd.s32 $0x9F80, v11;
	[tilespmem:s26+$0x1BA80] =	vst v14;
	v62 =	vld.idx.msk [tilespmem:v56+s10+$0x0], $0xffff  }
0x3cc: {  	v0 =	vadd.s32 $0x9F80, v0;
	v14 =	vld.idx.msk [tilespmem:v54+s10+$0x0], $0xffff;
	[tilespmem:s1+$0x1BA80] =	vst v6  }
0x3cd: {  	v60 =	vadd.s32 $0x9F80, v8;
	[tilespmem:s6+$0x1BA80] =	vst v5;
	v6 =	vld.idx.msk [tilespmem:v57+s10+$0x0], $0xffff  }
0x3ce: {  	v1 =	vadd.s32 $0x9F80, v1;
	v5 =	vld.idx.msk [tilespmem:v58+s10+$0x0], $0xffff;
	[tilespmem:s9+$0x1BA80] =	vst v9  }
0x3cf: {  	v2 =	vadd.s32 $0x9F80, v2;
	[tilespmem:s0+$0x1BB00] =	vst v4;
	v63 =	vld.idx.msk [tilespmem:v59+s10+$0x0], $0xffff  }
0x3d0: {  	v3 =	vadd.s32 $0x9F80, v3;
	[tilespmem:s2+$0x1BB00] =	vst v62;
	v4 =	vld.idx.msk [tilespmem:v61+s10+$0x0], $0xffff  }
0x3d1: {  	[tilespmem:s26+$0x1BB00] =	vst v14;
	v0 =	vld.idx.msk [tilespmem:v0+s10+$0x0], $0xffff  }
0x3d2: {  	v8 =	vld.idx.msk [tilespmem:v60+s10+$0x0], $0xffff;
	[tilespmem:s1+$0x1BB00] =	vst v6  }
0x3d3: {  	[tilespmem:s6+$0x1BB00] =	vst v5;
	v1 =	vld.idx.msk [tilespmem:v1+s10+$0x0], $0xffff  }
0x3d4: {  	v2 =	vld.idx.msk [tilespmem:v2+s10+$0x0], $0xffff;
	[tilespmem:s9+$0x1BB00] =	vst v63  }
0x3d5: {  	[tilespmem:s0+$0x1BB80] =	vst v4;
	v3 =	vld.idx.msk [tilespmem:v3+s10+$0x0], $0xffff  }
0x3d6: {  	[tilespmem:s2+$0x1BB80] =	vst v0  }
0x3d7: {  	[tilespmem:s26+$0x1BB80] =	vst v8  }
0x3d8: {  	[tilespmem:s1+$0x1BB80] =	vst v1  }
0x3d9: {  	[tilespmem:s6+$0x1BB80] =	vst v2  }
0x3da: {  	s17 =	sadd.s32 s24, s8;
	s18 =	simm.s32 $0x18800;
	[tilespmem:s9+$0x1BB80] =	vst v3  }
0x3db: {  	[hbm4b:s17+s12] =	stream.strided.scatter [tilespmem:s18], [sflag:$0x3], $0x400, s13, s12, $0x38;
	[tilespmem:$0x1C800] =	vst v63  }
0x3dc: {  	s24 =	sadd.s32 $0x80, s17;
	s26 =	simm.s32 $0x18C00  }
0x3dd: {  	[hbm4b:s24+s12] =	stream.strided.scatter [tilespmem:s26], [sflag:$0x3], $0x400, s13, s12, $0x38;
	[tilespmem:$0x1C800] =	vst v63  }
0x3de: {  	s29 =	simm.s32 $0x19000;
	s28 =	sadd.s32 $0x100, s17  }
0x3df: {  	[hbm4b:s28+s12] =	stream.strided.scatter [tilespmem:s29], [sflag:$0x3], $0x400, s13, s12, $0x38;
	[tilespmem:$0x1C800] =	vst v63  }
0x3e0: {  	s31 =	simm.s32 $0x19400;
	s30 =	sadd.s32 $0x180, s17  }
0x3e1: {  	[hbm4b:s30+s12] =	stream.strided.scatter [tilespmem:s31], [sflag:$0x3], $0x400, s13, s12, $0x38;
	[tilespmem:$0x1C800] =	vst v63  }
0x3e2: {  	s0 =	sadd.s32 $0x100000, s17;
	s2 =	simm.s32 $0x19800  }
0x3e3: {  	[hbm4b:s0+s12] =	stream.strided.scatter [tilespmem:s2], [sflag:$0x3], $0x400, s13, s12, $0x38;
	[tilespmem:$0x1C800] =	vst v63  }
0x3e4: {  	s6 =	sadd.s32 $0x80, s0;
	s9 =	simm.s32 $0x19C00  }
0x3e5: {  	[hbm4b:s6+s12] =	stream.strided.scatter [tilespmem:s9], [sflag:$0x3], $0x400, s13, s12, $0x38;
	[tilespmem:$0x1C800] =	vst v63  }
0x3e6: {  	s14 =	simm.s32 $0x1A000;
	s11 =	sadd.s32 $0x100, s0  }
0x3e7: {  	[hbm4b:s11+s12] =	stream.strided.scatter [tilespmem:s14], [sflag:$0x3], $0x400, s13, s12, $0x38;
	[tilespmem:$0x1C800] =	vst v63  }
0x3e8: {  	s15 =	simm.s32 $0x1A400;
	s0 =	sadd.s32 $0x180, s0  }
0x3e9: {  	[hbm4b:s0+s12] =	stream.strided.scatter [tilespmem:s15], [sflag:$0x3], $0x400, s13, s12, $0x38;
	[tilespmem:$0x1C800] =	vst v63  }
0x3ea: {  	s16 =	sadd.s32 s25, s8;
	s17 =	simm.s32 $0x1A800  }
0x3eb: {  	[hbm4b:s16+s12] =	stream.strided.scatter [tilespmem:s17], [sflag:$0x4], $0x400, s13, s12, $0x38;
	[tilespmem:$0x1C800] =	vst v63  }
0x3ec: {  	s18 =	sadd.s32 $0x80, s16;
	s24 =	simm.s32 $0x1AC00  }
0x3ed: {  	[hbm4b:s18+s12] =	stream.strided.scatter [tilespmem:s24], [sflag:$0x4], $0x400, s13, s12, $0x38;
	[tilespmem:$0x1C800] =	vst v63  }
0x3ee: {  	s25 =	sadd.s32 $0x100, s16;
	s26 =	simm.s32 $0x1B000  }
0x3ef: {  	[hbm4b:s25+s12] =	stream.strided.scatter [tilespmem:s26], [sflag:$0x4], $0x400, s13, s12, $0x38;
	[tilespmem:$0x1C800] =	vst v63  }
0x3f0: {  	s28 =	sadd.s32 $0x180, s16;
	s29 =	simm.s32 $0x1B400  }
0x3f1: {  	[hbm4b:s28+s12] =	stream.strided.scatter [tilespmem:s29], [sflag:$0x4], $0x400, s13, s12, $0x38;
	[tilespmem:$0x1C800] =	vst v63  }
0x3f2: {  	s23 =	sadd.s32 $0x1, s23;
	s0 =	sadd.s32 $0x100000, s16  }
0x3f3: {  	[hbm4b:s0+s12] =	stream.strided.scatter [tilespmem:s19], [sflag:$0x4], $0x400, s13, s12, $0x38;
	[tilespmem:$0x1C800] =	vst v63  }
0x3f4: {  	p0 =	sne.s32 s23, $0x40;
	s30 =	sadd.s32 $0x80, s0  }
0x3f5: {  	[hbm4b:s30+s12] =	stream.strided.scatter [tilespmem:s20], [sflag:$0x4], $0x400, s13, s12, $0x38;
	[tilespmem:$0x1C800] =	vst v63  }
.Ltmp2:
0x3f6: {  	_ = 	snop;
	(pc) =	sbr.rel @p0 .LBB2_2-.Ltmp2, $4  }
0x3f7: {  	s31 =	sadd.s32 $0x100, s0  }
0x3f8: {  	[hbm4b:s31+s12] =	stream.strided.scatter [tilespmem:s21], [sflag:$0x4], $0x400, s13, s12, $0x38;
	[tilespmem:$0x1C800] =	vst v63  }
0x3f9: {  	s0 =	sadd.s32 $0x180, s0  }
0x3fa: {  	[hbm4b:s0+s12] =	stream.strided.scatter [tilespmem:s22], [sflag:$0x4], $0x400, s13, s12, $0x38;
	[tilespmem:$0x1C800] =	vst v63  }
0x3fb: {  	s0 =	simm.s32 $0x1  }
0x3fc: {  	_ =	swait.ge [sflag:s0], $0x2000  }
0x3fd: {  	[sflag:s0] =	ssyncset.done $0x0  }
0x3fe: {  	s29 =	simm.s32 $0x2;
	[sflag:s0] =	ssyncadd.s32 $0xFFFFE000  }
0x3ff: {  	_ =	swait.ge [sflag:s29], $0x2000  }
0x400: {  	[sflag:s29] =	ssyncset.done $0x0  }
0x401: {  	s30 =	simm.s32 $0x3;
	[sflag:s29] =	ssyncadd.s32 $0xFFFFE000  }
0x402: {  	_ =	swait.ge [sflag:s30], $0x2000  }
0x403: {  	[sflag:s30] =	ssyncset.done $0x0  }
0x404: {  	s1 =	simm.s32 $0x4;
	[sflag:s30] =	ssyncadd.s32 $0xFFFFE000  }
0x405: {  	_ =	swait.ge [sflag:s1], $0x2000  }
0x406: {  	s2 =	rddreg [dreg:$0x6]  }
0x407: {  	s31 =	rddreg [dreg:$0x5];
	s2 =	sadd.s32 $0x1, s2  }
0x408: {  	p0 =	sne.s32 s2, s31  }
.Ltmp3:
0x409: {  	_ = 	snop;
	(pc) =	sbr.rel @p0 .LBB2_1-.Ltmp3, $3  }
0x40a: {  	_ =	sdelay $0x1  }
0x40b: {  	[sflag:s1] =	ssyncset.done $0x0  }
0x40c: {  	[sflag:s1] =	ssyncadd.s32 $0xFFFFE000  }
0x40d: {  	_ =	sfence.sel $0x180000  }
0x40e: {  	[bflag:$0x0] =	sbarrier.arrive $0xFFFF  }
0x40f: {  	_ =	strace $0x90000047  }
0x410: {  	s0 =	stileid.u32;
	[bflag:$0x2] =	sbarrier.arrive $0xFFFF  }
0x411: {  	p0 =	sne.s32 s0, $0x0;
	s0 =	rddreg [dreg:$0x3]  }
0x412: {  	s0 =	sadd.s32 @!p0 $0x100000, s0  }
0x413: {  	[sflag:s0] =	ssyncadd.tile.s32 @!p0 $0x1;
	_ =	shalt  }
.Lfunc_end2:
_tile_overlayer_lowered:
.L_overlay_start_2:
0x414: {  	(tag) =	ssettag $0x2  }
0x415: {  	s0 =	rddreg [dreg:$0x0];
	s2 =	stileid.u32  }
0x416: {  	s1 =	rddreg [dreg:$0x1];
	p0 =	sne.s32 s2, $0x0  }
0x417: {  	s3 =	rddreg [dreg:$0x2];
	[bflag:$0x3] =	sbarrier.arrive $0xFFFF;
	s2 =	simm.s32 @!p0 $0x1C05  }
0x418: {  	[timem:s3], [sflag:s2] =	dma.local @!p0 [hbm:s0], s1  }
0x419: {  	s0 =	simm.s32 @!p0 $0x5  }
0x41a: {  	_ =	swait.ge @!p0 [sflag:s0], s1  }
0x41b: {  	s1 =	ssub.s32 @!p0 $0x0, s1;
	[sflag:s0] =	ssyncset.done @!p0 $0x0  }
0x41c: {  	[sflag:s0] =	ssyncadd.s32 @!p0 s1  }
0x41d: {  	[bflag:$0x3] =	sbarrier.arrive $0xFFFF  }
0x41e: {  	_ =	shalt  }

</sc_bundles>
